<compile_context>
chip_gen: v7x
topology: tpu7x:2x2x1
jax: 0.10.2.dev20260603
libtpu: 0.0.44.dev20260713+nightly
codegen_flags: <defaults>
</compile_context>

<pallas_src>
import functools

import jax
import jax.numpy as jnp
from jax import lax
from jax.experimental import pallas as pl
from jax.experimental.pallas import tpu as pltpu
from jax.experimental.pallas import tpu_sc as plsc

N = 10000
E = 320000
D_IN = 128
D_OUT = 40
D_OUT_PAD = 48

NC = 2
NS = 16
NW = NC * NS
CH = 125
NCHUNK = 80
EPW = CH * NCHUNK
N_TAB = 10240
ZROWS = N_TAB // NS

_MESH = dict(core_axis_name="c", subcore_axis_name="s")
_NBUF = 5


def _edge_pipeline(tab, src_v, dst_v, acc, bufs, gsems, ssems, nchunk):
  for k in range(_NBUF - 1):
    pltpu.async_copy(tab.at[src_v.at[k]], bufs[k], gsems[k])

  def body(i, _):
    for k in range(_NBUF):
      j = _NBUF * i + k
      kn = (k + _NBUF - 1) % _NBUF
      pltpu.make_async_copy(tab.at[src_v.at[j]], bufs[k], gsems[k]).wait()
      pltpu.async_copy(bufs[k], acc.at[dst_v.at[j]], ssems[k], add=True)

      @pl.when(j >= 1)
      def _():
        pltpu.make_async_copy(bufs[kn], acc.at[dst_v.at[j - 1]],
                              ssems[kn]).wait()

      @pl.when(j + _NBUF - 1 < nchunk)
      def _():
        pltpu.async_copy(tab.at[src_v.at[j + _NBUF - 1]], bufs[kn], gsems[kn])

    return 0

  lax.fori_loop(0, nchunk // _NBUF, body, 0)
  pltpu.make_async_copy(bufs[_NBUF - 1], acc.at[dst_v.at[nchunk - 1]],
                        ssems[_NBUF - 1]).wait()


def _make_agg(d):

  @functools.partial(
      pl.kernel,
      out_type=jax.ShapeDtypeStruct((NC, N_TAB, d), jnp.float32),
      mesh=plsc.VectorSubcoreMesh(**_MESH),
      compiler_params=pltpu.CompilerParams(use_tc_tiling_on_sc=False),
      scratch_types=(
          [pltpu.VMEM((NCHUNK, CH), jnp.int32)] * 2
          + [pltpu.VMEM((CH, d), jnp.float32)] * _NBUF
          + [pltpu.SemaphoreType.DMA] * (2 * _NBUF)
          + [pltpu.VMEM_SHARED((N_TAB, d), jnp.float32)]
      ),
  )
  def agg(tab_hbm, srcr_hbm, dstr_hbm, zer_hbm, out_hbm,
          src_v, dst_v, *rest):
    bufs, sems, acc = rest[:_NBUF], rest[_NBUF:3 * _NBUF], rest[-1]
    gsems, ssems = sems[:_NBUF], sems[_NBUF:]
    cid = lax.axis_index("c")
    sid = lax.axis_index("s")
    pltpu.sync_copy(srcr_hbm.at[sid, pl.ds(cid * NCHUNK, NCHUNK)], src_v)
    pltpu.sync_copy(dstr_hbm.at[sid, pl.ds(cid * NCHUNK, NCHUNK)], dst_v)
    pltpu.sync_copy(zer_hbm, acc.at[pl.ds(sid * ZROWS, ZROWS)])
    plsc.subcore_barrier()
    _edge_pipeline(tab_hbm, src_v, dst_v, acc, bufs, gsems, ssems, NCHUNK)
    plsc.subcore_barrier()
    pltpu.sync_copy(acc.at[pl.ds(sid * ZROWS, ZROWS)],
                    out_hbm.at[cid, pl.ds(sid * ZROWS, ZROWS)])

  return agg


NCHUNK2 = NCHUNK * NC
DH = D_IN // 2


@functools.partial(
    pl.kernel,
    out_type=jax.ShapeDtypeStruct((NC, N_TAB, DH), jnp.float32),
    mesh=plsc.VectorSubcoreMesh(**_MESH),
    compiler_params=pltpu.CompilerParams(use_tc_tiling_on_sc=False),
    scratch_types=(
        [pltpu.VMEM((NCHUNK2, CH), jnp.int32)] * 2
        + [pltpu.VMEM((CH, DH), jnp.float32)] * _NBUF
        + [pltpu.SemaphoreType.DMA] * (2 * _NBUF)
        + [pltpu.VMEM_SHARED((N_TAB, DH), jnp.float32)]
    ),
)
def _agg_split(tab_hbm, srcr_hbm, dstr_hbm, zer_hbm, out_hbm,
               src_v, dst_v, *rest):
  bufs, sems, acc = rest[:_NBUF], rest[_NBUF:3 * _NBUF], rest[-1]
  gsems, ssems = sems[:_NBUF], sems[_NBUF:]
  cid = lax.axis_index("c")
  sid = lax.axis_index("s")
  tab = tab_hbm.at[cid]
  pltpu.sync_copy(srcr_hbm.at[sid], src_v)
  pltpu.sync_copy(dstr_hbm.at[sid], dst_v)
  pltpu.sync_copy(zer_hbm, acc.at[pl.ds(sid * ZROWS, ZROWS)])
  plsc.subcore_barrier()
  _edge_pipeline(tab, src_v, dst_v, acc, bufs, gsems, ssems, NCHUNK2)
  plsc.subcore_barrier()
  pltpu.sync_copy(acc.at[pl.ds(sid * ZROWS, ZROWS)],
                  out_hbm.at[cid, pl.ds(sid * ZROWS, ZROWS)])


@functools.partial(
    pl.kernel,
    out_type=jax.ShapeDtypeStruct((NC, N_TAB, 8), jnp.float32),
    mesh=plsc.VectorSubcoreMesh(**_MESH),
    compiler_params=pltpu.CompilerParams(use_tc_tiling_on_sc=False),
    scratch_types=(
        [pltpu.VMEM((NCHUNK, CH), jnp.int32),
         pltpu.VMEM((CH, 8), jnp.float32)]
        + [pltpu.SemaphoreType.DMA] * _NBUF
        + [pltpu.VMEM_SHARED((N_TAB, 8), jnp.float32)]
    ),
)
def _deg(dstr_hbm, ones_hbm, zer_hbm, out_hbm, dst_v, ones_v, *rest):
  ssems, acc = rest[:_NBUF], rest[-1]
  cid = lax.axis_index("c")
  sid = lax.axis_index("s")
  pltpu.sync_copy(dstr_hbm.at[sid, pl.ds(cid * NCHUNK, NCHUNK)], dst_v)
  pltpu.sync_copy(ones_hbm, ones_v)
  pltpu.sync_copy(zer_hbm, acc.at[pl.ds(sid * ZROWS, ZROWS)])
  plsc.subcore_barrier()

  def body(i, _):
    for k in range(_NBUF):
      j = _NBUF * i + k
      pltpu.async_copy(ones_v, acc.at[dst_v.at[j]], ssems[k], add=True)

      @pl.when(j >= _NBUF - 1)
      def _():
        kp = (k + 1) % _NBUF
        pltpu.make_async_copy(ones_v, acc.at[dst_v.at[j - _NBUF + 1]],
                              ssems[kp]).wait()

    return 0

  lax.fori_loop(0, NCHUNK // _NBUF, body, 0)
  for k in range(_NBUF - 1):
    pltpu.make_async_copy(ones_v, acc.at[dst_v.at[NCHUNK - _NBUF + 1 + k]],
                          ssems[(k + 1) % _NBUF]).wait()
  plsc.subcore_barrier()
  pltpu.sync_copy(acc.at[pl.ds(sid * ZROWS, ZROWS)],
                  out_hbm.at[cid, pl.ds(sid * ZROWS, ZROWS)])


_R = 2000


def _dinv_of(degp):
  deg = degp[0, :, 0] + degp[1, :, 0] + 1.0
  return lax.rsqrt(deg)


def _mm1_body(degp_ref, x_ref, w_ref, hs_ref):
  dinv = _dinv_of(degp_ref[...])
  h = jnp.dot(x_ref[...], w_ref[...], preferred_element_type=jnp.float32)
  hs = h * dinv[:, None]
  hs_ref[...] = jnp.stack([hs[:, :DH], hs[:, DH:]])


def _comb1_body(degp_ref, p_ref, hs_ref, b1_ref, w2_ref, gs_ref):
  dinv = _dinv_of(degp_ref[...])
  p = p_ref[...]
  hsp = hs_ref[...]
  agg = jnp.concatenate([p[0] + hsp[0], p[1] + hsp[1]], axis=1)
  s = agg * dinv[:, None] + b1_ref[...]
  h1 = jnp.maximum(s, 0.0)
  gs_ref[...] = jnp.dot(h1, w2_ref[...],
                        preferred_element_type=jnp.float32) * dinv[:, None]


def _final_body(degp_ref, q_ref, gs_ref, b2_ref, o_ref):
  dinv = _dinv_of(degp_ref[...])
  q = q_ref[...]
  z = (q[0] + q[1] + gs_ref[...]) * dinv[:, None] + b2_ref[...]
  z = z[:, :D_OUT]
  m = jnp.max(z, axis=1, keepdims=True)
  lse = jnp.log(jnp.sum(jnp.exp(z - m), axis=1, keepdims=True)) + m
  o_ref[...] = z - lse


def _degp_spec():
  return pl.BlockSpec((NC, _R, 8), lambda i: (0, i, 0))


_mm1 = pl.pallas_call(
    _mm1_body,
    grid=(N // _R,),
    in_specs=[
        _degp_spec(),
        pl.BlockSpec((_R, D_IN), lambda i: (i, 0)),
        pl.BlockSpec((D_IN, D_IN), lambda i: (0, 0)),
    ],
    out_specs=pl.BlockSpec((NC, _R, DH), lambda i: (0, i, 0)),
    out_shape=jax.ShapeDtypeStruct((NC, N, DH), jnp.float32),
)

_comb1 = pl.pallas_call(
    _comb1_body,
    grid=(N // _R,),
    in_specs=[
        _degp_spec(),
        pl.BlockSpec((NC, _R, DH), lambda i: (0, i, 0)),
        pl.BlockSpec((NC, _R, DH), lambda i: (0, i, 0)),
        pl.BlockSpec((1, D_IN), lambda i: (0, 0)),
        pl.BlockSpec((D_IN, D_OUT_PAD), lambda i: (0, 0)),
    ],
    out_specs=pl.BlockSpec((_R, D_OUT_PAD), lambda i: (i, 0)),
    out_shape=jax.ShapeDtypeStruct((N, D_OUT_PAD), jnp.float32),
)

_final = pl.pallas_call(
    _final_body,
    grid=(N // _R,),
    in_specs=[
        _degp_spec(),
        pl.BlockSpec((NC, _R, D_OUT_PAD), lambda i: (0, i, 0)),
        pl.BlockSpec((_R, D_OUT_PAD), lambda i: (i, 0)),
        pl.BlockSpec((1, D_OUT_PAD), lambda i: (0, 0)),
    ],
    out_specs=pl.BlockSpec((_R, D_OUT), lambda i: (i, 0)),
    out_shape=jax.ShapeDtypeStruct((N, D_OUT), jnp.float32),
)

_agg48 = _make_agg(D_OUT_PAD)


def kernel(x, edge, W1, b1, W2, b2):
  srcr2 = edge[0].reshape(NS, NCHUNK2, CH)
  dstr2 = edge[1].reshape(NS, NCHUNK2, CH)
  zer64 = jnp.zeros((ZROWS, DH), jnp.float32)
  zer48 = jnp.zeros((ZROWS, D_OUT_PAD), jnp.float32)
  zer8 = jnp.zeros((ZROWS, 8), jnp.float32)
  ones8 = jnp.ones((CH, 8), jnp.float32)
  w2p = jnp.pad(W2, ((0, 0), (0, D_OUT_PAD - D_OUT)))
  b1r = b1.reshape(1, D_IN)
  b2r = jnp.pad(b2, (0, D_OUT_PAD - D_OUT)).reshape(1, D_OUT_PAD)

  degp = _deg(dstr2, ones8, zer8)
  hsp = _mm1(degp, x, W1)
  p1 = _agg_split(hsp, srcr2, dstr2, zer64)
  gs = _comb1(degp, p1, hsp, b1r, w2p)
  p2 = _agg48(gs, srcr2, dstr2, zer48)
  return _final(degp, p2, gs, b2r)

# --- scband reference (transcript-rebuilt; emitter-appended) ---
"""Pipeline reference for scband-gcn-69956427317969 (READ-ONLY COPY).

The authoritative reference and input builder live on the scoring server;
editing this copy changes nothing except your own understanding.
"""

import jax, jax.numpy as jnp
import numpy as np

N = 10000
E = 320000
D_IN = 128
D_OUT = 40


def setup_inputs(seed: int = 0) -> dict:
    key = jax.random.key(seed)
    k1, k2, k3, k4, k5, k6 = jax.random.split(key, 6)
    x = jax.random.normal(k1, (N, D_IN), dtype=jnp.float32)
    edge = jax.random.randint(k2, (2, E), 0, N, dtype=jnp.int32)
    s1 = 1.0 / np.sqrt(D_IN)
    W1 = jax.random.uniform(k3, (D_IN, D_IN), dtype=jnp.float32, minval=-s1, maxval=s1)
    b1 = jnp.zeros((D_IN,), dtype=jnp.float32)
    W2 = jax.random.uniform(k4, (D_IN, D_OUT), dtype=jnp.float32, minval=-s1, maxval=s1)
    b2 = jnp.zeros((D_OUT,), dtype=jnp.float32)
    return {"x": x, "edge": edge, "W1": W1, "b1": b1, "W2": W2, "b2": b2}


def _gcn_conv(x, edge, W, b):
    # GCNConv with added self-loops and symmetric normalization D^-1/2 A D^-1/2
    n = x.shape[0]
    loops = jnp.arange(n, dtype=edge.dtype)
    src = jnp.concatenate([edge[0], loops])
    dst = jnp.concatenate([edge[1], loops])
    deg = jnp.zeros((n,), dtype=x.dtype).at[dst].add(1.0)
    dinv = jnp.where(deg > 0, 1.0 / jnp.sqrt(deg), 0.0)
    norm = dinv[src] * dinv[dst]
    h = x @ W
    msg = jnp.take(h, src, axis=0) * norm[:, None]
    out = jnp.zeros((n, W.shape[1]), dtype=x.dtype).at[dst].add(msg)
    return out + b


def reference(x, edge, W1, b1, W2, b2):
    h = _gcn_conv(x, edge, W1, b1)
    h = jax.nn.relu(h)
    # F.dropout(x, training=self.training): identity in eval mode
    h = _gcn_conv(h, edge, W2, b2)
    return jax.nn.log_softmax(h, axis=1)

if __name__ == "__main__":
    import jax
    _d = setup_inputs()
    print(jax.jit(kernel)(*tuple(_d.values())))

</pallas_src>

<mosaic_0001>
#map = affine_map<(d0, d1) -> (0, 0, 0)>
#map1 = affine_map<(d0, d1) -> (0, 0)>
module attributes {stable_mosaic.version = 14 : i64} {
  func.func @_agg_split(%arg0: i32, %arg1: i32, %arg2: memref<2x10000x64xf32, #tpu.memory_space<hbm>>, %arg3: memref<16x160x125xi32, #tpu.memory_space<hbm>>, %arg4: memref<16x160x125xi32, #tpu.memory_space<hbm>>, %arg5: memref<640x64xf32, #tpu.memory_space<hbm>>, %arg6: memref<2x10240x64xf32, #tpu.memory_space<hbm>>, %arg7: memref<160x125xi32, #tpu.memory_space<vmem>>, %arg8: memref<160x125xi32, #tpu.memory_space<vmem>>, %arg9: memref<125x64xf32, #tpu.memory_space<vmem>>, %arg10: memref<125x64xf32, #tpu.memory_space<vmem>>, %arg11: memref<125x64xf32, #tpu.memory_space<vmem>>, %arg12: memref<125x64xf32, #tpu.memory_space<vmem>>, %arg13: memref<125x64xf32, #tpu.memory_space<vmem>>, %arg14: memref<!tpu.dma_semaphore, #tpu.memory_space<semaphore_mem>>, %arg15: memref<!tpu.dma_semaphore, #tpu.memory_space<semaphore_mem>>, %arg16: memref<!tpu.dma_semaphore, #tpu.memory_space<semaphore_mem>>, %arg17: memref<!tpu.dma_semaphore, #tpu.memory_space<semaphore_mem>>, %arg18: memref<!tpu.dma_semaphore, #tpu.memory_space<semaphore_mem>>, %arg19: memref<!tpu.dma_semaphore, #tpu.memory_space<semaphore_mem>>, %arg20: memref<!tpu.dma_semaphore, #tpu.memory_space<semaphore_mem>>, %arg21: memref<!tpu.dma_semaphore, #tpu.memory_space<semaphore_mem>>, %arg22: memref<!tpu.dma_semaphore, #tpu.memory_space<semaphore_mem>>, %arg23: memref<!tpu.dma_semaphore, #tpu.memory_space<semaphore_mem>>, %arg24: memref<10240x64xf32, #tpu.memory_space<vmem_shared>>) attributes {dimension_semantics = [#tpu.dimension_semantics<core_parallel>, #tpu.dimension_semantics<subcore_parallel>], iteration_bounds = array<i64: 2, 16>, scalar_prefetch = 0 : i64, scratch_operands = 18 : i64, tpu.core_type = #tpu.core_type<sc_vector_subcore>, window_params = [{transform_indices = #map}, {transform_indices = #map}, {transform_indices = #map}, {transform_indices = #map1}, {transform_indices = #map}]} {
    "tpu.region"() ({
      %run_scoped3A = tpu.sem_alloc : memref<!tpu.dma_semaphore, #tpu.memory_space<semaphore_mem>>
      %dma_start3A_61 = arith.constant 0 : i32
      %dma_start3A_62 = arith.constant 0 : i32
      %dma_start3A_63 = tpu.memref_slice %arg3[%arg1, %dma_start3A_61, %dma_start3A_62] : memref<16x160x125xi32, #tpu.memory_space<hbm>> -> memref<1x160x125xi32, #tpu.memory_space<hbm>>
      %dma_start3A_64 = tpu.memref_squeeze %dma_start3A_63 : memref<1x160x125xi32, #tpu.memory_space<hbm>> -> memref<160x125xi32, #tpu.memory_space<hbm>>
      %dma_start3A_65 = arith.constant 0 : i32
      %dma_start3A_66 = arith.constant 0 : i32
      %dma_start3A_67 = tpu.memref_slice %arg3[%arg1, %dma_start3A_65, %dma_start3A_66] : memref<16x160x125xi32, #tpu.memory_space<hbm>> -> memref<1x160x125xi32, #tpu.memory_space<hbm>>
      %dma_start3A_68 = tpu.memref_squeeze %dma_start3A_67 : memref<1x160x125xi32, #tpu.memory_space<hbm>> -> memref<160x125xi32, #tpu.memory_space<hbm>>
      tpu.enqueue_dma source(%dma_start3A_68 : memref<160x125xi32, #tpu.memory_space<hbm>>) target(%arg7 : memref<160x125xi32, #tpu.memory_space<vmem>>) target_semaphore(%run_scoped3A : memref<!tpu.dma_semaphore, #tpu.memory_space<semaphore_mem>>)
      %dma_wait3A_69 = arith.constant 0 : i32
      %dma_wait3A_70 = arith.constant 0 : i32
      %dma_wait3A_71 = tpu.memref_slice %arg3[%arg1, %dma_wait3A_69, %dma_wait3A_70] : memref<16x160x125xi32, #tpu.memory_space<hbm>> -> memref<1x160x125xi32, #tpu.memory_space<hbm>>
      %dma_wait3A_72 = tpu.memref_squeeze %dma_wait3A_71 : memref<1x160x125xi32, #tpu.memory_space<hbm>> -> memref<160x125xi32, #tpu.memory_space<hbm>>
      %dma_wait3A_73 = arith.constant 0 : i32
      %dma_wait3A_74 = arith.constant 0 : i32
      %dma_wait3A_75 = tpu.memref_slice %arg3[%arg1, %dma_wait3A_73, %dma_wait3A_74] : memref<16x160x125xi32, #tpu.memory_space<hbm>> -> memref<1x160x125xi32, #tpu.memory_space<hbm>>
      %dma_wait3A_76 = tpu.memref_squeeze %dma_wait3A_75 : memref<1x160x125xi32, #tpu.memory_space<hbm>> -> memref<160x125xi32, #tpu.memory_space<hbm>>
      tpu.wait_dma2 semaphore(%run_scoped3A : memref<!tpu.dma_semaphore, #tpu.memory_space<semaphore_mem>>) src(%dma_wait3A_76 : memref<160x125xi32, #tpu.memory_space<hbm>>) dst(%arg7 : memref<160x125xi32, #tpu.memory_space<vmem>>)
      tpu.yield
    }) : () -> ()
    "tpu.region"() ({
      %run_scoped3A = tpu.sem_alloc : memref<!tpu.dma_semaphore, #tpu.memory_space<semaphore_mem>>
      %dma_start3A_61 = arith.constant 0 : i32
      %dma_start3A_62 = arith.constant 0 : i32
      %dma_start3A_63 = tpu.memref_slice %arg4[%arg1, %dma_start3A_61, %dma_start3A_62] : memref<16x160x125xi32, #tpu.memory_space<hbm>> -> memref<1x160x125xi32, #tpu.memory_space<hbm>>
      %dma_start3A_64 = tpu.memref_squeeze %dma_start3A_63 : memref<1x160x125xi32, #tpu.memory_space<hbm>> -> memref<160x125xi32, #tpu.memory_space<hbm>>
      %dma_start3A_65 = arith.constant 0 : i32
      %dma_start3A_66 = arith.constant 0 : i32
      %dma_start3A_67 = tpu.memref_slice %arg4[%arg1, %dma_start3A_65, %dma_start3A_66] : memref<16x160x125xi32, #tpu.memory_space<hbm>> -> memref<1x160x125xi32, #tpu.memory_space<hbm>>
      %dma_start3A_68 = tpu.memref_squeeze %dma_start3A_67 : memref<1x160x125xi32, #tpu.memory_space<hbm>> -> memref<160x125xi32, #tpu.memory_space<hbm>>
      tpu.enqueue_dma source(%dma_start3A_68 : memref<160x125xi32, #tpu.memory_space<hbm>>) target(%arg8 : memref<160x125xi32, #tpu.memory_space<vmem>>) target_semaphore(%run_scoped3A : memref<!tpu.dma_semaphore, #tpu.memory_space<semaphore_mem>>)
      %dma_wait3A_69 = arith.constant 0 : i32
      %dma_wait3A_70 = arith.constant 0 : i32
      %dma_wait3A_71 = tpu.memref_slice %arg4[%arg1, %dma_wait3A_69, %dma_wait3A_70] : memref<16x160x125xi32, #tpu.memory_space<hbm>> -> memref<1x160x125xi32, #tpu.memory_space<hbm>>
      %dma_wait3A_72 = tpu.memref_squeeze %dma_wait3A_71 : memref<1x160x125xi32, #tpu.memory_space<hbm>> -> memref<160x125xi32, #tpu.memory_space<hbm>>
      %dma_wait3A_73 = arith.constant 0 : i32
      %dma_wait3A_74 = arith.constant 0 : i32
      %dma_wait3A_75 = tpu.memref_slice %arg4[%arg1, %dma_wait3A_73, %dma_wait3A_74] : memref<16x160x125xi32, #tpu.memory_space<hbm>> -> memref<1x160x125xi32, #tpu.memory_space<hbm>>
      %dma_wait3A_76 = tpu.memref_squeeze %dma_wait3A_75 : memref<1x160x125xi32, #tpu.memory_space<hbm>> -> memref<160x125xi32, #tpu.memory_space<hbm>>
      tpu.wait_dma2 semaphore(%run_scoped3A : memref<!tpu.dma_semaphore, #tpu.memory_space<semaphore_mem>>) src(%dma_wait3A_76 : memref<160x125xi32, #tpu.memory_space<hbm>>) dst(%arg8 : memref<160x125xi32, #tpu.memory_space<vmem>>)
      tpu.yield
    }) : () -> ()
    %mul3A = arith.constant 640 : i32
    %mul3A_0 = arith.muli %arg1, %mul3A : i32
    "tpu.region"() ({
      %run_scoped3A = tpu.sem_alloc : memref<!tpu.dma_semaphore, #tpu.memory_space<semaphore_mem>>
      %dma_start3A_61 = arith.constant 0 : i32
      %dma_start3A_62 = tpu.memref_slice %arg24[%mul3A_0, %dma_start3A_61] : memref<10240x64xf32, #tpu.memory_space<vmem_shared>> -> memref<640x64xf32, #tpu.memory_space<vmem_shared>>
      tpu.enqueue_dma source(%arg5 : memref<640x64xf32, #tpu.memory_space<hbm>>) target(%dma_start3A_62 : memref<640x64xf32, #tpu.memory_space<vmem_shared>>) target_semaphore(%run_scoped3A : memref<!tpu.dma_semaphore, #tpu.memory_space<semaphore_mem>>)
      %dma_wait3A_63 = arith.constant 0 : i32
      %dma_wait3A_64 = tpu.memref_slice %arg24[%mul3A_0, %dma_wait3A_63] : memref<10240x64xf32, #tpu.memory_space<vmem_shared>> -> memref<640x64xf32, #tpu.memory_space<vmem_shared>>
      tpu.wait_dma2 semaphore(%run_scoped3A : memref<!tpu.dma_semaphore, #tpu.memory_space<semaphore_mem>>) src(%arg5 : memref<640x64xf32, #tpu.memory_space<hbm>>) dst(%dma_wait3A_64 : memref<640x64xf32, #tpu.memory_space<vmem_shared>>)
      tpu.yield
    }) : () -> ()
    %barrier3A = arith.constant 0 : index
    tpu.barrier barrier_id(%barrier3A)
    %dma_start3A = arith.constant 0 : i32
    %dma_start3A_1 = arith.constant 0 : i32
    %dma_start3A_2 = tpu.memref_slice %arg7[%dma_start3A, %dma_start3A_1] : memref<160x125xi32, #tpu.memory_space<vmem>> -> memref<1x125xi32, #tpu.memory_space<vmem>>
    %dma_start3A_3 = tpu.memref_squeeze %dma_start3A_2 : memref<1x125xi32, #tpu.memory_space<vmem>> -> memref<125xi32, #tpu.memory_space<vmem>>
    %dma_start3A_4 = arith.constant 0 : i32
    %dma_start3A_5 = arith.constant 0 : i32
    %dma_start3A_6 = tpu.memref_slice %arg2[%arg0, %dma_start3A_4, %dma_start3A_5] : memref<2x10000x64xf32, #tpu.memory_space<hbm>> -> memref<1x10000x64xf32, #tpu.memory_space<hbm>>
    %dma_start3A_7 = tpu.memref_squeeze %dma_start3A_6 : memref<1x10000x64xf32, #tpu.memory_space<hbm>> -> memref<10000x64xf32, #tpu.memory_space<hbm>>
    %dma_start3A_8 = arith.constant 0 : i32
    %dma_start3A_9 = arith.constant 0 : i32
    %dma_start3A_10 = tpu.memref_slice %dma_start3A_7[%dma_start3A_8, %dma_start3A_9] : memref<10000x64xf32, #tpu.memory_space<hbm>> -> memref<10000x64xf32, #tpu.memory_space<hbm>>
    tpu.enqueue_indirect_dma source(%dma_start3A_10 : memref<10000x64xf32, #tpu.memory_space<hbm>>) target(%arg9 : memref<125x64xf32, #tpu.memory_space<vmem>>) offsets(%dma_start3A_3 : memref<125xi32, #tpu.memory_space<vmem>>) semaphore(%arg14 : memref<!tpu.dma_semaphore, #tpu.memory_space<semaphore_mem>>)
    %dma_start3A_11 = arith.constant 1 : i32
    %dma_start3A_12 = arith.constant 0 : i32
    %dma_start3A_13 = tpu.memref_slice %arg7[%dma_start3A_11, %dma_start3A_12] : memref<160x125xi32, #tpu.memory_space<vmem>> -> memref<1x125xi32, #tpu.memory_space<vmem>>
    %dma_start3A_14 = tpu.memref_squeeze %dma_start3A_13 : memref<1x125xi32, #tpu.memory_space<vmem>> -> memref<125xi32, #tpu.memory_space<vmem>>
    %dma_start3A_15 = arith.constant 0 : i32
    %dma_start3A_16 = arith.constant 0 : i32
    %dma_start3A_17 = tpu.memref_slice %arg2[%arg0, %dma_start3A_15, %dma_start3A_16] : memref<2x10000x64xf32, #tpu.memory_space<hbm>> -> memref<1x10000x64xf32, #tpu.memory_space<hbm>>
    %dma_start3A_18 = tpu.memref_squeeze %dma_start3A_17 : memref<1x10000x64xf32, #tpu.memory_space<hbm>> -> memref<10000x64xf32, #tpu.memory_space<hbm>>
    %dma_start3A_19 = arith.constant 0 : i32
    %dma_start3A_20 = arith.constant 0 : i32
    %dma_start3A_21 = tpu.memref_slice %dma_start3A_18[%dma_start3A_19, %dma_start3A_20] : memref<10000x64xf32, #tpu.memory_space<hbm>> -> memref<10000x64xf32, #tpu.memory_space<hbm>>
    tpu.enqueue_indirect_dma source(%dma_start3A_21 : memref<10000x64xf32, #tpu.memory_space<hbm>>) target(%arg10 : memref<125x64xf32, #tpu.memory_space<vmem>>) offsets(%dma_start3A_14 : memref<125xi32, #tpu.memory_space<vmem>>) semaphore(%arg15 : memref<!tpu.dma_semaphore, #tpu.memory_space<semaphore_mem>>)
    %dma_start3A_22 = arith.constant 2 : i32
    %dma_start3A_23 = arith.constant 0 : i32
    %dma_start3A_24 = tpu.memref_slice %arg7[%dma_start3A_22, %dma_start3A_23] : memref<160x125xi32, #tpu.memory_space<vmem>> -> memref<1x125xi32, #tpu.memory_space<vmem>>
    %dma_start3A_25 = tpu.memref_squeeze %dma_start3A_24 : memref<1x125xi32, #tpu.memory_space<vmem>> -> memref<125xi32, #tpu.memory_space<vmem>>
    %dma_start3A_26 = arith.constant 0 : i32
    %dma_start3A_27 = arith.constant 0 : i32
    %dma_start3A_28 = tpu.memref_slice %arg2[%arg0, %dma_start3A_26, %dma_start3A_27] : memref<2x10000x64xf32, #tpu.memory_space<hbm>> -> memref<1x10000x64xf32, #tpu.memory_space<hbm>>
    %dma_start3A_29 = tpu.memref_squeeze %dma_start3A_28 : memref<1x10000x64xf32, #tpu.memory_space<hbm>> -> memref<10000x64xf32, #tpu.memory_space<hbm>>
    %dma_start3A_30 = arith.constant 0 : i32
    %dma_start3A_31 = arith.constant 0 : i32
    %dma_start3A_32 = tpu.memref_slice %dma_start3A_29[%dma_start3A_30, %dma_start3A_31] : memref<10000x64xf32, #tpu.memory_space<hbm>> -> memref<10000x64xf32, #tpu.memory_space<hbm>>
    tpu.enqueue_indirect_dma source(%dma_start3A_32 : memref<10000x64xf32, #tpu.memory_space<hbm>>) target(%arg11 : memref<125x64xf32, #tpu.memory_space<vmem>>) offsets(%dma_start3A_25 : memref<125xi32, #tpu.memory_space<vmem>>) semaphore(%arg16 : memref<!tpu.dma_semaphore, #tpu.memory_space<semaphore_mem>>)
    %dma_start3A_33 = arith.constant 3 : i32
    %dma_start3A_34 = arith.constant 0 : i32
    %dma_start3A_35 = tpu.memref_slice %arg7[%dma_start3A_33, %dma_start3A_34] : memref<160x125xi32, #tpu.memory_space<vmem>> -> memref<1x125xi32, #tpu.memory_space<vmem>>
    %dma_start3A_36 = tpu.memref_squeeze %dma_start3A_35 : memref<1x125xi32, #tpu.memory_space<vmem>> -> memref<125xi32, #tpu.memory_space<vmem>>
    %dma_start3A_37 = arith.constant 0 : i32
    %dma_start3A_38 = arith.constant 0 : i32
    %dma_start3A_39 = tpu.memref_slice %arg2[%arg0, %dma_start3A_37, %dma_start3A_38] : memref<2x10000x64xf32, #tpu.memory_space<hbm>> -> memref<1x10000x64xf32, #tpu.memory_space<hbm>>
    %dma_start3A_40 = tpu.memref_squeeze %dma_start3A_39 : memref<1x10000x64xf32, #tpu.memory_space<hbm>> -> memref<10000x64xf32, #tpu.memory_space<hbm>>
    %dma_start3A_41 = arith.constant 0 : i32
    %dma_start3A_42 = arith.constant 0 : i32
    %dma_start3A_43 = tpu.memref_slice %dma_start3A_40[%dma_start3A_41, %dma_start3A_42] : memref<10000x64xf32, #tpu.memory_space<hbm>> -> memref<10000x64xf32, #tpu.memory_space<hbm>>
    tpu.enqueue_indirect_dma source(%dma_start3A_43 : memref<10000x64xf32, #tpu.memory_space<hbm>>) target(%arg12 : memref<125x64xf32, #tpu.memory_space<vmem>>) offsets(%dma_start3A_36 : memref<125xi32, #tpu.memory_space<vmem>>) semaphore(%arg17 : memref<!tpu.dma_semaphore, #tpu.memory_space<semaphore_mem>>)
    %scan3A = arith.constant 0 : i32
    %scan3A_44 = arith.constant 0 : i32
    %scan3A_45 = arith.constant 32 : i32
    %scan3A_46 = arith.addi %scan3A_44, %scan3A_45 : i32
    %scan3A_47 = arith.constant 1 : i32
    %scan3A_48 = scf.for %scan3A_61 = %scan3A_44 to %scan3A_46 step %scan3A_47 iter_args(%scan3A_62 = %scan3A) -> (i32)  : i32 {
      %mul3A_63 = arith.constant 5 : i32
      %mul3A_64 = arith.muli %mul3A_63, %scan3A_61 : i32
      %add3A = arith.constant 0 : i32
      %add3A_65 = arith.addi %mul3A_64, %add3A : i32
      %dma_wait3A_66 = arith.constant 0 : i32
      %dma_wait3A_67 = tpu.memref_slice %arg7[%add3A_65, %dma_wait3A_66] : memref<160x125xi32, #tpu.memory_space<vmem>> -> memref<1x125xi32, #tpu.memory_space<vmem>>
      %dma_wait3A_68 = tpu.memref_squeeze %dma_wait3A_67 : memref<1x125xi32, #tpu.memory_space<vmem>> -> memref<125xi32, #tpu.memory_space<vmem>>
      %dma_wait3A_69 = arith.constant 0 : i32
      %dma_wait3A_70 = arith.constant 0 : i32
      %dma_wait3A_71 = tpu.memref_slice %arg2[%arg0, %dma_wait3A_69, %dma_wait3A_70] : memref<2x10000x64xf32, #tpu.memory_space<hbm>> -> memref<1x10000x64xf32, #tpu.memory_space<hbm>>
      %dma_wait3A_72 = tpu.memref_squeeze %dma_wait3A_71 : memref<1x10000x64xf32, #tpu.memory_space<hbm>> -> memref<10000x64xf32, #tpu.memory_space<hbm>>
      %dma_wait3A_73 = arith.constant 0 : i32
      %dma_wait3A_74 = arith.constant 0 : i32
      %dma_wait3A_75 = tpu.memref_slice %dma_wait3A_72[%dma_wait3A_73, %dma_wait3A_74] : memref<10000x64xf32, #tpu.memory_space<hbm>> -> memref<10000x64xf32, #tpu.memory_space<hbm>>
      tpu.wait_indirect_dma semaphore(%arg14 : memref<!tpu.dma_semaphore, #tpu.memory_space<semaphore_mem>>) src(%dma_wait3A_75 : memref<10000x64xf32, #tpu.memory_space<hbm>>) dst(%arg9 : memref<125x64xf32, #tpu.memory_space<vmem>>)
      %dma_start3A_76 = arith.constant 0 : i32
      %dma_start3A_77 = tpu.memref_slice %arg8[%add3A_65, %dma_start3A_76] : memref<160x125xi32, #tpu.memory_space<vmem>> -> memref<1x125xi32, #tpu.memory_space<vmem>>
      %dma_start3A_78 = tpu.memref_squeeze %dma_start3A_77 : memref<1x125xi32, #tpu.memory_space<vmem>> -> memref<125xi32, #tpu.memory_space<vmem>>
      %dma_start3A_79 = arith.constant 0 : i32
      %dma_start3A_80 = arith.constant 0 : i32
      %dma_start3A_81 = tpu.memref_slice %arg24[%dma_start3A_79, %dma_start3A_80] : memref<10240x64xf32, #tpu.memory_space<vmem_shared>> -> memref<10240x64xf32, #tpu.memory_space<vmem_shared>>
      tpu.enqueue_indirect_dma source(%arg9 : memref<125x64xf32, #tpu.memory_space<vmem>>) target(%dma_start3A_81 : memref<10240x64xf32, #tpu.memory_space<vmem_shared>>) offsets(%dma_start3A_78 : memref<125xi32, #tpu.memory_space<vmem>>) semaphore(%arg19 : memref<!tpu.dma_semaphore, #tpu.memory_space<semaphore_mem>>) {add = true}
      %ge3A = arith.constant 1 : i32
      %ge3A_82 = arith.cmpi sge, %add3A_65, %ge3A : i32
      %convert_element_type3A = arith.extui %ge3A_82 : i1 to i32
      %cond3A = arith.constant 0 : i32
      %cond3A_83 = arith.cmpi ne, %convert_element_type3A, %cond3A : i32
      scf.if %cond3A_83 {
        %sub3A_228 = arith.constant 1 : i32
        %sub3A_229 = arith.subi %add3A_65, %sub3A_228 : i32
        %dma_wait3A_230 = arith.constant 0 : i32
        %dma_wait3A_231 = tpu.memref_slice %arg8[%sub3A_229, %dma_wait3A_230] : memref<160x125xi32, #tpu.memory_space<vmem>> -> memref<1x125xi32, #tpu.memory_space<vmem>>
        %dma_wait3A_232 = tpu.memref_squeeze %dma_wait3A_231 : memref<1x125xi32, #tpu.memory_space<vmem>> -> memref<125xi32, #tpu.memory_space<vmem>>
        %dma_wait3A_233 = arith.constant 0 : i32
        %dma_wait3A_234 = arith.constant 0 : i32
        %dma_wait3A_235 = tpu.memref_slice %arg24[%dma_wait3A_233, %dma_wait3A_234] : memref<10240x64xf32, #tpu.memory_space<vmem_shared>> -> memref<10240x64xf32, #tpu.memory_space<vmem_shared>>
        tpu.wait_indirect_dma semaphore(%arg23 : memref<!tpu.dma_semaphore, #tpu.memory_space<semaphore_mem>>) src(%arg13 : memref<125x64xf32, #tpu.memory_space<vmem>>) dst(%dma_wait3A_235 : memref<10240x64xf32, #tpu.memory_space<vmem_shared>>)
      } else {
      }
      %add3A_84 = arith.constant 5 : i32
      %add3A_85 = arith.addi %add3A_65, %add3A_84 : i32
      %sub3A = arith.constant 1 : i32
      %sub3A_86 = arith.subi %add3A_85, %sub3A : i32
      %lt3A = arith.constant 160 : i32
      %lt3A_87 = arith.cmpi slt, %sub3A_86, %lt3A : i32
      %convert_element_type3A_88 = arith.extui %lt3A_87 : i1 to i32
      %cond3A_89 = arith.constant 0 : i32
      %cond3A_90 = arith.cmpi ne, %convert_element_type3A_88, %cond3A_89 : i32
      scf.if %cond3A_90 {
        %add3A_228 = arith.constant 5 : i32
        %add3A_229 = arith.addi %add3A_65, %add3A_228 : i32
        %sub3A_230 = arith.constant 1 : i32
        %sub3A_231 = arith.subi %add3A_229, %sub3A_230 : i32
        %dma_start3A_232 = arith.constant 0 : i32
        %dma_start3A_233 = tpu.memref_slice %arg7[%sub3A_231, %dma_start3A_232] : memref<160x125xi32, #tpu.memory_space<vmem>> -> memref<1x125xi32, #tpu.memory_space<vmem>>
        %dma_start3A_234 = tpu.memref_squeeze %dma_start3A_233 : memref<1x125xi32, #tpu.memory_space<vmem>> -> memref<125xi32, #tpu.memory_space<vmem>>
        %dma_start3A_235 = arith.constant 0 : i32
        %dma_start3A_236 = arith.constant 0 : i32
        %dma_start3A_237 = tpu.memref_slice %arg2[%arg0, %dma_start3A_235, %dma_start3A_236] : memref<2x10000x64xf32, #tpu.memory_space<hbm>> -> memref<1x10000x64xf32, #tpu.memory_space<hbm>>
        %dma_start3A_238 = tpu.memref_squeeze %dma_start3A_237 : memref<1x10000x64xf32, #tpu.memory_space<hbm>> -> memref<10000x64xf32, #tpu.memory_space<hbm>>
        %dma_start3A_239 = arith.constant 0 : i32
        %dma_start3A_240 = arith.constant 0 : i32
        %dma_start3A_241 = tpu.memref_slice %dma_start3A_238[%dma_start3A_239, %dma_start3A_240] : memref<10000x64xf32, #tpu.memory_space<hbm>> -> memref<10000x64xf32, #tpu.memory_space<hbm>>
        tpu.enqueue_indirect_dma source(%dma_start3A_241 : memref<10000x64xf32, #tpu.memory_space<hbm>>) target(%arg13 : memref<125x64xf32, #tpu.memory_space<vmem>>) offsets(%dma_start3A_234 : memref<125xi32, #tpu.memory_space<vmem>>) semaphore(%arg18 : memref<!tpu.dma_semaphore, #tpu.memory_space<semaphore_mem>>)
      } else {
      }
      %mul3A_91 = arith.constant 5 : i32
      %mul3A_92 = arith.muli %mul3A_91, %scan3A_61 : i32
      %add3A_93 = arith.constant 1 : i32
      %add3A_94 = arith.addi %mul3A_92, %add3A_93 : i32
      %dma_wait3A_95 = arith.constant 0 : i32
      %dma_wait3A_96 = tpu.memref_slice %arg7[%add3A_94, %dma_wait3A_95] : memref<160x125xi32, #tpu.memory_space<vmem>> -> memref<1x125xi32, #tpu.memory_space<vmem>>
      %dma_wait3A_97 = tpu.memref_squeeze %dma_wait3A_96 : memref<1x125xi32, #tpu.memory_space<vmem>> -> memref<125xi32, #tpu.memory_space<vmem>>
      %dma_wait3A_98 = arith.constant 0 : i32
      %dma_wait3A_99 = arith.constant 0 : i32
      %dma_wait3A_100 = tpu.memref_slice %arg2[%arg0, %dma_wait3A_98, %dma_wait3A_99] : memref<2x10000x64xf32, #tpu.memory_space<hbm>> -> memref<1x10000x64xf32, #tpu.memory_space<hbm>>
      %dma_wait3A_101 = tpu.memref_squeeze %dma_wait3A_100 : memref<1x10000x64xf32, #tpu.memory_space<hbm>> -> memref<10000x64xf32, #tpu.memory_space<hbm>>
      %dma_wait3A_102 = arith.constant 0 : i32
      %dma_wait3A_103 = arith.constant 0 : i32
      %dma_wait3A_104 = tpu.memref_slice %dma_wait3A_101[%dma_wait3A_102, %dma_wait3A_103] : memref<10000x64xf32, #tpu.memory_space<hbm>> -> memref<10000x64xf32, #tpu.memory_space<hbm>>
      tpu.wait_indirect_dma semaphore(%arg15 : memref<!tpu.dma_semaphore, #tpu.memory_space<semaphore_mem>>) src(%dma_wait3A_104 : memref<10000x64xf32, #tpu.memory_space<hbm>>) dst(%arg10 : memref<125x64xf32, #tpu.memory_space<vmem>>)
      %dma_start3A_105 = arith.constant 0 : i32
      %dma_start3A_106 = tpu.memref_slice %arg8[%add3A_94, %dma_start3A_105] : memref<160x125xi32, #tpu.memory_space<vmem>> -> memref<1x125xi32, #tpu.memory_space<vmem>>
      %dma_start3A_107 = tpu.memref_squeeze %dma_start3A_106 : memref<1x125xi32, #tpu.memory_space<vmem>> -> memref<125xi32, #tpu.memory_space<vmem>>
      %dma_start3A_108 = arith.constant 0 : i32
      %dma_start3A_109 = arith.constant 0 : i32
      %dma_start3A_110 = tpu.memref_slice %arg24[%dma_start3A_108, %dma_start3A_109] : memref<10240x64xf32, #tpu.memory_space<vmem_shared>> -> memref<10240x64xf32, #tpu.memory_space<vmem_shared>>
      tpu.enqueue_indirect_dma source(%arg10 : memref<125x64xf32, #tpu.memory_space<vmem>>) target(%dma_start3A_110 : memref<10240x64xf32, #tpu.memory_space<vmem_shared>>) offsets(%dma_start3A_107 : memref<125xi32, #tpu.memory_space<vmem>>) semaphore(%arg20 : memref<!tpu.dma_semaphore, #tpu.memory_space<semaphore_mem>>) {add = true}
      %ge3A_111 = arith.constant 1 : i32
      %ge3A_112 = arith.cmpi sge, %add3A_94, %ge3A_111 : i32
      %convert_element_type3A_113 = arith.extui %ge3A_112 : i1 to i32
      %cond3A_114 = arith.constant 0 : i32
      %cond3A_115 = arith.cmpi ne, %convert_element_type3A_113, %cond3A_114 : i32
      scf.if %cond3A_115 {
        %sub3A_228 = arith.constant 1 : i32
        %sub3A_229 = arith.subi %add3A_94, %sub3A_228 : i32
        %dma_wait3A_230 = arith.constant 0 : i32
        %dma_wait3A_231 = tpu.memref_slice %arg8[%sub3A_229, %dma_wait3A_230] : memref<160x125xi32, #tpu.memory_space<vmem>> -> memref<1x125xi32, #tpu.memory_space<vmem>>
        %dma_wait3A_232 = tpu.memref_squeeze %dma_wait3A_231 : memref<1x125xi32, #tpu.memory_space<vmem>> -> memref<125xi32, #tpu.memory_space<vmem>>
        %dma_wait3A_233 = arith.constant 0 : i32
        %dma_wait3A_234 = arith.constant 0 : i32
        %dma_wait3A_235 = tpu.memref_slice %arg24[%dma_wait3A_233, %dma_wait3A_234] : memref<10240x64xf32, #tpu.memory_space<vmem_shared>> -> memref<10240x64xf32, #tpu.memory_space<vmem_shared>>
        tpu.wait_indirect_dma semaphore(%arg19 : memref<!tpu.dma_semaphore, #tpu.memory_space<semaphore_mem>>) src(%arg9 : memref<125x64xf32, #tpu.memory_space<vmem>>) dst(%dma_wait3A_235 : memref<10240x64xf32, #tpu.memory_space<vmem_shared>>)
      } else {
      }
      %add3A_116 = arith.constant 5 : i32
      %add3A_117 = arith.addi %add3A_94, %add3A_116 : i32
      %sub3A_118 = arith.constant 1 : i32
      %sub3A_119 = arith.subi %add3A_117, %sub3A_118 : i32
      %lt3A_120 = arith.constant 160 : i32
      %lt3A_121 = arith.cmpi slt, %sub3A_119, %lt3A_120 : i32
      %convert_element_type3A_122 = arith.extui %lt3A_121 : i1 to i32
      %cond3A_123 = arith.constant 0 : i32
      %cond3A_124 = arith.cmpi ne, %convert_element_type3A_122, %cond3A_123 : i32
      scf.if %cond3A_124 {
        %add3A_228 = arith.constant 5 : i32
        %add3A_229 = arith.addi %add3A_94, %add3A_228 : i32
        %sub3A_230 = arith.constant 1 : i32
        %sub3A_231 = arith.subi %add3A_229, %sub3A_230 : i32
        %dma_start3A_232 = arith.constant 0 : i32
        %dma_start3A_233 = tpu.memref_slice %arg7[%sub3A_231, %dma_start3A_232] : memref<160x125xi32, #tpu.memory_space<vmem>> -> memref<1x125xi32, #tpu.memory_space<vmem>>
        %dma_start3A_234 = tpu.memref_squeeze %dma_start3A_233 : memref<1x125xi32, #tpu.memory_space<vmem>> -> memref<125xi32, #tpu.memory_space<vmem>>
        %dma_start3A_235 = arith.constant 0 : i32
        %dma_start3A_236 = arith.constant 0 : i32
        %dma_start3A_237 = tpu.memref_slice %arg2[%arg0, %dma_start3A_235, %dma_start3A_236] : memref<2x10000x64xf32, #tpu.memory_space<hbm>> -> memref<1x10000x64xf32, #tpu.memory_space<hbm>>
        %dma_start3A_238 = tpu.memref_squeeze %dma_start3A_237 : memref<1x10000x64xf32, #tpu.memory_space<hbm>> -> memref<10000x64xf32, #tpu.memory_space<hbm>>
        %dma_start3A_239 = arith.constant 0 : i32
        %dma_start3A_240 = arith.constant 0 : i32
        %dma_start3A_241 = tpu.memref_slice %dma_start3A_238[%dma_start3A_239, %dma_start3A_240] : memref<10000x64xf32, #tpu.memory_space<hbm>> -> memref<10000x64xf32, #tpu.memory_space<hbm>>
        tpu.enqueue_indirect_dma source(%dma_start3A_241 : memref<10000x64xf32, #tpu.memory_space<hbm>>) target(%arg9 : memref<125x64xf32, #tpu.memory_space<vmem>>) offsets(%dma_start3A_234 : memref<125xi32, #tpu.memory_space<vmem>>) semaphore(%arg14 : memref<!tpu.dma_semaphore, #tpu.memory_space<semaphore_mem>>)
      } else {
      }
      %mul3A_125 = arith.constant 5 : i32
      %mul3A_126 = arith.muli %mul3A_125, %scan3A_61 : i32
      %add3A_127 = arith.constant 2 : i32
      %add3A_128 = arith.addi %mul3A_126, %add3A_127 : i32
      %dma_wait3A_129 = arith.constant 0 : i32
      %dma_wait3A_130 = tpu.memref_slice %arg7[%add3A_128, %dma_wait3A_129] : memref<160x125xi32, #tpu.memory_space<vmem>> -> memref<1x125xi32, #tpu.memory_space<vmem>>
      %dma_wait3A_131 = tpu.memref_squeeze %dma_wait3A_130 : memref<1x125xi32, #tpu.memory_space<vmem>> -> memref<125xi32, #tpu.memory_space<vmem>>
      %dma_wait3A_132 = arith.constant 0 : i32
      %dma_wait3A_133 = arith.constant 0 : i32
      %dma_wait3A_134 = tpu.memref_slice %arg2[%arg0, %dma_wait3A_132, %dma_wait3A_133] : memref<2x10000x64xf32, #tpu.memory_space<hbm>> -> memref<1x10000x64xf32, #tpu.memory_space<hbm>>
      %dma_wait3A_135 = tpu.memref_squeeze %dma_wait3A_134 : memref<1x10000x64xf32, #tpu.memory_space<hbm>> -> memref<10000x64xf32, #tpu.memory_space<hbm>>
      %dma_wait3A_136 = arith.constant 0 : i32
      %dma_wait3A_137 = arith.constant 0 : i32
      %dma_wait3A_138 = tpu.memref_slice %dma_wait3A_135[%dma_wait3A_136, %dma_wait3A_137] : memref<10000x64xf32, #tpu.memory_space<hbm>> -> memref<10000x64xf32, #tpu.memory_space<hbm>>
      tpu.wait_indirect_dma semaphore(%arg16 : memref<!tpu.dma_semaphore, #tpu.memory_space<semaphore_mem>>) src(%dma_wait3A_138 : memref<10000x64xf32, #tpu.memory_space<hbm>>) dst(%arg11 : memref<125x64xf32, #tpu.memory_space<vmem>>)
      %dma_start3A_139 = arith.constant 0 : i32
      %dma_start3A_140 = tpu.memref_slice %arg8[%add3A_128, %dma_start3A_139] : memref<160x125xi32, #tpu.memory_space<vmem>> -> memref<1x125xi32, #tpu.memory_space<vmem>>
      %dma_start3A_141 = tpu.memref_squeeze %dma_start3A_140 : memref<1x125xi32, #tpu.memory_space<vmem>> -> memref<125xi32, #tpu.memory_space<vmem>>
      %dma_start3A_142 = arith.constant 0 : i32
      %dma_start3A_143 = arith.constant 0 : i32
      %dma_start3A_144 = tpu.memref_slice %arg24[%dma_start3A_142, %dma_start3A_143] : memref<10240x64xf32, #tpu.memory_space<vmem_shared>> -> memref<10240x64xf32, #tpu.memory_space<vmem_shared>>
      tpu.enqueue_indirect_dma source(%arg11 : memref<125x64xf32, #tpu.memory_space<vmem>>) target(%dma_start3A_144 : memref<10240x64xf32, #tpu.memory_space<vmem_shared>>) offsets(%dma_start3A_141 : memref<125xi32, #tpu.memory_space<vmem>>) semaphore(%arg21 : memref<!tpu.dma_semaphore, #tpu.memory_space<semaphore_mem>>) {add = true}
      %ge3A_145 = arith.constant 1 : i32
      %ge3A_146 = arith.cmpi sge, %add3A_128, %ge3A_145 : i32
      %convert_element_type3A_147 = arith.extui %ge3A_146 : i1 to i32
      %cond3A_148 = arith.constant 0 : i32
      %cond3A_149 = arith.cmpi ne, %convert_element_type3A_147, %cond3A_148 : i32
      scf.if %cond3A_149 {
        %sub3A_228 = arith.constant 1 : i32
        %sub3A_229 = arith.subi %add3A_128, %sub3A_228 : i32
        %dma_wait3A_230 = arith.constant 0 : i32
        %dma_wait3A_231 = tpu.memref_slice %arg8[%sub3A_229, %dma_wait3A_230] : memref<160x125xi32, #tpu.memory_space<vmem>> -> memref<1x125xi32, #tpu.memory_space<vmem>>
        %dma_wait3A_232 = tpu.memref_squeeze %dma_wait3A_231 : memref<1x125xi32, #tpu.memory_space<vmem>> -> memref<125xi32, #tpu.memory_space<vmem>>
        %dma_wait3A_233 = arith.constant 0 : i32
        %dma_wait3A_234 = arith.constant 0 : i32
        %dma_wait3A_235 = tpu.memref_slice %arg24[%dma_wait3A_233, %dma_wait3A_234] : memref<10240x64xf32, #tpu.memory_space<vmem_shared>> -> memref<10240x64xf32, #tpu.memory_space<vmem_shared>>
        tpu.wait_indirect_dma semaphore(%arg20 : memref<!tpu.dma_semaphore, #tpu.memory_space<semaphore_mem>>) src(%arg10 : memref<125x64xf32, #tpu.memory_space<vmem>>) dst(%dma_wait3A_235 : memref<10240x64xf32, #tpu.memory_space<vmem_shared>>)
      } else {
      }
      %add3A_150 = arith.constant 5 : i32
      %add3A_151 = arith.addi %add3A_128, %add3A_150 : i32
      %sub3A_152 = arith.constant 1 : i32
      %sub3A_153 = arith.subi %add3A_151, %sub3A_152 : i32
      %lt3A_154 = arith.constant 160 : i32
      %lt3A_155 = arith.cmpi slt, %sub3A_153, %lt3A_154 : i32
      %convert_element_type3A_156 = arith.extui %lt3A_155 : i1 to i32
      %cond3A_157 = arith.constant 0 : i32
      %cond3A_158 = arith.cmpi ne, %convert_element_type3A_156, %cond3A_157 : i32
      scf.if %cond3A_158 {
        %add3A_228 = arith.constant 5 : i32
        %add3A_229 = arith.addi %add3A_128, %add3A_228 : i32
        %sub3A_230 = arith.constant 1 : i32
        %sub3A_231 = arith.subi %add3A_229, %sub3A_230 : i32
        %dma_start3A_232 = arith.constant 0 : i32
        %dma_start3A_233 = tpu.memref_slice %arg7[%sub3A_231, %dma_start3A_232] : memref<160x125xi32, #tpu.memory_space<vmem>> -> memref<1x125xi32, #tpu.memory_space<vmem>>
        %dma_start3A_234 = tpu.memref_squeeze %dma_start3A_233 : memref<1x125xi32, #tpu.memory_space<vmem>> -> memref<125xi32, #tpu.memory_space<vmem>>
        %dma_start3A_235 = arith.constant 0 : i32
        %dma_start3A_236 = arith.constant 0 : i32
        %dma_start3A_237 = tpu.memref_slice %arg2[%arg0, %dma_start3A_235, %dma_start3A_236] : memref<2x10000x64xf32, #tpu.memory_space<hbm>> -> memref<1x10000x64xf32, #tpu.memory_space<hbm>>
        %dma_start3A_238 = tpu.memref_squeeze %dma_start3A_237 : memref<1x10000x64xf32, #tpu.memory_space<hbm>> -> memref<10000x64xf32, #tpu.memory_space<hbm>>
        %dma_start3A_239 = arith.constant 0 : i32
        %dma_start3A_240 = arith.constant 0 : i32
        %dma_start3A_241 = tpu.memref_slice %dma_start3A_238[%dma_start3A_239, %dma_start3A_240] : memref<10000x64xf32, #tpu.memory_space<hbm>> -> memref<10000x64xf32, #tpu.memory_space<hbm>>
        tpu.enqueue_indirect_dma source(%dma_start3A_241 : memref<10000x64xf32, #tpu.memory_space<hbm>>) target(%arg10 : memref<125x64xf32, #tpu.memory_space<vmem>>) offsets(%dma_start3A_234 : memref<125xi32, #tpu.memory_space<vmem>>) semaphore(%arg15 : memref<!tpu.dma_semaphore, #tpu.memory_space<semaphore_mem>>)
      } else {
      }
      %mul3A_159 = arith.constant 5 : i32
      %mul3A_160 = arith.muli %mul3A_159, %scan3A_61 : i32
      %add3A_161 = arith.constant 3 : i32
      %add3A_162 = arith.addi %mul3A_160, %add3A_161 : i32
      %dma_wait3A_163 = arith.constant 0 : i32
      %dma_wait3A_164 = tpu.memref_slice %arg7[%add3A_162, %dma_wait3A_163] : memref<160x125xi32, #tpu.memory_space<vmem>> -> memref<1x125xi32, #tpu.memory_space<vmem>>
      %dma_wait3A_165 = tpu.memref_squeeze %dma_wait3A_164 : memref<1x125xi32, #tpu.memory_space<vmem>> -> memref<125xi32, #tpu.memory_space<vmem>>
      %dma_wait3A_166 = arith.constant 0 : i32
      %dma_wait3A_167 = arith.constant 0 : i32
      %dma_wait3A_168 = tpu.memref_slice %arg2[%arg0, %dma_wait3A_166, %dma_wait3A_167] : memref<2x10000x64xf32, #tpu.memory_space<hbm>> -> memref<1x10000x64xf32, #tpu.memory_space<hbm>>
      %dma_wait3A_169 = tpu.memref_squeeze %dma_wait3A_168 : memref<1x10000x64xf32, #tpu.memory_space<hbm>> -> memref<10000x64xf32, #tpu.memory_space<hbm>>
      %dma_wait3A_170 = arith.constant 0 : i32
      %dma_wait3A_171 = arith.constant 0 : i32
      %dma_wait3A_172 = tpu.memref_slice %dma_wait3A_169[%dma_wait3A_170, %dma_wait3A_171] : memref<10000x64xf32, #tpu.memory_space<hbm>> -> memref<10000x64xf32, #tpu.memory_space<hbm>>
      tpu.wait_indirect_dma semaphore(%arg17 : memref<!tpu.dma_semaphore, #tpu.memory_space<semaphore_mem>>) src(%dma_wait3A_172 : memref<10000x64xf32, #tpu.memory_space<hbm>>) dst(%arg12 : memref<125x64xf32, #tpu.memory_space<vmem>>)
      %dma_start3A_173 = arith.constant 0 : i32
      %dma_start3A_174 = tpu.memref_slice %arg8[%add3A_162, %dma_start3A_173] : memref<160x125xi32, #tpu.memory_space<vmem>> -> memref<1x125xi32, #tpu.memory_space<vmem>>
      %dma_start3A_175 = tpu.memref_squeeze %dma_start3A_174 : memref<1x125xi32, #tpu.memory_space<vmem>> -> memref<125xi32, #tpu.memory_space<vmem>>
      %dma_start3A_176 = arith.constant 0 : i32
      %dma_start3A_177 = arith.constant 0 : i32
      %dma_start3A_178 = tpu.memref_slice %arg24[%dma_start3A_176, %dma_start3A_177] : memref<10240x64xf32, #tpu.memory_space<vmem_shared>> -> memref<10240x64xf32, #tpu.memory_space<vmem_shared>>
      tpu.enqueue_indirect_dma source(%arg12 : memref<125x64xf32, #tpu.memory_space<vmem>>) target(%dma_start3A_178 : memref<10240x64xf32, #tpu.memory_space<vmem_shared>>) offsets(%dma_start3A_175 : memref<125xi32, #tpu.memory_space<vmem>>) semaphore(%arg22 : memref<!tpu.dma_semaphore, #tpu.memory_space<semaphore_mem>>) {add = true}
      %ge3A_179 = arith.constant 1 : i32
      %ge3A_180 = arith.cmpi sge, %add3A_162, %ge3A_179 : i32
      %convert_element_type3A_181 = arith.extui %ge3A_180 : i1 to i32
      %cond3A_182 = arith.constant 0 : i32
      %cond3A_183 = arith.cmpi ne, %convert_element_type3A_181, %cond3A_182 : i32
      scf.if %cond3A_183 {
        %sub3A_228 = arith.constant 1 : i32
        %sub3A_229 = arith.subi %add3A_162, %sub3A_228 : i32
        %dma_wait3A_230 = arith.constant 0 : i32
        %dma_wait3A_231 = tpu.memref_slice %arg8[%sub3A_229, %dma_wait3A_230] : memref<160x125xi32, #tpu.memory_space<vmem>> -> memref<1x125xi32, #tpu.memory_space<vmem>>
        %dma_wait3A_232 = tpu.memref_squeeze %dma_wait3A_231 : memref<1x125xi32, #tpu.memory_space<vmem>> -> memref<125xi32, #tpu.memory_space<vmem>>
        %dma_wait3A_233 = arith.constant 0 : i32
        %dma_wait3A_234 = arith.constant 0 : i32
        %dma_wait3A_235 = tpu.memref_slice %arg24[%dma_wait3A_233, %dma_wait3A_234] : memref<10240x64xf32, #tpu.memory_space<vmem_shared>> -> memref<10240x64xf32, #tpu.memory_space<vmem_shared>>
        tpu.wait_indirect_dma semaphore(%arg21 : memref<!tpu.dma_semaphore, #tpu.memory_space<semaphore_mem>>) src(%arg11 : memref<125x64xf32, #tpu.memory_space<vmem>>) dst(%dma_wait3A_235 : memref<10240x64xf32, #tpu.memory_space<vmem_shared>>)
      } else {
      }
      %add3A_184 = arith.constant 5 : i32
      %add3A_185 = arith.addi %add3A_162, %add3A_184 : i32
      %sub3A_186 = arith.constant 1 : i32
      %sub3A_187 = arith.subi %add3A_185, %sub3A_186 : i32
      %lt3A_188 = arith.constant 160 : i32
      %lt3A_189 = arith.cmpi slt, %sub3A_187, %lt3A_188 : i32
      %convert_element_type3A_190 = arith.extui %lt3A_189 : i1 to i32
      %cond3A_191 = arith.constant 0 : i32
      %cond3A_192 = arith.cmpi ne, %convert_element_type3A_190, %cond3A_191 : i32
      scf.if %cond3A_192 {
        %add3A_228 = arith.constant 5 : i32
        %add3A_229 = arith.addi %add3A_162, %add3A_228 : i32
        %sub3A_230 = arith.constant 1 : i32
        %sub3A_231 = arith.subi %add3A_229, %sub3A_230 : i32
        %dma_start3A_232 = arith.constant 0 : i32
        %dma_start3A_233 = tpu.memref_slice %arg7[%sub3A_231, %dma_start3A_232] : memref<160x125xi32, #tpu.memory_space<vmem>> -> memref<1x125xi32, #tpu.memory_space<vmem>>
        %dma_start3A_234 = tpu.memref_squeeze %dma_start3A_233 : memref<1x125xi32, #tpu.memory_space<vmem>> -> memref<125xi32, #tpu.memory_space<vmem>>
        %dma_start3A_235 = arith.constant 0 : i32
        %dma_start3A_236 = arith.constant 0 : i32
        %dma_start3A_237 = tpu.memref_slice %arg2[%arg0, %dma_start3A_235, %dma_start3A_236] : memref<2x10000x64xf32, #tpu.memory_space<hbm>> -> memref<1x10000x64xf32, #tpu.memory_space<hbm>>
        %dma_start3A_238 = tpu.memref_squeeze %dma_start3A_237 : memref<1x10000x64xf32, #tpu.memory_space<hbm>> -> memref<10000x64xf32, #tpu.memory_space<hbm>>
        %dma_start3A_239 = arith.constant 0 : i32
        %dma_start3A_240 = arith.constant 0 : i32
        %dma_start3A_241 = tpu.memref_slice %dma_start3A_238[%dma_start3A_239, %dma_start3A_240] : memref<10000x64xf32, #tpu.memory_space<hbm>> -> memref<10000x64xf32, #tpu.memory_space<hbm>>
        tpu.enqueue_indirect_dma source(%dma_start3A_241 : memref<10000x64xf32, #tpu.memory_space<hbm>>) target(%arg11 : memref<125x64xf32, #tpu.memory_space<vmem>>) offsets(%dma_start3A_234 : memref<125xi32, #tpu.memory_space<vmem>>) semaphore(%arg16 : memref<!tpu.dma_semaphore, #tpu.memory_space<semaphore_mem>>)
      } else {
      }
      %mul3A_193 = arith.constant 5 : i32
      %mul3A_194 = arith.muli %mul3A_193, %scan3A_61 : i32
      %add3A_195 = arith.constant 4 : i32
      %add3A_196 = arith.addi %mul3A_194, %add3A_195 : i32
      %dma_wait3A_197 = arith.constant 0 : i32
      %dma_wait3A_198 = tpu.memref_slice %arg7[%add3A_196, %dma_wait3A_197] : memref<160x125xi32, #tpu.memory_space<vmem>> -> memref<1x125xi32, #tpu.memory_space<vmem>>
      %dma_wait3A_199 = tpu.memref_squeeze %dma_wait3A_198 : memref<1x125xi32, #tpu.memory_space<vmem>> -> memref<125xi32, #tpu.memory_space<vmem>>
      %dma_wait3A_200 = arith.constant 0 : i32
      %dma_wait3A_201 = arith.constant 0 : i32
      %dma_wait3A_202 = tpu.memref_slice %arg2[%arg0, %dma_wait3A_200, %dma_wait3A_201] : memref<2x10000x64xf32, #tpu.memory_space<hbm>> -> memref<1x10000x64xf32, #tpu.memory_space<hbm>>
      %dma_wait3A_203 = tpu.memref_squeeze %dma_wait3A_202 : memref<1x10000x64xf32, #tpu.memory_space<hbm>> -> memref<10000x64xf32, #tpu.memory_space<hbm>>
      %dma_wait3A_204 = arith.constant 0 : i32
      %dma_wait3A_205 = arith.constant 0 : i32
      %dma_wait3A_206 = tpu.memref_slice %dma_wait3A_203[%dma_wait3A_204, %dma_wait3A_205] : memref<10000x64xf32, #tpu.memory_space<hbm>> -> memref<10000x64xf32, #tpu.memory_space<hbm>>
      tpu.wait_indirect_dma semaphore(%arg18 : memref<!tpu.dma_semaphore, #tpu.memory_space<semaphore_mem>>) src(%dma_wait3A_206 : memref<10000x64xf32, #tpu.memory_space<hbm>>) dst(%arg13 : memref<125x64xf32, #tpu.memory_space<vmem>>)
      %dma_start3A_207 = arith.constant 0 : i32
      %dma_start3A_208 = tpu.memref_slice %arg8[%add3A_196, %dma_start3A_207] : memref<160x125xi32, #tpu.memory_space<vmem>> -> memref<1x125xi32, #tpu.memory_space<vmem>>
      %dma_start3A_209 = tpu.memref_squeeze %dma_start3A_208 : memref<1x125xi32, #tpu.memory_space<vmem>> -> memref<125xi32, #tpu.memory_space<vmem>>
      %dma_start3A_210 = arith.constant 0 : i32
      %dma_start3A_211 = arith.constant 0 : i32
      %dma_start3A_212 = tpu.memref_slice %arg24[%dma_start3A_210, %dma_start3A_211] : memref<10240x64xf32, #tpu.memory_space<vmem_shared>> -> memref<10240x64xf32, #tpu.memory_space<vmem_shared>>
      tpu.enqueue_indirect_dma source(%arg13 : memref<125x64xf32, #tpu.memory_space<vmem>>) target(%dma_start3A_212 : memref<10240x64xf32, #tpu.memory_space<vmem_shared>>) offsets(%dma_start3A_209 : memref<125xi32, #tpu.memory_space<vmem>>) semaphore(%arg23 : memref<!tpu.dma_semaphore, #tpu.memory_space<semaphore_mem>>) {add = true}
      %ge3A_213 = arith.constant 1 : i32
      %ge3A_214 = arith.cmpi sge, %add3A_196, %ge3A_213 : i32
      %convert_element_type3A_215 = arith.extui %ge3A_214 : i1 to i32
      %cond3A_216 = arith.constant 0 : i32
      %cond3A_217 = arith.cmpi ne, %convert_element_type3A_215, %cond3A_216 : i32
      scf.if %cond3A_217 {
        %sub3A_228 = arith.constant 1 : i32
        %sub3A_229 = arith.subi %add3A_196, %sub3A_228 : i32
        %dma_wait3A_230 = arith.constant 0 : i32
        %dma_wait3A_231 = tpu.memref_slice %arg8[%sub3A_229, %dma_wait3A_230] : memref<160x125xi32, #tpu.memory_space<vmem>> -> memref<1x125xi32, #tpu.memory_space<vmem>>
        %dma_wait3A_232 = tpu.memref_squeeze %dma_wait3A_231 : memref<1x125xi32, #tpu.memory_space<vmem>> -> memref<125xi32, #tpu.memory_space<vmem>>
        %dma_wait3A_233 = arith.constant 0 : i32
        %dma_wait3A_234 = arith.constant 0 : i32
        %dma_wait3A_235 = tpu.memref_slice %arg24[%dma_wait3A_233, %dma_wait3A_234] : memref<10240x64xf32, #tpu.memory_space<vmem_shared>> -> memref<10240x64xf32, #tpu.memory_space<vmem_shared>>
        tpu.wait_indirect_dma semaphore(%arg22 : memref<!tpu.dma_semaphore, #tpu.memory_space<semaphore_mem>>) src(%arg12 : memref<125x64xf32, #tpu.memory_space<vmem>>) dst(%dma_wait3A_235 : memref<10240x64xf32, #tpu.memory_space<vmem_shared>>)
      } else {
      }
      %add3A_218 = arith.constant 5 : i32
      %add3A_219 = arith.addi %add3A_196, %add3A_218 : i32
      %sub3A_220 = arith.constant 1 : i32
      %sub3A_221 = arith.subi %add3A_219, %sub3A_220 : i32
      %lt3A_222 = arith.constant 160 : i32
      %lt3A_223 = arith.cmpi slt, %sub3A_221, %lt3A_222 : i32
      %convert_element_type3A_224 = arith.extui %lt3A_223 : i1 to i32
      %cond3A_225 = arith.constant 0 : i32
      %cond3A_226 = arith.cmpi ne, %convert_element_type3A_224, %cond3A_225 : i32
      scf.if %cond3A_226 {
        %add3A_228 = arith.constant 5 : i32
        %add3A_229 = arith.addi %add3A_196, %add3A_228 : i32
        %sub3A_230 = arith.constant 1 : i32
        %sub3A_231 = arith.subi %add3A_229, %sub3A_230 : i32
        %dma_start3A_232 = arith.constant 0 : i32
        %dma_start3A_233 = tpu.memref_slice %arg7[%sub3A_231, %dma_start3A_232] : memref<160x125xi32, #tpu.memory_space<vmem>> -> memref<1x125xi32, #tpu.memory_space<vmem>>
        %dma_start3A_234 = tpu.memref_squeeze %dma_start3A_233 : memref<1x125xi32, #tpu.memory_space<vmem>> -> memref<125xi32, #tpu.memory_space<vmem>>
        %dma_start3A_235 = arith.constant 0 : i32
        %dma_start3A_236 = arith.constant 0 : i32
        %dma_start3A_237 = tpu.memref_slice %arg2[%arg0, %dma_start3A_235, %dma_start3A_236] : memref<2x10000x64xf32, #tpu.memory_space<hbm>> -> memref<1x10000x64xf32, #tpu.memory_space<hbm>>
        %dma_start3A_238 = tpu.memref_squeeze %dma_start3A_237 : memref<1x10000x64xf32, #tpu.memory_space<hbm>> -> memref<10000x64xf32, #tpu.memory_space<hbm>>
        %dma_start3A_239 = arith.constant 0 : i32
        %dma_start3A_240 = arith.constant 0 : i32
        %dma_start3A_241 = tpu.memref_slice %dma_start3A_238[%dma_start3A_239, %dma_start3A_240] : memref<10000x64xf32, #tpu.memory_space<hbm>> -> memref<10000x64xf32, #tpu.memory_space<hbm>>
        tpu.enqueue_indirect_dma source(%dma_start3A_241 : memref<10000x64xf32, #tpu.memory_space<hbm>>) target(%arg12 : memref<125x64xf32, #tpu.memory_space<vmem>>) offsets(%dma_start3A_234 : memref<125xi32, #tpu.memory_space<vmem>>) semaphore(%arg17 : memref<!tpu.dma_semaphore, #tpu.memory_space<semaphore_mem>>)
      } else {
      }
      %scan3A_227 = arith.constant 0 : i32
      scf.yield %scan3A_227 : i32
    }
    %scan3A_49 = arith.constant 32 : i32
    %dma_wait3A = arith.constant 159 : i32
    %dma_wait3A_50 = arith.constant 0 : i32
    %dma_wait3A_51 = tpu.memref_slice %arg8[%dma_wait3A, %dma_wait3A_50] : memref<160x125xi32, #tpu.memory_space<vmem>> -> memref<1x125xi32, #tpu.memory_space<vmem>>
    %dma_wait3A_52 = tpu.memref_squeeze %dma_wait3A_51 : memref<1x125xi32, #tpu.memory_space<vmem>> -> memref<125xi32, #tpu.memory_space<vmem>>
    %dma_wait3A_53 = arith.constant 0 : i32
    %dma_wait3A_54 = arith.constant 0 : i32
    %dma_wait3A_55 = tpu.memref_slice %arg24[%dma_wait3A_53, %dma_wait3A_54] : memref<10240x64xf32, #tpu.memory_space<vmem_shared>> -> memref<10240x64xf32, #tpu.memory_space<vmem_shared>>
    tpu.wait_indirect_dma semaphore(%arg23 : memref<!tpu.dma_semaphore, #tpu.memory_space<semaphore_mem>>) src(%arg13 : memref<125x64xf32, #tpu.memory_space<vmem>>) dst(%dma_wait3A_55 : memref<10240x64xf32, #tpu.memory_space<vmem_shared>>)
    %barrier3A_56 = arith.constant 0 : index
    tpu.barrier barrier_id(%barrier3A_56)
    %mul3A_57 = arith.constant 640 : i32
    %mul3A_58 = arith.muli %arg1, %mul3A_57 : i32
    %mul3A_59 = arith.constant 640 : i32
    %mul3A_60 = arith.muli %arg1, %mul3A_59 : i32
    "tpu.region"() ({
      %run_scoped3A = tpu.sem_alloc : memref<!tpu.dma_semaphore, #tpu.memory_space<semaphore_mem>>
      %dma_start3A_61 = arith.constant 0 : i32
      %dma_start3A_62 = tpu.memref_slice %arg6[%arg0, %mul3A_60, %dma_start3A_61] : memref<2x10240x64xf32, #tpu.memory_space<hbm>> -> memref<1x640x64xf32, #tpu.memory_space<hbm>>
      %dma_start3A_63 = tpu.memref_squeeze %dma_start3A_62 : memref<1x640x64xf32, #tpu.memory_space<hbm>> -> memref<640x64xf32, #tpu.memory_space<hbm>>
      %dma_start3A_64 = arith.constant 0 : i32
      %dma_start3A_65 = tpu.memref_slice %arg24[%mul3A_58, %dma_start3A_64] : memref<10240x64xf32, #tpu.memory_space<vmem_shared>> -> memref<640x64xf32, #tpu.memory_space<vmem_shared>>
      tpu.enqueue_dma source(%dma_start3A_65 : memref<640x64xf32, #tpu.memory_space<vmem_shared>>) target(%dma_start3A_63 : memref<640x64xf32, #tpu.memory_space<hbm>>) target_semaphore(%run_scoped3A : memref<!tpu.dma_semaphore, #tpu.memory_space<semaphore_mem>>)
      %dma_wait3A_66 = arith.constant 0 : i32
      %dma_wait3A_67 = tpu.memref_slice %arg6[%arg0, %mul3A_60, %dma_wait3A_66] : memref<2x10240x64xf32, #tpu.memory_space<hbm>> -> memref<1x640x64xf32, #tpu.memory_space<hbm>>
      %dma_wait3A_68 = tpu.memref_squeeze %dma_wait3A_67 : memref<1x640x64xf32, #tpu.memory_space<hbm>> -> memref<640x64xf32, #tpu.memory_space<hbm>>
      %dma_wait3A_69 = arith.constant 0 : i32
      %dma_wait3A_70 = tpu.memref_slice %arg24[%mul3A_58, %dma_wait3A_69] : memref<10240x64xf32, #tpu.memory_space<vmem_shared>> -> memref<640x64xf32, #tpu.memory_space<vmem_shared>>
      tpu.wait_dma2 semaphore(%run_scoped3A : memref<!tpu.dma_semaphore, #tpu.memory_space<semaphore_mem>>) src(%dma_wait3A_70 : memref<640x64xf32, #tpu.memory_space<vmem_shared>>) dst(%dma_wait3A_68 : memref<640x64xf32, #tpu.memory_space<hbm>>)
      tpu.yield
    }) : () -> ()
    return
  }
}

#map = affine_map<(d0, d1) -> (0, 0, 0)>
#map1 = affine_map<(d0, d1) -> (0, 0)>
module attributes {stable_mosaic.version = 14 : i64} {
  func.func @_deg(%arg0: i32, %arg1: i32, %arg2: memref<16x160x125xi32, #tpu.memory_space<hbm>>, %arg3: memref<125x8xf32, #tpu.memory_space<hbm>>, %arg4: memref<640x8xf32, #tpu.memory_space<hbm>>, %arg5: memref<2x10240x8xf32, #tpu.memory_space<hbm>>, %arg6: memref<80x125xi32, #tpu.memory_space<vmem>>, %arg7: memref<125x8xf32, #tpu.memory_space<vmem>>, %arg8: memref<!tpu.dma_semaphore, #tpu.memory_space<semaphore_mem>>, %arg9: memref<!tpu.dma_semaphore, #tpu.memory_space<semaphore_mem>>, %arg10: memref<!tpu.dma_semaphore, #tpu.memory_space<semaphore_mem>>, %arg11: memref<!tpu.dma_semaphore, #tpu.memory_space<semaphore_mem>>, %arg12: memref<!tpu.dma_semaphore, #tpu.memory_space<semaphore_mem>>, %arg13: memref<10240x8xf32, #tpu.memory_space<vmem_shared>>) attributes {dimension_semantics = [#tpu.dimension_semantics<core_parallel>, #tpu.dimension_semantics<subcore_parallel>], iteration_bounds = array<i64: 2, 16>, scalar_prefetch = 0 : i64, scratch_operands = 8 : i64, tpu.core_type = #tpu.core_type<sc_vector_subcore>, window_params = [{transform_indices = #map}, {transform_indices = #map1}, {transform_indices = #map1}, {transform_indices = #map}]} {
    %mul3A = arith.constant 80 : i32
    %mul3A_0 = arith.muli %arg0, %mul3A : i32
    "tpu.region"() ({
      %run_scoped3A = tpu.sem_alloc : memref<!tpu.dma_semaphore, #tpu.memory_space<semaphore_mem>>
      %dma_start3A = arith.constant 0 : i32
      %dma_start3A_41 = tpu.memref_slice %arg2[%arg1, %mul3A_0, %dma_start3A] : memref<16x160x125xi32, #tpu.memory_space<hbm>> -> memref<1x80x125xi32, #tpu.memory_space<hbm>>
      %dma_start3A_42 = tpu.memref_squeeze %dma_start3A_41 : memref<1x80x125xi32, #tpu.memory_space<hbm>> -> memref<80x125xi32, #tpu.memory_space<hbm>>
      %dma_start3A_43 = arith.constant 0 : i32
      %dma_start3A_44 = tpu.memref_slice %arg2[%arg1, %mul3A_0, %dma_start3A_43] : memref<16x160x125xi32, #tpu.memory_space<hbm>> -> memref<1x80x125xi32, #tpu.memory_space<hbm>>
      %dma_start3A_45 = tpu.memref_squeeze %dma_start3A_44 : memref<1x80x125xi32, #tpu.memory_space<hbm>> -> memref<80x125xi32, #tpu.memory_space<hbm>>
      tpu.enqueue_dma source(%dma_start3A_45 : memref<80x125xi32, #tpu.memory_space<hbm>>) target(%arg6 : memref<80x125xi32, #tpu.memory_space<vmem>>) target_semaphore(%run_scoped3A : memref<!tpu.dma_semaphore, #tpu.memory_space<semaphore_mem>>)
      %dma_wait3A_46 = arith.constant 0 : i32
      %dma_wait3A_47 = tpu.memref_slice %arg2[%arg1, %mul3A_0, %dma_wait3A_46] : memref<16x160x125xi32, #tpu.memory_space<hbm>> -> memref<1x80x125xi32, #tpu.memory_space<hbm>>
      %dma_wait3A_48 = tpu.memref_squeeze %dma_wait3A_47 : memref<1x80x125xi32, #tpu.memory_space<hbm>> -> memref<80x125xi32, #tpu.memory_space<hbm>>
      %dma_wait3A_49 = arith.constant 0 : i32
      %dma_wait3A_50 = tpu.memref_slice %arg2[%arg1, %mul3A_0, %dma_wait3A_49] : memref<16x160x125xi32, #tpu.memory_space<hbm>> -> memref<1x80x125xi32, #tpu.memory_space<hbm>>
      %dma_wait3A_51 = tpu.memref_squeeze %dma_wait3A_50 : memref<1x80x125xi32, #tpu.memory_space<hbm>> -> memref<80x125xi32, #tpu.memory_space<hbm>>
      tpu.wait_dma2 semaphore(%run_scoped3A : memref<!tpu.dma_semaphore, #tpu.memory_space<semaphore_mem>>) src(%dma_wait3A_51 : memref<80x125xi32, #tpu.memory_space<hbm>>) dst(%arg6 : memref<80x125xi32, #tpu.memory_space<vmem>>)
      tpu.yield
    }) : () -> ()
    "tpu.region"() ({
      %run_scoped3A = tpu.sem_alloc : memref<!tpu.dma_semaphore, #tpu.memory_space<semaphore_mem>>
      tpu.enqueue_dma source(%arg3 : memref<125x8xf32, #tpu.memory_space<hbm>>) target(%arg7 : memref<125x8xf32, #tpu.memory_space<vmem>>) target_semaphore(%run_scoped3A : memref<!tpu.dma_semaphore, #tpu.memory_space<semaphore_mem>>)
      tpu.wait_dma2 semaphore(%run_scoped3A : memref<!tpu.dma_semaphore, #tpu.memory_space<semaphore_mem>>) src(%arg3 : memref<125x8xf32, #tpu.memory_space<hbm>>) dst(%arg7 : memref<125x8xf32, #tpu.memory_space<vmem>>)
      tpu.yield
    }) : () -> ()
    %mul3A_1 = arith.constant 640 : i32
    %mul3A_2 = arith.muli %arg1, %mul3A_1 : i32
    "tpu.region"() ({
      %run_scoped3A = tpu.sem_alloc : memref<!tpu.dma_semaphore, #tpu.memory_space<semaphore_mem>>
      %dma_start3A = arith.constant 0 : i32
      %dma_start3A_41 = tpu.memref_slice %arg13[%mul3A_2, %dma_start3A] : memref<10240x8xf32, #tpu.memory_space<vmem_shared>> -> memref<640x8xf32, #tpu.memory_space<vmem_shared>>
      tpu.enqueue_dma source(%arg4 : memref<640x8xf32, #tpu.memory_space<hbm>>) target(%dma_start3A_41 : memref<640x8xf32, #tpu.memory_space<vmem_shared>>) target_semaphore(%run_scoped3A : memref<!tpu.dma_semaphore, #tpu.memory_space<semaphore_mem>>)
      %dma_wait3A_42 = arith.constant 0 : i32
      %dma_wait3A_43 = tpu.memref_slice %arg13[%mul3A_2, %dma_wait3A_42] : memref<10240x8xf32, #tpu.memory_space<vmem_shared>> -> memref<640x8xf32, #tpu.memory_space<vmem_shared>>
      tpu.wait_dma2 semaphore(%run_scoped3A : memref<!tpu.dma_semaphore, #tpu.memory_space<semaphore_mem>>) src(%arg4 : memref<640x8xf32, #tpu.memory_space<hbm>>) dst(%dma_wait3A_43 : memref<640x8xf32, #tpu.memory_space<vmem_shared>>)
      tpu.yield
    }) : () -> ()
    %barrier3A = arith.constant 0 : index
    tpu.barrier barrier_id(%barrier3A)
    %scan3A = arith.constant 0 : i32
    %scan3A_3 = arith.constant 0 : i32
    %scan3A_4 = arith.constant 16 : i32
    %scan3A_5 = arith.addi %scan3A_3, %scan3A_4 : i32
    %scan3A_6 = arith.constant 1 : i32
    %scan3A_7 = scf.for %scan3A_41 = %scan3A_3 to %scan3A_5 step %scan3A_6 iter_args(%scan3A_42 = %scan3A) -> (i32)  : i32 {
      %mul3A_43 = arith.constant 5 : i32
      %mul3A_44 = arith.muli %mul3A_43, %scan3A_41 : i32
      %add3A = arith.constant 0 : i32
      %add3A_45 = arith.addi %mul3A_44, %add3A : i32
      %dma_start3A = arith.constant 0 : i32
      %dma_start3A_46 = tpu.memref_slice %arg6[%add3A_45, %dma_start3A] : memref<80x125xi32, #tpu.memory_space<vmem>> -> memref<1x125xi32, #tpu.memory_space<vmem>>
      %dma_start3A_47 = tpu.memref_squeeze %dma_start3A_46 : memref<1x125xi32, #tpu.memory_space<vmem>> -> memref<125xi32, #tpu.memory_space<vmem>>
      %dma_start3A_48 = arith.constant 0 : i32
      %dma_start3A_49 = arith.constant 0 : i32
      %dma_start3A_50 = tpu.memref_slice %arg13[%dma_start3A_48, %dma_start3A_49] : memref<10240x8xf32, #tpu.memory_space<vmem_shared>> -> memref<10240x8xf32, #tpu.memory_space<vmem_shared>>
      tpu.enqueue_indirect_dma source(%arg7 : memref<125x8xf32, #tpu.memory_space<vmem>>) target(%dma_start3A_50 : memref<10240x8xf32, #tpu.memory_space<vmem_shared>>) offsets(%dma_start3A_47 : memref<125xi32, #tpu.memory_space<vmem>>) semaphore(%arg8 : memref<!tpu.dma_semaphore, #tpu.memory_space<semaphore_mem>>) {add = true}
      %ge3A = arith.constant 4 : i32
      %ge3A_51 = arith.cmpi sge, %add3A_45, %ge3A : i32
      %convert_element_type3A = arith.extui %ge3A_51 : i1 to i32
      %cond3A = arith.constant 0 : i32
      %cond3A_52 = arith.cmpi ne, %convert_element_type3A, %cond3A : i32
      scf.if %cond3A_52 {
        %sub3A = arith.constant 5 : i32
        %sub3A_114 = arith.subi %add3A_45, %sub3A : i32
        %add3A_115 = arith.constant 1 : i32
        %add3A_116 = arith.addi %sub3A_114, %add3A_115 : i32
        %dma_wait3A_117 = arith.constant 0 : i32
        %dma_wait3A_118 = tpu.memref_slice %arg6[%add3A_116, %dma_wait3A_117] : memref<80x125xi32, #tpu.memory_space<vmem>> -> memref<1x125xi32, #tpu.memory_space<vmem>>
        %dma_wait3A_119 = tpu.memref_squeeze %dma_wait3A_118 : memref<1x125xi32, #tpu.memory_space<vmem>> -> memref<125xi32, #tpu.memory_space<vmem>>
        %dma_wait3A_120 = arith.constant 0 : i32
        %dma_wait3A_121 = arith.constant 0 : i32
        %dma_wait3A_122 = tpu.memref_slice %arg13[%dma_wait3A_120, %dma_wait3A_121] : memref<10240x8xf32, #tpu.memory_space<vmem_shared>> -> memref<10240x8xf32, #tpu.memory_space<vmem_shared>>
        tpu.wait_indirect_dma semaphore(%arg9 : memref<!tpu.dma_semaphore, #tpu.memory_space<semaphore_mem>>) src(%arg7 : memref<125x8xf32, #tpu.memory_space<vmem>>) dst(%dma_wait3A_122 : memref<10240x8xf32, #tpu.memory_space<vmem_shared>>)
      } else {
      }
      %mul3A_53 = arith.constant 5 : i32
      %mul3A_54 = arith.muli %mul3A_53, %scan3A_41 : i32
      %add3A_55 = arith.constant 1 : i32
      %add3A_56 = arith.addi %mul3A_54, %add3A_55 : i32
      %dma_start3A_57 = arith.constant 0 : i32
      %dma_start3A_58 = tpu.memref_slice %arg6[%add3A_56, %dma_start3A_57] : memref<80x125xi32, #tpu.memory_space<vmem>> -> memref<1x125xi32, #tpu.memory_space<vmem>>
      %dma_start3A_59 = tpu.memref_squeeze %dma_start3A_58 : memref<1x125xi32, #tpu.memory_space<vmem>> -> memref<125xi32, #tpu.memory_space<vmem>>
      %dma_start3A_60 = arith.constant 0 : i32
      %dma_start3A_61 = arith.constant 0 : i32
      %dma_start3A_62 = tpu.memref_slice %arg13[%dma_start3A_60, %dma_start3A_61] : memref<10240x8xf32, #tpu.memory_space<vmem_shared>> -> memref<10240x8xf32, #tpu.memory_space<vmem_shared>>
      tpu.enqueue_indirect_dma source(%arg7 : memref<125x8xf32, #tpu.memory_space<vmem>>) target(%dma_start3A_62 : memref<10240x8xf32, #tpu.memory_space<vmem_shared>>) offsets(%dma_start3A_59 : memref<125xi32, #tpu.memory_space<vmem>>) semaphore(%arg9 : memref<!tpu.dma_semaphore, #tpu.memory_space<semaphore_mem>>) {add = true}
      %ge3A_63 = arith.constant 4 : i32
      %ge3A_64 = arith.cmpi sge, %add3A_56, %ge3A_63 : i32
      %convert_element_type3A_65 = arith.extui %ge3A_64 : i1 to i32
      %cond3A_66 = arith.constant 0 : i32
      %cond3A_67 = arith.cmpi ne, %convert_element_type3A_65, %cond3A_66 : i32
      scf.if %cond3A_67 {
        %sub3A = arith.constant 5 : i32
        %sub3A_114 = arith.subi %add3A_56, %sub3A : i32
        %add3A_115 = arith.constant 1 : i32
        %add3A_116 = arith.addi %sub3A_114, %add3A_115 : i32
        %dma_wait3A_117 = arith.constant 0 : i32
        %dma_wait3A_118 = tpu.memref_slice %arg6[%add3A_116, %dma_wait3A_117] : memref<80x125xi32, #tpu.memory_space<vmem>> -> memref<1x125xi32, #tpu.memory_space<vmem>>
        %dma_wait3A_119 = tpu.memref_squeeze %dma_wait3A_118 : memref<1x125xi32, #tpu.memory_space<vmem>> -> memref<125xi32, #tpu.memory_space<vmem>>
        %dma_wait3A_120 = arith.constant 0 : i32
        %dma_wait3A_121 = arith.constant 0 : i32
        %dma_wait3A_122 = tpu.memref_slice %arg13[%dma_wait3A_120, %dma_wait3A_121] : memref<10240x8xf32, #tpu.memory_space<vmem_shared>> -> memref<10240x8xf32, #tpu.memory_space<vmem_shared>>
        tpu.wait_indirect_dma semaphore(%arg10 : memref<!tpu.dma_semaphore, #tpu.memory_space<semaphore_mem>>) src(%arg7 : memref<125x8xf32, #tpu.memory_space<vmem>>) dst(%dma_wait3A_122 : memref<10240x8xf32, #tpu.memory_space<vmem_shared>>)
      } else {
      }
      %mul3A_68 = arith.constant 5 : i32
      %mul3A_69 = arith.muli %mul3A_68, %scan3A_41 : i32
      %add3A_70 = arith.constant 2 : i32
      %add3A_71 = arith.addi %mul3A_69, %add3A_70 : i32
      %dma_start3A_72 = arith.constant 0 : i32
      %dma_start3A_73 = tpu.memref_slice %arg6[%add3A_71, %dma_start3A_72] : memref<80x125xi32, #tpu.memory_space<vmem>> -> memref<1x125xi32, #tpu.memory_space<vmem>>
      %dma_start3A_74 = tpu.memref_squeeze %dma_start3A_73 : memref<1x125xi32, #tpu.memory_space<vmem>> -> memref<125xi32, #tpu.memory_space<vmem>>
      %dma_start3A_75 = arith.constant 0 : i32
      %dma_start3A_76 = arith.constant 0 : i32
      %dma_start3A_77 = tpu.memref_slice %arg13[%dma_start3A_75, %dma_start3A_76] : memref<10240x8xf32, #tpu.memory_space<vmem_shared>> -> memref<10240x8xf32, #tpu.memory_space<vmem_shared>>
      tpu.enqueue_indirect_dma source(%arg7 : memref<125x8xf32, #tpu.memory_space<vmem>>) target(%dma_start3A_77 : memref<10240x8xf32, #tpu.memory_space<vmem_shared>>) offsets(%dma_start3A_74 : memref<125xi32, #tpu.memory_space<vmem>>) semaphore(%arg10 : memref<!tpu.dma_semaphore, #tpu.memory_space<semaphore_mem>>) {add = true}
      %ge3A_78 = arith.constant 4 : i32
      %ge3A_79 = arith.cmpi sge, %add3A_71, %ge3A_78 : i32
      %convert_element_type3A_80 = arith.extui %ge3A_79 : i1 to i32
      %cond3A_81 = arith.constant 0 : i32
      %cond3A_82 = arith.cmpi ne, %convert_element_type3A_80, %cond3A_81 : i32
      scf.if %cond3A_82 {
        %sub3A = arith.constant 5 : i32
        %sub3A_114 = arith.subi %add3A_71, %sub3A : i32
        %add3A_115 = arith.constant 1 : i32
        %add3A_116 = arith.addi %sub3A_114, %add3A_115 : i32
        %dma_wait3A_117 = arith.constant 0 : i32
        %dma_wait3A_118 = tpu.memref_slice %arg6[%add3A_116, %dma_wait3A_117] : memref<80x125xi32, #tpu.memory_space<vmem>> -> memref<1x125xi32, #tpu.memory_space<vmem>>
        %dma_wait3A_119 = tpu.memref_squeeze %dma_wait3A_118 : memref<1x125xi32, #tpu.memory_space<vmem>> -> memref<125xi32, #tpu.memory_space<vmem>>
        %dma_wait3A_120 = arith.constant 0 : i32
        %dma_wait3A_121 = arith.constant 0 : i32
        %dma_wait3A_122 = tpu.memref_slice %arg13[%dma_wait3A_120, %dma_wait3A_121] : memref<10240x8xf32, #tpu.memory_space<vmem_shared>> -> memref<10240x8xf32, #tpu.memory_space<vmem_shared>>
        tpu.wait_indirect_dma semaphore(%arg11 : memref<!tpu.dma_semaphore, #tpu.memory_space<semaphore_mem>>) src(%arg7 : memref<125x8xf32, #tpu.memory_space<vmem>>) dst(%dma_wait3A_122 : memref<10240x8xf32, #tpu.memory_space<vmem_shared>>)
      } else {
      }
      %mul3A_83 = arith.constant 5 : i32
      %mul3A_84 = arith.muli %mul3A_83, %scan3A_41 : i32
      %add3A_85 = arith.constant 3 : i32
      %add3A_86 = arith.addi %mul3A_84, %add3A_85 : i32
      %dma_start3A_87 = arith.constant 0 : i32
      %dma_start3A_88 = tpu.memref_slice %arg6[%add3A_86, %dma_start3A_87] : memref<80x125xi32, #tpu.memory_space<vmem>> -> memref<1x125xi32, #tpu.memory_space<vmem>>
      %dma_start3A_89 = tpu.memref_squeeze %dma_start3A_88 : memref<1x125xi32, #tpu.memory_space<vmem>> -> memref<125xi32, #tpu.memory_space<vmem>>
      %dma_start3A_90 = arith.constant 0 : i32
      %dma_start3A_91 = arith.constant 0 : i32
      %dma_start3A_92 = tpu.memref_slice %arg13[%dma_start3A_90, %dma_start3A_91] : memref<10240x8xf32, #tpu.memory_space<vmem_shared>> -> memref<10240x8xf32, #tpu.memory_space<vmem_shared>>
      tpu.enqueue_indirect_dma source(%arg7 : memref<125x8xf32, #tpu.memory_space<vmem>>) target(%dma_start3A_92 : memref<10240x8xf32, #tpu.memory_space<vmem_shared>>) offsets(%dma_start3A_89 : memref<125xi32, #tpu.memory_space<vmem>>) semaphore(%arg11 : memref<!tpu.dma_semaphore, #tpu.memory_space<semaphore_mem>>) {add = true}
      %ge3A_93 = arith.constant 4 : i32
      %ge3A_94 = arith.cmpi sge, %add3A_86, %ge3A_93 : i32
      %convert_element_type3A_95 = arith.extui %ge3A_94 : i1 to i32
      %cond3A_96 = arith.constant 0 : i32
      %cond3A_97 = arith.cmpi ne, %convert_element_type3A_95, %cond3A_96 : i32
      scf.if %cond3A_97 {
        %sub3A = arith.constant 5 : i32
        %sub3A_114 = arith.subi %add3A_86, %sub3A : i32
        %add3A_115 = arith.constant 1 : i32
        %add3A_116 = arith.addi %sub3A_114, %add3A_115 : i32
        %dma_wait3A_117 = arith.constant 0 : i32
        %dma_wait3A_118 = tpu.memref_slice %arg6[%add3A_116, %dma_wait3A_117] : memref<80x125xi32, #tpu.memory_space<vmem>> -> memref<1x125xi32, #tpu.memory_space<vmem>>
        %dma_wait3A_119 = tpu.memref_squeeze %dma_wait3A_118 : memref<1x125xi32, #tpu.memory_space<vmem>> -> memref<125xi32, #tpu.memory_space<vmem>>
        %dma_wait3A_120 = arith.constant 0 : i32
        %dma_wait3A_121 = arith.constant 0 : i32
        %dma_wait3A_122 = tpu.memref_slice %arg13[%dma_wait3A_120, %dma_wait3A_121] : memref<10240x8xf32, #tpu.memory_space<vmem_shared>> -> memref<10240x8xf32, #tpu.memory_space<vmem_shared>>
        tpu.wait_indirect_dma semaphore(%arg12 : memref<!tpu.dma_semaphore, #tpu.memory_space<semaphore_mem>>) src(%arg7 : memref<125x8xf32, #tpu.memory_space<vmem>>) dst(%dma_wait3A_122 : memref<10240x8xf32, #tpu.memory_space<vmem_shared>>)
      } else {
      }
      %mul3A_98 = arith.constant 5 : i32
      %mul3A_99 = arith.muli %mul3A_98, %scan3A_41 : i32
      %add3A_100 = arith.constant 4 : i32
      %add3A_101 = arith.addi %mul3A_99, %add3A_100 : i32
      %dma_start3A_102 = arith.constant 0 : i32
      %dma_start3A_103 = tpu.memref_slice %arg6[%add3A_101, %dma_start3A_102] : memref<80x125xi32, #tpu.memory_space<vmem>> -> memref<1x125xi32, #tpu.memory_space<vmem>>
      %dma_start3A_104 = tpu.memref_squeeze %dma_start3A_103 : memref<1x125xi32, #tpu.memory_space<vmem>> -> memref<125xi32, #tpu.memory_space<vmem>>
      %dma_start3A_105 = arith.constant 0 : i32
      %dma_start3A_106 = arith.constant 0 : i32
      %dma_start3A_107 = tpu.memref_slice %arg13[%dma_start3A_105, %dma_start3A_106] : memref<10240x8xf32, #tpu.memory_space<vmem_shared>> -> memref<10240x8xf32, #tpu.memory_space<vmem_shared>>
      tpu.enqueue_indirect_dma source(%arg7 : memref<125x8xf32, #tpu.memory_space<vmem>>) target(%dma_start3A_107 : memref<10240x8xf32, #tpu.memory_space<vmem_shared>>) offsets(%dma_start3A_104 : memref<125xi32, #tpu.memory_space<vmem>>) semaphore(%arg12 : memref<!tpu.dma_semaphore, #tpu.memory_space<semaphore_mem>>) {add = true}
      %ge3A_108 = arith.constant 4 : i32
      %ge3A_109 = arith.cmpi sge, %add3A_101, %ge3A_108 : i32
      %convert_element_type3A_110 = arith.extui %ge3A_109 : i1 to i32
      %cond3A_111 = arith.constant 0 : i32
      %cond3A_112 = arith.cmpi ne, %convert_element_type3A_110, %cond3A_111 : i32
      scf.if %cond3A_112 {
        %sub3A = arith.constant 5 : i32
        %sub3A_114 = arith.subi %add3A_101, %sub3A : i32
        %add3A_115 = arith.constant 1 : i32
        %add3A_116 = arith.addi %sub3A_114, %add3A_115 : i32
        %dma_wait3A_117 = arith.constant 0 : i32
        %dma_wait3A_118 = tpu.memref_slice %arg6[%add3A_116, %dma_wait3A_117] : memref<80x125xi32, #tpu.memory_space<vmem>> -> memref<1x125xi32, #tpu.memory_space<vmem>>
        %dma_wait3A_119 = tpu.memref_squeeze %dma_wait3A_118 : memref<1x125xi32, #tpu.memory_space<vmem>> -> memref<125xi32, #tpu.memory_space<vmem>>
        %dma_wait3A_120 = arith.constant 0 : i32
        %dma_wait3A_121 = arith.constant 0 : i32
        %dma_wait3A_122 = tpu.memref_slice %arg13[%dma_wait3A_120, %dma_wait3A_121] : memref<10240x8xf32, #tpu.memory_space<vmem_shared>> -> memref<10240x8xf32, #tpu.memory_space<vmem_shared>>
        tpu.wait_indirect_dma semaphore(%arg8 : memref<!tpu.dma_semaphore, #tpu.memory_space<semaphore_mem>>) src(%arg7 : memref<125x8xf32, #tpu.memory_space<vmem>>) dst(%dma_wait3A_122 : memref<10240x8xf32, #tpu.memory_space<vmem_shared>>)
      } else {
      }
      %scan3A_113 = arith.constant 0 : i32
      scf.yield %scan3A_113 : i32
    }
    %scan3A_8 = arith.constant 16 : i32
    %dma_wait3A = arith.constant 76 : i32
    %dma_wait3A_9 = arith.constant 0 : i32
    %dma_wait3A_10 = tpu.memref_slice %arg6[%dma_wait3A, %dma_wait3A_9] : memref<80x125xi32, #tpu.memory_space<vmem>> -> memref<1x125xi32, #tpu.memory_space<vmem>>
    %dma_wait3A_11 = tpu.memref_squeeze %dma_wait3A_10 : memref<1x125xi32, #tpu.memory_space<vmem>> -> memref<125xi32, #tpu.memory_space<vmem>>
    %dma_wait3A_12 = arith.constant 0 : i32
    %dma_wait3A_13 = arith.constant 0 : i32
    %dma_wait3A_14 = tpu.memref_slice %arg13[%dma_wait3A_12, %dma_wait3A_13] : memref<10240x8xf32, #tpu.memory_space<vmem_shared>> -> memref<10240x8xf32, #tpu.memory_space<vmem_shared>>
    tpu.wait_indirect_dma semaphore(%arg9 : memref<!tpu.dma_semaphore, #tpu.memory_space<semaphore_mem>>) src(%arg7 : memref<125x8xf32, #tpu.memory_space<vmem>>) dst(%dma_wait3A_14 : memref<10240x8xf32, #tpu.memory_space<vmem_shared>>)
    %dma_wait3A_15 = arith.constant 77 : i32
    %dma_wait3A_16 = arith.constant 0 : i32
    %dma_wait3A_17 = tpu.memref_slice %arg6[%dma_wait3A_15, %dma_wait3A_16] : memref<80x125xi32, #tpu.memory_space<vmem>> -> memref<1x125xi32, #tpu.memory_space<vmem>>
    %dma_wait3A_18 = tpu.memref_squeeze %dma_wait3A_17 : memref<1x125xi32, #tpu.memory_space<vmem>> -> memref<125xi32, #tpu.memory_space<vmem>>
    %dma_wait3A_19 = arith.constant 0 : i32
    %dma_wait3A_20 = arith.constant 0 : i32
    %dma_wait3A_21 = tpu.memref_slice %arg13[%dma_wait3A_19, %dma_wait3A_20] : memref<10240x8xf32, #tpu.memory_space<vmem_shared>> -> memref<10240x8xf32, #tpu.memory_space<vmem_shared>>
    tpu.wait_indirect_dma semaphore(%arg10 : memref<!tpu.dma_semaphore, #tpu.memory_space<semaphore_mem>>) src(%arg7 : memref<125x8xf32, #tpu.memory_space<vmem>>) dst(%dma_wait3A_21 : memref<10240x8xf32, #tpu.memory_space<vmem_shared>>)
    %dma_wait3A_22 = arith.constant 78 : i32
    %dma_wait3A_23 = arith.constant 0 : i32
    %dma_wait3A_24 = tpu.memref_slice %arg6[%dma_wait3A_22, %dma_wait3A_23] : memref<80x125xi32, #tpu.memory_space<vmem>> -> memref<1x125xi32, #tpu.memory_space<vmem>>
    %dma_wait3A_25 = tpu.memref_squeeze %dma_wait3A_24 : memref<1x125xi32, #tpu.memory_space<vmem>> -> memref<125xi32, #tpu.memory_space<vmem>>
    %dma_wait3A_26 = arith.constant 0 : i32
    %dma_wait3A_27 = arith.constant 0 : i32
    %dma_wait3A_28 = tpu.memref_slice %arg13[%dma_wait3A_26, %dma_wait3A_27] : memref<10240x8xf32, #tpu.memory_space<vmem_shared>> -> memref<10240x8xf32, #tpu.memory_space<vmem_shared>>
    tpu.wait_indirect_dma semaphore(%arg11 : memref<!tpu.dma_semaphore, #tpu.memory_space<semaphore_mem>>) src(%arg7 : memref<125x8xf32, #tpu.memory_space<vmem>>) dst(%dma_wait3A_28 : memref<10240x8xf32, #tpu.memory_space<vmem_shared>>)
    %dma_wait3A_29 = arith.constant 79 : i32
    %dma_wait3A_30 = arith.constant 0 : i32
    %dma_wait3A_31 = tpu.memref_slice %arg6[%dma_wait3A_29, %dma_wait3A_30] : memref<80x125xi32, #tpu.memory_space<vmem>> -> memref<1x125xi32, #tpu.memory_space<vmem>>
    %dma_wait3A_32 = tpu.memref_squeeze %dma_wait3A_31 : memref<1x125xi32, #tpu.memory_space<vmem>> -> memref<125xi32, #tpu.memory_space<vmem>>
    %dma_wait3A_33 = arith.constant 0 : i32
    %dma_wait3A_34 = arith.constant 0 : i32
    %dma_wait3A_35 = tpu.memref_slice %arg13[%dma_wait3A_33, %dma_wait3A_34] : memref<10240x8xf32, #tpu.memory_space<vmem_shared>> -> memref<10240x8xf32, #tpu.memory_space<vmem_shared>>
    tpu.wait_indirect_dma semaphore(%arg12 : memref<!tpu.dma_semaphore, #tpu.memory_space<semaphore_mem>>) src(%arg7 : memref<125x8xf32, #tpu.memory_space<vmem>>) dst(%dma_wait3A_35 : memref<10240x8xf32, #tpu.memory_space<vmem_shared>>)
    %barrier3A_36 = arith.constant 0 : index
    tpu.barrier barrier_id(%barrier3A_36)
    %mul3A_37 = arith.constant 640 : i32
    %mul3A_38 = arith.muli %arg1, %mul3A_37 : i32
    %mul3A_39 = arith.constant 640 : i32
    %mul3A_40 = arith.muli %arg1, %mul3A_39 : i32
    "tpu.region"() ({
      %run_scoped3A = tpu.sem_alloc : memref<!tpu.dma_semaphore, #tpu.memory_space<semaphore_mem>>
      %dma_start3A = arith.constant 0 : i32
      %dma_start3A_41 = tpu.memref_slice %arg5[%arg0, %mul3A_40, %dma_start3A] : memref<2x10240x8xf32, #tpu.memory_space<hbm>> -> memref<1x640x8xf32, #tpu.memory_space<hbm>>
      %dma_start3A_42 = tpu.memref_squeeze %dma_start3A_41 : memref<1x640x8xf32, #tpu.memory_space<hbm>> -> memref<640x8xf32, #tpu.memory_space<hbm>>
      %dma_start3A_43 = arith.constant 0 : i32
      %dma_start3A_44 = tpu.memref_slice %arg13[%mul3A_38, %dma_start3A_43] : memref<10240x8xf32, #tpu.memory_space<vmem_shared>> -> memref<640x8xf32, #tpu.memory_space<vmem_shared>>
      tpu.enqueue_dma source(%dma_start3A_44 : memref<640x8xf32, #tpu.memory_space<vmem_shared>>) target(%dma_start3A_42 : memref<640x8xf32, #tpu.memory_space<hbm>>) target_semaphore(%run_scoped3A : memref<!tpu.dma_semaphore, #tpu.memory_space<semaphore_mem>>)
      %dma_wait3A_45 = arith.constant 0 : i32
      %dma_wait3A_46 = tpu.memref_slice %arg5[%arg0, %mul3A_40, %dma_wait3A_45] : memref<2x10240x8xf32, #tpu.memory_space<hbm>> -> memref<1x640x8xf32, #tpu.memory_space<hbm>>
      %dma_wait3A_47 = tpu.memref_squeeze %dma_wait3A_46 : memref<1x640x8xf32, #tpu.memory_space<hbm>> -> memref<640x8xf32, #tpu.memory_space<hbm>>
      %dma_wait3A_48 = arith.constant 0 : i32
      %dma_wait3A_49 = tpu.memref_slice %arg13[%mul3A_38, %dma_wait3A_48] : memref<10240x8xf32, #tpu.memory_space<vmem_shared>> -> memref<640x8xf32, #tpu.memory_space<vmem_shared>>
      tpu.wait_dma2 semaphore(%run_scoped3A : memref<!tpu.dma_semaphore, #tpu.memory_space<semaphore_mem>>) src(%dma_wait3A_49 : memref<640x8xf32, #tpu.memory_space<vmem_shared>>) dst(%dma_wait3A_47 : memref<640x8xf32, #tpu.memory_space<hbm>>)
      tpu.yield
    }) : () -> ()
    return
  }
}

#map = affine_map<(d0, d1) -> (0, 0)>
#map1 = affine_map<(d0, d1) -> (0, 0, 0)>
module attributes {stable_mosaic.version = 14 : i64} {
  func.func @agg(%arg0: i32, %arg1: i32, %arg2: memref<10000x48xf32, #tpu.memory_space<hbm>>, %arg3: memref<16x160x125xi32, #tpu.memory_space<hbm>>, %arg4: memref<16x160x125xi32, #tpu.memory_space<hbm>>, %arg5: memref<640x48xf32, #tpu.memory_space<hbm>>, %arg6: memref<2x10240x48xf32, #tpu.memory_space<hbm>>, %arg7: memref<80x125xi32, #tpu.memory_space<vmem>>, %arg8: memref<80x125xi32, #tpu.memory_space<vmem>>, %arg9: memref<125x48xf32, #tpu.memory_space<vmem>>, %arg10: memref<125x48xf32, #tpu.memory_space<vmem>>, %arg11: memref<125x48xf32, #tpu.memory_space<vmem>>, %arg12: memref<125x48xf32, #tpu.memory_space<vmem>>, %arg13: memref<125x48xf32, #tpu.memory_space<vmem>>, %arg14: memref<!tpu.dma_semaphore, #tpu.memory_space<semaphore_mem>>, %arg15: memref<!tpu.dma_semaphore, #tpu.memory_space<semaphore_mem>>, %arg16: memref<!tpu.dma_semaphore, #tpu.memory_space<semaphore_mem>>, %arg17: memref<!tpu.dma_semaphore, #tpu.memory_space<semaphore_mem>>, %arg18: memref<!tpu.dma_semaphore, #tpu.memory_space<semaphore_mem>>, %arg19: memref<!tpu.dma_semaphore, #tpu.memory_space<semaphore_mem>>, %arg20: memref<!tpu.dma_semaphore, #tpu.memory_space<semaphore_mem>>, %arg21: memref<!tpu.dma_semaphore, #tpu.memory_space<semaphore_mem>>, %arg22: memref<!tpu.dma_semaphore, #tpu.memory_space<semaphore_mem>>, %arg23: memref<!tpu.dma_semaphore, #tpu.memory_space<semaphore_mem>>, %arg24: memref<10240x48xf32, #tpu.memory_space<vmem_shared>>) attributes {dimension_semantics = [#tpu.dimension_semantics<core_parallel>, #tpu.dimension_semantics<subcore_parallel>], iteration_bounds = array<i64: 2, 16>, scalar_prefetch = 0 : i64, scratch_operands = 18 : i64, tpu.core_type = #tpu.core_type<sc_vector_subcore>, window_params = [{transform_indices = #map}, {transform_indices = #map1}, {transform_indices = #map1}, {transform_indices = #map}, {transform_indices = #map1}]} {
    %mul3A = arith.constant 80 : i32
    %mul3A_0 = arith.muli %arg0, %mul3A : i32
    "tpu.region"() ({
      %run_scoped3A = tpu.sem_alloc : memref<!tpu.dma_semaphore, #tpu.memory_space<semaphore_mem>>
      %dma_start3A_49 = arith.constant 0 : i32
      %dma_start3A_50 = tpu.memref_slice %arg3[%arg1, %mul3A_0, %dma_start3A_49] : memref<16x160x125xi32, #tpu.memory_space<hbm>> -> memref<1x80x125xi32, #tpu.memory_space<hbm>>
      %dma_start3A_51 = tpu.memref_squeeze %dma_start3A_50 : memref<1x80x125xi32, #tpu.memory_space<hbm>> -> memref<80x125xi32, #tpu.memory_space<hbm>>
      %dma_start3A_52 = arith.constant 0 : i32
      %dma_start3A_53 = tpu.memref_slice %arg3[%arg1, %mul3A_0, %dma_start3A_52] : memref<16x160x125xi32, #tpu.memory_space<hbm>> -> memref<1x80x125xi32, #tpu.memory_space<hbm>>
      %dma_start3A_54 = tpu.memref_squeeze %dma_start3A_53 : memref<1x80x125xi32, #tpu.memory_space<hbm>> -> memref<80x125xi32, #tpu.memory_space<hbm>>
      tpu.enqueue_dma source(%dma_start3A_54 : memref<80x125xi32, #tpu.memory_space<hbm>>) target(%arg7 : memref<80x125xi32, #tpu.memory_space<vmem>>) target_semaphore(%run_scoped3A : memref<!tpu.dma_semaphore, #tpu.memory_space<semaphore_mem>>)
      %dma_wait3A_55 = arith.constant 0 : i32
      %dma_wait3A_56 = tpu.memref_slice %arg3[%arg1, %mul3A_0, %dma_wait3A_55] : memref<16x160x125xi32, #tpu.memory_space<hbm>> -> memref<1x80x125xi32, #tpu.memory_space<hbm>>
      %dma_wait3A_57 = tpu.memref_squeeze %dma_wait3A_56 : memref<1x80x125xi32, #tpu.memory_space<hbm>> -> memref<80x125xi32, #tpu.memory_space<hbm>>
      %dma_wait3A_58 = arith.constant 0 : i32
      %dma_wait3A_59 = tpu.memref_slice %arg3[%arg1, %mul3A_0, %dma_wait3A_58] : memref<16x160x125xi32, #tpu.memory_space<hbm>> -> memref<1x80x125xi32, #tpu.memory_space<hbm>>
      %dma_wait3A_60 = tpu.memref_squeeze %dma_wait3A_59 : memref<1x80x125xi32, #tpu.memory_space<hbm>> -> memref<80x125xi32, #tpu.memory_space<hbm>>
      tpu.wait_dma2 semaphore(%run_scoped3A : memref<!tpu.dma_semaphore, #tpu.memory_space<semaphore_mem>>) src(%dma_wait3A_60 : memref<80x125xi32, #tpu.memory_space<hbm>>) dst(%arg7 : memref<80x125xi32, #tpu.memory_space<vmem>>)
      tpu.yield
    }) : () -> ()
    %mul3A_1 = arith.constant 80 : i32
    %mul3A_2 = arith.muli %arg0, %mul3A_1 : i32
    "tpu.region"() ({
      %run_scoped3A = tpu.sem_alloc : memref<!tpu.dma_semaphore, #tpu.memory_space<semaphore_mem>>
      %dma_start3A_49 = arith.constant 0 : i32
      %dma_start3A_50 = tpu.memref_slice %arg4[%arg1, %mul3A_2, %dma_start3A_49] : memref<16x160x125xi32, #tpu.memory_space<hbm>> -> memref<1x80x125xi32, #tpu.memory_space<hbm>>
      %dma_start3A_51 = tpu.memref_squeeze %dma_start3A_50 : memref<1x80x125xi32, #tpu.memory_space<hbm>> -> memref<80x125xi32, #tpu.memory_space<hbm>>
      %dma_start3A_52 = arith.constant 0 : i32
      %dma_start3A_53 = tpu.memref_slice %arg4[%arg1, %mul3A_2, %dma_start3A_52] : memref<16x160x125xi32, #tpu.memory_space<hbm>> -> memref<1x80x125xi32, #tpu.memory_space<hbm>>
      %dma_start3A_54 = tpu.memref_squeeze %dma_start3A_53 : memref<1x80x125xi32, #tpu.memory_space<hbm>> -> memref<80x125xi32, #tpu.memory_space<hbm>>
      tpu.enqueue_dma source(%dma_start3A_54 : memref<80x125xi32, #tpu.memory_space<hbm>>) target(%arg8 : memref<80x125xi32, #tpu.memory_space<vmem>>) target_semaphore(%run_scoped3A : memref<!tpu.dma_semaphore, #tpu.memory_space<semaphore_mem>>)
      %dma_wait3A_55 = arith.constant 0 : i32
      %dma_wait3A_56 = tpu.memref_slice %arg4[%arg1, %mul3A_2, %dma_wait3A_55] : memref<16x160x125xi32, #tpu.memory_space<hbm>> -> memref<1x80x125xi32, #tpu.memory_space<hbm>>
      %dma_wait3A_57 = tpu.memref_squeeze %dma_wait3A_56 : memref<1x80x125xi32, #tpu.memory_space<hbm>> -> memref<80x125xi32, #tpu.memory_space<hbm>>
      %dma_wait3A_58 = arith.constant 0 : i32
      %dma_wait3A_59 = tpu.memref_slice %arg4[%arg1, %mul3A_2, %dma_wait3A_58] : memref<16x160x125xi32, #tpu.memory_space<hbm>> -> memref<1x80x125xi32, #tpu.memory_space<hbm>>
      %dma_wait3A_60 = tpu.memref_squeeze %dma_wait3A_59 : memref<1x80x125xi32, #tpu.memory_space<hbm>> -> memref<80x125xi32, #tpu.memory_space<hbm>>
      tpu.wait_dma2 semaphore(%run_scoped3A : memref<!tpu.dma_semaphore, #tpu.memory_space<semaphore_mem>>) src(%dma_wait3A_60 : memref<80x125xi32, #tpu.memory_space<hbm>>) dst(%arg8 : memref<80x125xi32, #tpu.memory_space<vmem>>)
      tpu.yield
    }) : () -> ()
    %mul3A_3 = arith.constant 640 : i32
    %mul3A_4 = arith.muli %arg1, %mul3A_3 : i32
    "tpu.region"() ({
      %run_scoped3A = tpu.sem_alloc : memref<!tpu.dma_semaphore, #tpu.memory_space<semaphore_mem>>
      %dma_start3A_49 = arith.constant 0 : i32
      %dma_start3A_50 = tpu.memref_slice %arg24[%mul3A_4, %dma_start3A_49] : memref<10240x48xf32, #tpu.memory_space<vmem_shared>> -> memref<640x48xf32, #tpu.memory_space<vmem_shared>>
      tpu.enqueue_dma source(%arg5 : memref<640x48xf32, #tpu.memory_space<hbm>>) target(%dma_start3A_50 : memref<640x48xf32, #tpu.memory_space<vmem_shared>>) target_semaphore(%run_scoped3A : memref<!tpu.dma_semaphore, #tpu.memory_space<semaphore_mem>>)
      %dma_wait3A_51 = arith.constant 0 : i32
      %dma_wait3A_52 = tpu.memref_slice %arg24[%mul3A_4, %dma_wait3A_51] : memref<10240x48xf32, #tpu.memory_space<vmem_shared>> -> memref<640x48xf32, #tpu.memory_space<vmem_shared>>
      tpu.wait_dma2 semaphore(%run_scoped3A : memref<!tpu.dma_semaphore, #tpu.memory_space<semaphore_mem>>) src(%arg5 : memref<640x48xf32, #tpu.memory_space<hbm>>) dst(%dma_wait3A_52 : memref<640x48xf32, #tpu.memory_space<vmem_shared>>)
      tpu.yield
    }) : () -> ()
    %barrier3A = arith.constant 0 : index
    tpu.barrier barrier_id(%barrier3A)
    %dma_start3A = arith.constant 0 : i32
    %dma_start3A_5 = arith.constant 0 : i32
    %dma_start3A_6 = tpu.memref_slice %arg7[%dma_start3A, %dma_start3A_5] : memref<80x125xi32, #tpu.memory_space<vmem>> -> memref<1x125xi32, #tpu.memory_space<vmem>>
    %dma_start3A_7 = tpu.memref_squeeze %dma_start3A_6 : memref<1x125xi32, #tpu.memory_space<vmem>> -> memref<125xi32, #tpu.memory_space<vmem>>
    %dma_start3A_8 = arith.constant 0 : i32
    %dma_start3A_9 = arith.constant 0 : i32
    %dma_start3A_10 = tpu.memref_slice %arg2[%dma_start3A_8, %dma_start3A_9] : memref<10000x48xf32, #tpu.memory_space<hbm>> -> memref<10000x48xf32, #tpu.memory_space<hbm>>
    tpu.enqueue_indirect_dma source(%dma_start3A_10 : memref<10000x48xf32, #tpu.memory_space<hbm>>) target(%arg9 : memref<125x48xf32, #tpu.memory_space<vmem>>) offsets(%dma_start3A_7 : memref<125xi32, #tpu.memory_space<vmem>>) semaphore(%arg14 : memref<!tpu.dma_semaphore, #tpu.memory_space<semaphore_mem>>)
    %dma_start3A_11 = arith.constant 1 : i32
    %dma_start3A_12 = arith.constant 0 : i32
    %dma_start3A_13 = tpu.memref_slice %arg7[%dma_start3A_11, %dma_start3A_12] : memref<80x125xi32, #tpu.memory_space<vmem>> -> memref<1x125xi32, #tpu.memory_space<vmem>>
    %dma_start3A_14 = tpu.memref_squeeze %dma_start3A_13 : memref<1x125xi32, #tpu.memory_space<vmem>> -> memref<125xi32, #tpu.memory_space<vmem>>
    %dma_start3A_15 = arith.constant 0 : i32
    %dma_start3A_16 = arith.constant 0 : i32
    %dma_start3A_17 = tpu.memref_slice %arg2[%dma_start3A_15, %dma_start3A_16] : memref<10000x48xf32, #tpu.memory_space<hbm>> -> memref<10000x48xf32, #tpu.memory_space<hbm>>
    tpu.enqueue_indirect_dma source(%dma_start3A_17 : memref<10000x48xf32, #tpu.memory_space<hbm>>) target(%arg10 : memref<125x48xf32, #tpu.memory_space<vmem>>) offsets(%dma_start3A_14 : memref<125xi32, #tpu.memory_space<vmem>>) semaphore(%arg15 : memref<!tpu.dma_semaphore, #tpu.memory_space<semaphore_mem>>)
    %dma_start3A_18 = arith.constant 2 : i32
    %dma_start3A_19 = arith.constant 0 : i32
    %dma_start3A_20 = tpu.memref_slice %arg7[%dma_start3A_18, %dma_start3A_19] : memref<80x125xi32, #tpu.memory_space<vmem>> -> memref<1x125xi32, #tpu.memory_space<vmem>>
    %dma_start3A_21 = tpu.memref_squeeze %dma_start3A_20 : memref<1x125xi32, #tpu.memory_space<vmem>> -> memref<125xi32, #tpu.memory_space<vmem>>
    %dma_start3A_22 = arith.constant 0 : i32
    %dma_start3A_23 = arith.constant 0 : i32
    %dma_start3A_24 = tpu.memref_slice %arg2[%dma_start3A_22, %dma_start3A_23] : memref<10000x48xf32, #tpu.memory_space<hbm>> -> memref<10000x48xf32, #tpu.memory_space<hbm>>
    tpu.enqueue_indirect_dma source(%dma_start3A_24 : memref<10000x48xf32, #tpu.memory_space<hbm>>) target(%arg11 : memref<125x48xf32, #tpu.memory_space<vmem>>) offsets(%dma_start3A_21 : memref<125xi32, #tpu.memory_space<vmem>>) semaphore(%arg16 : memref<!tpu.dma_semaphore, #tpu.memory_space<semaphore_mem>>)
    %dma_start3A_25 = arith.constant 3 : i32
    %dma_start3A_26 = arith.constant 0 : i32
    %dma_start3A_27 = tpu.memref_slice %arg7[%dma_start3A_25, %dma_start3A_26] : memref<80x125xi32, #tpu.memory_space<vmem>> -> memref<1x125xi32, #tpu.memory_space<vmem>>
    %dma_start3A_28 = tpu.memref_squeeze %dma_start3A_27 : memref<1x125xi32, #tpu.memory_space<vmem>> -> memref<125xi32, #tpu.memory_space<vmem>>
    %dma_start3A_29 = arith.constant 0 : i32
    %dma_start3A_30 = arith.constant 0 : i32
    %dma_start3A_31 = tpu.memref_slice %arg2[%dma_start3A_29, %dma_start3A_30] : memref<10000x48xf32, #tpu.memory_space<hbm>> -> memref<10000x48xf32, #tpu.memory_space<hbm>>
    tpu.enqueue_indirect_dma source(%dma_start3A_31 : memref<10000x48xf32, #tpu.memory_space<hbm>>) target(%arg12 : memref<125x48xf32, #tpu.memory_space<vmem>>) offsets(%dma_start3A_28 : memref<125xi32, #tpu.memory_space<vmem>>) semaphore(%arg17 : memref<!tpu.dma_semaphore, #tpu.memory_space<semaphore_mem>>)
    %scan3A = arith.constant 0 : i32
    %scan3A_32 = arith.constant 0 : i32
    %scan3A_33 = arith.constant 16 : i32
    %scan3A_34 = arith.addi %scan3A_32, %scan3A_33 : i32
    %scan3A_35 = arith.constant 1 : i32
    %scan3A_36 = scf.for %scan3A_49 = %scan3A_32 to %scan3A_34 step %scan3A_35 iter_args(%scan3A_50 = %scan3A) -> (i32)  : i32 {
      %mul3A_51 = arith.constant 5 : i32
      %mul3A_52 = arith.muli %mul3A_51, %scan3A_49 : i32
      %add3A = arith.constant 0 : i32
      %add3A_53 = arith.addi %mul3A_52, %add3A : i32
      %dma_wait3A_54 = arith.constant 0 : i32
      %dma_wait3A_55 = tpu.memref_slice %arg7[%add3A_53, %dma_wait3A_54] : memref<80x125xi32, #tpu.memory_space<vmem>> -> memref<1x125xi32, #tpu.memory_space<vmem>>
      %dma_wait3A_56 = tpu.memref_squeeze %dma_wait3A_55 : memref<1x125xi32, #tpu.memory_space<vmem>> -> memref<125xi32, #tpu.memory_space<vmem>>
      %dma_wait3A_57 = arith.constant 0 : i32
      %dma_wait3A_58 = arith.constant 0 : i32
      %dma_wait3A_59 = tpu.memref_slice %arg2[%dma_wait3A_57, %dma_wait3A_58] : memref<10000x48xf32, #tpu.memory_space<hbm>> -> memref<10000x48xf32, #tpu.memory_space<hbm>>
      tpu.wait_indirect_dma semaphore(%arg14 : memref<!tpu.dma_semaphore, #tpu.memory_space<semaphore_mem>>) src(%dma_wait3A_59 : memref<10000x48xf32, #tpu.memory_space<hbm>>) dst(%arg9 : memref<125x48xf32, #tpu.memory_space<vmem>>)
      %dma_start3A_60 = arith.constant 0 : i32
      %dma_start3A_61 = tpu.memref_slice %arg8[%add3A_53, %dma_start3A_60] : memref<80x125xi32, #tpu.memory_space<vmem>> -> memref<1x125xi32, #tpu.memory_space<vmem>>
      %dma_start3A_62 = tpu.memref_squeeze %dma_start3A_61 : memref<1x125xi32, #tpu.memory_space<vmem>> -> memref<125xi32, #tpu.memory_space<vmem>>
      %dma_start3A_63 = arith.constant 0 : i32
      %dma_start3A_64 = arith.constant 0 : i32
      %dma_start3A_65 = tpu.memref_slice %arg24[%dma_start3A_63, %dma_start3A_64] : memref<10240x48xf32, #tpu.memory_space<vmem_shared>> -> memref<10240x48xf32, #tpu.memory_space<vmem_shared>>
      tpu.enqueue_indirect_dma source(%arg9 : memref<125x48xf32, #tpu.memory_space<vmem>>) target(%dma_start3A_65 : memref<10240x48xf32, #tpu.memory_space<vmem_shared>>) offsets(%dma_start3A_62 : memref<125xi32, #tpu.memory_space<vmem>>) semaphore(%arg19 : memref<!tpu.dma_semaphore, #tpu.memory_space<semaphore_mem>>) {add = true}
      %ge3A = arith.constant 1 : i32
      %ge3A_66 = arith.cmpi sge, %add3A_53, %ge3A : i32
      %convert_element_type3A = arith.extui %ge3A_66 : i1 to i32
      %cond3A = arith.constant 0 : i32
      %cond3A_67 = arith.cmpi ne, %convert_element_type3A, %cond3A : i32
      scf.if %cond3A_67 {
        %sub3A_196 = arith.constant 1 : i32
        %sub3A_197 = arith.subi %add3A_53, %sub3A_196 : i32
        %dma_wait3A_198 = arith.constant 0 : i32
        %dma_wait3A_199 = tpu.memref_slice %arg8[%sub3A_197, %dma_wait3A_198] : memref<80x125xi32, #tpu.memory_space<vmem>> -> memref<1x125xi32, #tpu.memory_space<vmem>>
        %dma_wait3A_200 = tpu.memref_squeeze %dma_wait3A_199 : memref<1x125xi32, #tpu.memory_space<vmem>> -> memref<125xi32, #tpu.memory_space<vmem>>
        %dma_wait3A_201 = arith.constant 0 : i32
        %dma_wait3A_202 = arith.constant 0 : i32
        %dma_wait3A_203 = tpu.memref_slice %arg24[%dma_wait3A_201, %dma_wait3A_202] : memref<10240x48xf32, #tpu.memory_space<vmem_shared>> -> memref<10240x48xf32, #tpu.memory_space<vmem_shared>>
        tpu.wait_indirect_dma semaphore(%arg23 : memref<!tpu.dma_semaphore, #tpu.memory_space<semaphore_mem>>) src(%arg13 : memref<125x48xf32, #tpu.memory_space<vmem>>) dst(%dma_wait3A_203 : memref<10240x48xf32, #tpu.memory_space<vmem_shared>>)
      } else {
      }
      %add3A_68 = arith.constant 5 : i32
      %add3A_69 = arith.addi %add3A_53, %add3A_68 : i32
      %sub3A = arith.constant 1 : i32
      %sub3A_70 = arith.subi %add3A_69, %sub3A : i32
      %lt3A = arith.constant 80 : i32
      %lt3A_71 = arith.cmpi slt, %sub3A_70, %lt3A : i32
      %convert_element_type3A_72 = arith.extui %lt3A_71 : i1 to i32
      %cond3A_73 = arith.constant 0 : i32
      %cond3A_74 = arith.cmpi ne, %convert_element_type3A_72, %cond3A_73 : i32
      scf.if %cond3A_74 {
        %add3A_196 = arith.constant 5 : i32
        %add3A_197 = arith.addi %add3A_53, %add3A_196 : i32
        %sub3A_198 = arith.constant 1 : i32
        %sub3A_199 = arith.subi %add3A_197, %sub3A_198 : i32
        %dma_start3A_200 = arith.constant 0 : i32
        %dma_start3A_201 = tpu.memref_slice %arg7[%sub3A_199, %dma_start3A_200] : memref<80x125xi32, #tpu.memory_space<vmem>> -> memref<1x125xi32, #tpu.memory_space<vmem>>
        %dma_start3A_202 = tpu.memref_squeeze %dma_start3A_201 : memref<1x125xi32, #tpu.memory_space<vmem>> -> memref<125xi32, #tpu.memory_space<vmem>>
        %dma_start3A_203 = arith.constant 0 : i32
        %dma_start3A_204 = arith.constant 0 : i32
        %dma_start3A_205 = tpu.memref_slice %arg2[%dma_start3A_203, %dma_start3A_204] : memref<10000x48xf32, #tpu.memory_space<hbm>> -> memref<10000x48xf32, #tpu.memory_space<hbm>>
        tpu.enqueue_indirect_dma source(%dma_start3A_205 : memref<10000x48xf32, #tpu.memory_space<hbm>>) target(%arg13 : memref<125x48xf32, #tpu.memory_space<vmem>>) offsets(%dma_start3A_202 : memref<125xi32, #tpu.memory_space<vmem>>) semaphore(%arg18 : memref<!tpu.dma_semaphore, #tpu.memory_space<semaphore_mem>>)
      } else {
      }
      %mul3A_75 = arith.constant 5 : i32
      %mul3A_76 = arith.muli %mul3A_75, %scan3A_49 : i32
      %add3A_77 = arith.constant 1 : i32
      %add3A_78 = arith.addi %mul3A_76, %add3A_77 : i32
      %dma_wait3A_79 = arith.constant 0 : i32
      %dma_wait3A_80 = tpu.memref_slice %arg7[%add3A_78, %dma_wait3A_79] : memref<80x125xi32, #tpu.memory_space<vmem>> -> memref<1x125xi32, #tpu.memory_space<vmem>>
      %dma_wait3A_81 = tpu.memref_squeeze %dma_wait3A_80 : memref<1x125xi32, #tpu.memory_space<vmem>> -> memref<125xi32, #tpu.memory_space<vmem>>
      %dma_wait3A_82 = arith.constant 0 : i32
      %dma_wait3A_83 = arith.constant 0 : i32
      %dma_wait3A_84 = tpu.memref_slice %arg2[%dma_wait3A_82, %dma_wait3A_83] : memref<10000x48xf32, #tpu.memory_space<hbm>> -> memref<10000x48xf32, #tpu.memory_space<hbm>>
      tpu.wait_indirect_dma semaphore(%arg15 : memref<!tpu.dma_semaphore, #tpu.memory_space<semaphore_mem>>) src(%dma_wait3A_84 : memref<10000x48xf32, #tpu.memory_space<hbm>>) dst(%arg10 : memref<125x48xf32, #tpu.memory_space<vmem>>)
      %dma_start3A_85 = arith.constant 0 : i32
      %dma_start3A_86 = tpu.memref_slice %arg8[%add3A_78, %dma_start3A_85] : memref<80x125xi32, #tpu.memory_space<vmem>> -> memref<1x125xi32, #tpu.memory_space<vmem>>
      %dma_start3A_87 = tpu.memref_squeeze %dma_start3A_86 : memref<1x125xi32, #tpu.memory_space<vmem>> -> memref<125xi32, #tpu.memory_space<vmem>>
      %dma_start3A_88 = arith.constant 0 : i32
      %dma_start3A_89 = arith.constant 0 : i32
      %dma_start3A_90 = tpu.memref_slice %arg24[%dma_start3A_88, %dma_start3A_89] : memref<10240x48xf32, #tpu.memory_space<vmem_shared>> -> memref<10240x48xf32, #tpu.memory_space<vmem_shared>>
      tpu.enqueue_indirect_dma source(%arg10 : memref<125x48xf32, #tpu.memory_space<vmem>>) target(%dma_start3A_90 : memref<10240x48xf32, #tpu.memory_space<vmem_shared>>) offsets(%dma_start3A_87 : memref<125xi32, #tpu.memory_space<vmem>>) semaphore(%arg20 : memref<!tpu.dma_semaphore, #tpu.memory_space<semaphore_mem>>) {add = true}
      %ge3A_91 = arith.constant 1 : i32
      %ge3A_92 = arith.cmpi sge, %add3A_78, %ge3A_91 : i32
      %convert_element_type3A_93 = arith.extui %ge3A_92 : i1 to i32
      %cond3A_94 = arith.constant 0 : i32
      %cond3A_95 = arith.cmpi ne, %convert_element_type3A_93, %cond3A_94 : i32
      scf.if %cond3A_95 {
        %sub3A_196 = arith.constant 1 : i32
        %sub3A_197 = arith.subi %add3A_78, %sub3A_196 : i32
        %dma_wait3A_198 = arith.constant 0 : i32
        %dma_wait3A_199 = tpu.memref_slice %arg8[%sub3A_197, %dma_wait3A_198] : memref<80x125xi32, #tpu.memory_space<vmem>> -> memref<1x125xi32, #tpu.memory_space<vmem>>
        %dma_wait3A_200 = tpu.memref_squeeze %dma_wait3A_199 : memref<1x125xi32, #tpu.memory_space<vmem>> -> memref<125xi32, #tpu.memory_space<vmem>>
        %dma_wait3A_201 = arith.constant 0 : i32
        %dma_wait3A_202 = arith.constant 0 : i32
        %dma_wait3A_203 = tpu.memref_slice %arg24[%dma_wait3A_201, %dma_wait3A_202] : memref<10240x48xf32, #tpu.memory_space<vmem_shared>> -> memref<10240x48xf32, #tpu.memory_space<vmem_shared>>
        tpu.wait_indirect_dma semaphore(%arg19 : memref<!tpu.dma_semaphore, #tpu.memory_space<semaphore_mem>>) src(%arg9 : memref<125x48xf32, #tpu.memory_space<vmem>>) dst(%dma_wait3A_203 : memref<10240x48xf32, #tpu.memory_space<vmem_shared>>)
      } else {
      }
      %add3A_96 = arith.constant 5 : i32
      %add3A_97 = arith.addi %add3A_78, %add3A_96 : i32
      %sub3A_98 = arith.constant 1 : i32
      %sub3A_99 = arith.subi %add3A_97, %sub3A_98 : i32
      %lt3A_100 = arith.constant 80 : i32
      %lt3A_101 = arith.cmpi slt, %sub3A_99, %lt3A_100 : i32
      %convert_element_type3A_102 = arith.extui %lt3A_101 : i1 to i32
      %cond3A_103 = arith.constant 0 : i32
      %cond3A_104 = arith.cmpi ne, %convert_element_type3A_102, %cond3A_103 : i32
      scf.if %cond3A_104 {
        %add3A_196 = arith.constant 5 : i32
        %add3A_197 = arith.addi %add3A_78, %add3A_196 : i32
        %sub3A_198 = arith.constant 1 : i32
        %sub3A_199 = arith.subi %add3A_197, %sub3A_198 : i32
        %dma_start3A_200 = arith.constant 0 : i32
        %dma_start3A_201 = tpu.memref_slice %arg7[%sub3A_199, %dma_start3A_200] : memref<80x125xi32, #tpu.memory_space<vmem>> -> memref<1x125xi32, #tpu.memory_space<vmem>>
        %dma_start3A_202 = tpu.memref_squeeze %dma_start3A_201 : memref<1x125xi32, #tpu.memory_space<vmem>> -> memref<125xi32, #tpu.memory_space<vmem>>
        %dma_start3A_203 = arith.constant 0 : i32
        %dma_start3A_204 = arith.constant 0 : i32
        %dma_start3A_205 = tpu.memref_slice %arg2[%dma_start3A_203, %dma_start3A_204] : memref<10000x48xf32, #tpu.memory_space<hbm>> -> memref<10000x48xf32, #tpu.memory_space<hbm>>
        tpu.enqueue_indirect_dma source(%dma_start3A_205 : memref<10000x48xf32, #tpu.memory_space<hbm>>) target(%arg9 : memref<125x48xf32, #tpu.memory_space<vmem>>) offsets(%dma_start3A_202 : memref<125xi32, #tpu.memory_space<vmem>>) semaphore(%arg14 : memref<!tpu.dma_semaphore, #tpu.memory_space<semaphore_mem>>)
      } else {
      }
      %mul3A_105 = arith.constant 5 : i32
      %mul3A_106 = arith.muli %mul3A_105, %scan3A_49 : i32
      %add3A_107 = arith.constant 2 : i32
      %add3A_108 = arith.addi %mul3A_106, %add3A_107 : i32
      %dma_wait3A_109 = arith.constant 0 : i32
      %dma_wait3A_110 = tpu.memref_slice %arg7[%add3A_108, %dma_wait3A_109] : memref<80x125xi32, #tpu.memory_space<vmem>> -> memref<1x125xi32, #tpu.memory_space<vmem>>
      %dma_wait3A_111 = tpu.memref_squeeze %dma_wait3A_110 : memref<1x125xi32, #tpu.memory_space<vmem>> -> memref<125xi32, #tpu.memory_space<vmem>>
      %dma_wait3A_112 = arith.constant 0 : i32
      %dma_wait3A_113 = arith.constant 0 : i32
      %dma_wait3A_114 = tpu.memref_slice %arg2[%dma_wait3A_112, %dma_wait3A_113] : memref<10000x48xf32, #tpu.memory_space<hbm>> -> memref<10000x48xf32, #tpu.memory_space<hbm>>
      tpu.wait_indirect_dma semaphore(%arg16 : memref<!tpu.dma_semaphore, #tpu.memory_space<semaphore_mem>>) src(%dma_wait3A_114 : memref<10000x48xf32, #tpu.memory_space<hbm>>) dst(%arg11 : memref<125x48xf32, #tpu.memory_space<vmem>>)
      %dma_start3A_115 = arith.constant 0 : i32
      %dma_start3A_116 = tpu.memref_slice %arg8[%add3A_108, %dma_start3A_115] : memref<80x125xi32, #tpu.memory_space<vmem>> -> memref<1x125xi32, #tpu.memory_space<vmem>>
      %dma_start3A_117 = tpu.memref_squeeze %dma_start3A_116 : memref<1x125xi32, #tpu.memory_space<vmem>> -> memref<125xi32, #tpu.memory_space<vmem>>
      %dma_start3A_118 = arith.constant 0 : i32
      %dma_start3A_119 = arith.constant 0 : i32
      %dma_start3A_120 = tpu.memref_slice %arg24[%dma_start3A_118, %dma_start3A_119] : memref<10240x48xf32, #tpu.memory_space<vmem_shared>> -> memref<10240x48xf32, #tpu.memory_space<vmem_shared>>
      tpu.enqueue_indirect_dma source(%arg11 : memref<125x48xf32, #tpu.memory_space<vmem>>) target(%dma_start3A_120 : memref<10240x48xf32, #tpu.memory_space<vmem_shared>>) offsets(%dma_start3A_117 : memref<125xi32, #tpu.memory_space<vmem>>) semaphore(%arg21 : memref<!tpu.dma_semaphore, #tpu.memory_space<semaphore_mem>>) {add = true}
      %ge3A_121 = arith.constant 1 : i32
      %ge3A_122 = arith.cmpi sge, %add3A_108, %ge3A_121 : i32
      %convert_element_type3A_123 = arith.extui %ge3A_122 : i1 to i32
      %cond3A_124 = arith.constant 0 : i32
      %cond3A_125 = arith.cmpi ne, %convert_element_type3A_123, %cond3A_124 : i32
      scf.if %cond3A_125 {
        %sub3A_196 = arith.constant 1 : i32
        %sub3A_197 = arith.subi %add3A_108, %sub3A_196 : i32
        %dma_wait3A_198 = arith.constant 0 : i32
        %dma_wait3A_199 = tpu.memref_slice %arg8[%sub3A_197, %dma_wait3A_198] : memref<80x125xi32, #tpu.memory_space<vmem>> -> memref<1x125xi32, #tpu.memory_space<vmem>>
        %dma_wait3A_200 = tpu.memref_squeeze %dma_wait3A_199 : memref<1x125xi32, #tpu.memory_space<vmem>> -> memref<125xi32, #tpu.memory_space<vmem>>
        %dma_wait3A_201 = arith.constant 0 : i32
        %dma_wait3A_202 = arith.constant 0 : i32
        %dma_wait3A_203 = tpu.memref_slice %arg24[%dma_wait3A_201, %dma_wait3A_202] : memref<10240x48xf32, #tpu.memory_space<vmem_shared>> -> memref<10240x48xf32, #tpu.memory_space<vmem_shared>>
        tpu.wait_indirect_dma semaphore(%arg20 : memref<!tpu.dma_semaphore, #tpu.memory_space<semaphore_mem>>) src(%arg10 : memref<125x48xf32, #tpu.memory_space<vmem>>) dst(%dma_wait3A_203 : memref<10240x48xf32, #tpu.memory_space<vmem_shared>>)
      } else {
      }
      %add3A_126 = arith.constant 5 : i32
      %add3A_127 = arith.addi %add3A_108, %add3A_126 : i32
      %sub3A_128 = arith.constant 1 : i32
      %sub3A_129 = arith.subi %add3A_127, %sub3A_128 : i32
      %lt3A_130 = arith.constant 80 : i32
      %lt3A_131 = arith.cmpi slt, %sub3A_129, %lt3A_130 : i32
      %convert_element_type3A_132 = arith.extui %lt3A_131 : i1 to i32
      %cond3A_133 = arith.constant 0 : i32
      %cond3A_134 = arith.cmpi ne, %convert_element_type3A_132, %cond3A_133 : i32
      scf.if %cond3A_134 {
        %add3A_196 = arith.constant 5 : i32
        %add3A_197 = arith.addi %add3A_108, %add3A_196 : i32
        %sub3A_198 = arith.constant 1 : i32
        %sub3A_199 = arith.subi %add3A_197, %sub3A_198 : i32
        %dma_start3A_200 = arith.constant 0 : i32
        %dma_start3A_201 = tpu.memref_slice %arg7[%sub3A_199, %dma_start3A_200] : memref<80x125xi32, #tpu.memory_space<vmem>> -> memref<1x125xi32, #tpu.memory_space<vmem>>
        %dma_start3A_202 = tpu.memref_squeeze %dma_start3A_201 : memref<1x125xi32, #tpu.memory_space<vmem>> -> memref<125xi32, #tpu.memory_space<vmem>>
        %dma_start3A_203 = arith.constant 0 : i32
        %dma_start3A_204 = arith.constant 0 : i32
        %dma_start3A_205 = tpu.memref_slice %arg2[%dma_start3A_203, %dma_start3A_204] : memref<10000x48xf32, #tpu.memory_space<hbm>> -> memref<10000x48xf32, #tpu.memory_space<hbm>>
        tpu.enqueue_indirect_dma source(%dma_start3A_205 : memref<10000x48xf32, #tpu.memory_space<hbm>>) target(%arg10 : memref<125x48xf32, #tpu.memory_space<vmem>>) offsets(%dma_start3A_202 : memref<125xi32, #tpu.memory_space<vmem>>) semaphore(%arg15 : memref<!tpu.dma_semaphore, #tpu.memory_space<semaphore_mem>>)
      } else {
      }
      %mul3A_135 = arith.constant 5 : i32
      %mul3A_136 = arith.muli %mul3A_135, %scan3A_49 : i32
      %add3A_137 = arith.constant 3 : i32
      %add3A_138 = arith.addi %mul3A_136, %add3A_137 : i32
      %dma_wait3A_139 = arith.constant 0 : i32
      %dma_wait3A_140 = tpu.memref_slice %arg7[%add3A_138, %dma_wait3A_139] : memref<80x125xi32, #tpu.memory_space<vmem>> -> memref<1x125xi32, #tpu.memory_space<vmem>>
      %dma_wait3A_141 = tpu.memref_squeeze %dma_wait3A_140 : memref<1x125xi32, #tpu.memory_space<vmem>> -> memref<125xi32, #tpu.memory_space<vmem>>
      %dma_wait3A_142 = arith.constant 0 : i32
      %dma_wait3A_143 = arith.constant 0 : i32
      %dma_wait3A_144 = tpu.memref_slice %arg2[%dma_wait3A_142, %dma_wait3A_143] : memref<10000x48xf32, #tpu.memory_space<hbm>> -> memref<10000x48xf32, #tpu.memory_space<hbm>>
      tpu.wait_indirect_dma semaphore(%arg17 : memref<!tpu.dma_semaphore, #tpu.memory_space<semaphore_mem>>) src(%dma_wait3A_144 : memref<10000x48xf32, #tpu.memory_space<hbm>>) dst(%arg12 : memref<125x48xf32, #tpu.memory_space<vmem>>)
      %dma_start3A_145 = arith.constant 0 : i32
      %dma_start3A_146 = tpu.memref_slice %arg8[%add3A_138, %dma_start3A_145] : memref<80x125xi32, #tpu.memory_space<vmem>> -> memref<1x125xi32, #tpu.memory_space<vmem>>
      %dma_start3A_147 = tpu.memref_squeeze %dma_start3A_146 : memref<1x125xi32, #tpu.memory_space<vmem>> -> memref<125xi32, #tpu.memory_space<vmem>>
      %dma_start3A_148 = arith.constant 0 : i32
      %dma_start3A_149 = arith.constant 0 : i32
      %dma_start3A_150 = tpu.memref_slice %arg24[%dma_start3A_148, %dma_start3A_149] : memref<10240x48xf32, #tpu.memory_space<vmem_shared>> -> memref<10240x48xf32, #tpu.memory_space<vmem_shared>>
      tpu.enqueue_indirect_dma source(%arg12 : memref<125x48xf32, #tpu.memory_space<vmem>>) target(%dma_start3A_150 : memref<10240x48xf32, #tpu.memory_space<vmem_shared>>) offsets(%dma_start3A_147 : memref<125xi32, #tpu.memory_space<vmem>>) semaphore(%arg22 : memref<!tpu.dma_semaphore, #tpu.memory_space<semaphore_mem>>) {add = true}
      %ge3A_151 = arith.constant 1 : i32
      %ge3A_152 = arith.cmpi sge, %add3A_138, %ge3A_151 : i32
      %convert_element_type3A_153 = arith.extui %ge3A_152 : i1 to i32
      %cond3A_154 = arith.constant 0 : i32
      %cond3A_155 = arith.cmpi ne, %convert_element_type3A_153, %cond3A_154 : i32
      scf.if %cond3A_155 {
        %sub3A_196 = arith.constant 1 : i32
        %sub3A_197 = arith.subi %add3A_138, %sub3A_196 : i32
        %dma_wait3A_198 = arith.constant 0 : i32
        %dma_wait3A_199 = tpu.memref_slice %arg8[%sub3A_197, %dma_wait3A_198] : memref<80x125xi32, #tpu.memory_space<vmem>> -> memref<1x125xi32, #tpu.memory_space<vmem>>
        %dma_wait3A_200 = tpu.memref_squeeze %dma_wait3A_199 : memref<1x125xi32, #tpu.memory_space<vmem>> -> memref<125xi32, #tpu.memory_space<vmem>>
        %dma_wait3A_201 = arith.constant 0 : i32
        %dma_wait3A_202 = arith.constant 0 : i32
        %dma_wait3A_203 = tpu.memref_slice %arg24[%dma_wait3A_201, %dma_wait3A_202] : memref<10240x48xf32, #tpu.memory_space<vmem_shared>> -> memref<10240x48xf32, #tpu.memory_space<vmem_shared>>
        tpu.wait_indirect_dma semaphore(%arg21 : memref<!tpu.dma_semaphore, #tpu.memory_space<semaphore_mem>>) src(%arg11 : memref<125x48xf32, #tpu.memory_space<vmem>>) dst(%dma_wait3A_203 : memref<10240x48xf32, #tpu.memory_space<vmem_shared>>)
      } else {
      }
      %add3A_156 = arith.constant 5 : i32
      %add3A_157 = arith.addi %add3A_138, %add3A_156 : i32
      %sub3A_158 = arith.constant 1 : i32
      %sub3A_159 = arith.subi %add3A_157, %sub3A_158 : i32
      %lt3A_160 = arith.constant 80 : i32
      %lt3A_161 = arith.cmpi slt, %sub3A_159, %lt3A_160 : i32
      %convert_element_type3A_162 = arith.extui %lt3A_161 : i1 to i32
      %cond3A_163 = arith.constant 0 : i32
      %cond3A_164 = arith.cmpi ne, %convert_element_type3A_162, %cond3A_163 : i32
      scf.if %cond3A_164 {
        %add3A_196 = arith.constant 5 : i32
        %add3A_197 = arith.addi %add3A_138, %add3A_196 : i32
        %sub3A_198 = arith.constant 1 : i32
        %sub3A_199 = arith.subi %add3A_197, %sub3A_198 : i32
        %dma_start3A_200 = arith.constant 0 : i32
        %dma_start3A_201 = tpu.memref_slice %arg7[%sub3A_199, %dma_start3A_200] : memref<80x125xi32, #tpu.memory_space<vmem>> -> memref<1x125xi32, #tpu.memory_space<vmem>>
        %dma_start3A_202 = tpu.memref_squeeze %dma_start3A_201 : memref<1x125xi32, #tpu.memory_space<vmem>> -> memref<125xi32, #tpu.memory_space<vmem>>
        %dma_start3A_203 = arith.constant 0 : i32
        %dma_start3A_204 = arith.constant 0 : i32
        %dma_start3A_205 = tpu.memref_slice %arg2[%dma_start3A_203, %dma_start3A_204] : memref<10000x48xf32, #tpu.memory_space<hbm>> -> memref<10000x48xf32, #tpu.memory_space<hbm>>
        tpu.enqueue_indirect_dma source(%dma_start3A_205 : memref<10000x48xf32, #tpu.memory_space<hbm>>) target(%arg11 : memref<125x48xf32, #tpu.memory_space<vmem>>) offsets(%dma_start3A_202 : memref<125xi32, #tpu.memory_space<vmem>>) semaphore(%arg16 : memref<!tpu.dma_semaphore, #tpu.memory_space<semaphore_mem>>)
      } else {
      }
      %mul3A_165 = arith.constant 5 : i32
      %mul3A_166 = arith.muli %mul3A_165, %scan3A_49 : i32
      %add3A_167 = arith.constant 4 : i32
      %add3A_168 = arith.addi %mul3A_166, %add3A_167 : i32
      %dma_wait3A_169 = arith.constant 0 : i32
      %dma_wait3A_170 = tpu.memref_slice %arg7[%add3A_168, %dma_wait3A_169] : memref<80x125xi32, #tpu.memory_space<vmem>> -> memref<1x125xi32, #tpu.memory_space<vmem>>
      %dma_wait3A_171 = tpu.memref_squeeze %dma_wait3A_170 : memref<1x125xi32, #tpu.memory_space<vmem>> -> memref<125xi32, #tpu.memory_space<vmem>>
      %dma_wait3A_172 = arith.constant 0 : i32
      %dma_wait3A_173 = arith.constant 0 : i32
      %dma_wait3A_174 = tpu.memref_slice %arg2[%dma_wait3A_172, %dma_wait3A_173] : memref<10000x48xf32, #tpu.memory_space<hbm>> -> memref<10000x48xf32, #tpu.memory_space<hbm>>
      tpu.wait_indirect_dma semaphore(%arg18 : memref<!tpu.dma_semaphore, #tpu.memory_space<semaphore_mem>>) src(%dma_wait3A_174 : memref<10000x48xf32, #tpu.memory_space<hbm>>) dst(%arg13 : memref<125x48xf32, #tpu.memory_space<vmem>>)
      %dma_start3A_175 = arith.constant 0 : i32
      %dma_start3A_176 = tpu.memref_slice %arg8[%add3A_168, %dma_start3A_175] : memref<80x125xi32, #tpu.memory_space<vmem>> -> memref<1x125xi32, #tpu.memory_space<vmem>>
      %dma_start3A_177 = tpu.memref_squeeze %dma_start3A_176 : memref<1x125xi32, #tpu.memory_space<vmem>> -> memref<125xi32, #tpu.memory_space<vmem>>
      %dma_start3A_178 = arith.constant 0 : i32
      %dma_start3A_179 = arith.constant 0 : i32
      %dma_start3A_180 = tpu.memref_slice %arg24[%dma_start3A_178, %dma_start3A_179] : memref<10240x48xf32, #tpu.memory_space<vmem_shared>> -> memref<10240x48xf32, #tpu.memory_space<vmem_shared>>
      tpu.enqueue_indirect_dma source(%arg13 : memref<125x48xf32, #tpu.memory_space<vmem>>) target(%dma_start3A_180 : memref<10240x48xf32, #tpu.memory_space<vmem_shared>>) offsets(%dma_start3A_177 : memref<125xi32, #tpu.memory_space<vmem>>) semaphore(%arg23 : memref<!tpu.dma_semaphore, #tpu.memory_space<semaphore_mem>>) {add = true}
      %ge3A_181 = arith.constant 1 : i32
      %ge3A_182 = arith.cmpi sge, %add3A_168, %ge3A_181 : i32
      %convert_element_type3A_183 = arith.extui %ge3A_182 : i1 to i32
      %cond3A_184 = arith.constant 0 : i32
      %cond3A_185 = arith.cmpi ne, %convert_element_type3A_183, %cond3A_184 : i32
      scf.if %cond3A_185 {
        %sub3A_196 = arith.constant 1 : i32
        %sub3A_197 = arith.subi %add3A_168, %sub3A_196 : i32
        %dma_wait3A_198 = arith.constant 0 : i32
        %dma_wait3A_199 = tpu.memref_slice %arg8[%sub3A_197, %dma_wait3A_198] : memref<80x125xi32, #tpu.memory_space<vmem>> -> memref<1x125xi32, #tpu.memory_space<vmem>>
        %dma_wait3A_200 = tpu.memref_squeeze %dma_wait3A_199 : memref<1x125xi32, #tpu.memory_space<vmem>> -> memref<125xi32, #tpu.memory_space<vmem>>
        %dma_wait3A_201 = arith.constant 0 : i32
        %dma_wait3A_202 = arith.constant 0 : i32
        %dma_wait3A_203 = tpu.memref_slice %arg24[%dma_wait3A_201, %dma_wait3A_202] : memref<10240x48xf32, #tpu.memory_space<vmem_shared>> -> memref<10240x48xf32, #tpu.memory_space<vmem_shared>>
        tpu.wait_indirect_dma semaphore(%arg22 : memref<!tpu.dma_semaphore, #tpu.memory_space<semaphore_mem>>) src(%arg12 : memref<125x48xf32, #tpu.memory_space<vmem>>) dst(%dma_wait3A_203 : memref<10240x48xf32, #tpu.memory_space<vmem_shared>>)
      } else {
      }
      %add3A_186 = arith.constant 5 : i32
      %add3A_187 = arith.addi %add3A_168, %add3A_186 : i32
      %sub3A_188 = arith.constant 1 : i32
      %sub3A_189 = arith.subi %add3A_187, %sub3A_188 : i32
      %lt3A_190 = arith.constant 80 : i32
      %lt3A_191 = arith.cmpi slt, %sub3A_189, %lt3A_190 : i32
      %convert_element_type3A_192 = arith.extui %lt3A_191 : i1 to i32
      %cond3A_193 = arith.constant 0 : i32
      %cond3A_194 = arith.cmpi ne, %convert_element_type3A_192, %cond3A_193 : i32
      scf.if %cond3A_194 {
        %add3A_196 = arith.constant 5 : i32
        %add3A_197 = arith.addi %add3A_168, %add3A_196 : i32
        %sub3A_198 = arith.constant 1 : i32
        %sub3A_199 = arith.subi %add3A_197, %sub3A_198 : i32
        %dma_start3A_200 = arith.constant 0 : i32
        %dma_start3A_201 = tpu.memref_slice %arg7[%sub3A_199, %dma_start3A_200] : memref<80x125xi32, #tpu.memory_space<vmem>> -> memref<1x125xi32, #tpu.memory_space<vmem>>
        %dma_start3A_202 = tpu.memref_squeeze %dma_start3A_201 : memref<1x125xi32, #tpu.memory_space<vmem>> -> memref<125xi32, #tpu.memory_space<vmem>>
        %dma_start3A_203 = arith.constant 0 : i32
        %dma_start3A_204 = arith.constant 0 : i32
        %dma_start3A_205 = tpu.memref_slice %arg2[%dma_start3A_203, %dma_start3A_204] : memref<10000x48xf32, #tpu.memory_space<hbm>> -> memref<10000x48xf32, #tpu.memory_space<hbm>>
        tpu.enqueue_indirect_dma source(%dma_start3A_205 : memref<10000x48xf32, #tpu.memory_space<hbm>>) target(%arg12 : memref<125x48xf32, #tpu.memory_space<vmem>>) offsets(%dma_start3A_202 : memref<125xi32, #tpu.memory_space<vmem>>) semaphore(%arg17 : memref<!tpu.dma_semaphore, #tpu.memory_space<semaphore_mem>>)
      } else {
      }
      %scan3A_195 = arith.constant 0 : i32
      scf.yield %scan3A_195 : i32
    }
    %scan3A_37 = arith.constant 16 : i32
    %dma_wait3A = arith.constant 79 : i32
    %dma_wait3A_38 = arith.constant 0 : i32
    %dma_wait3A_39 = tpu.memref_slice %arg8[%dma_wait3A, %dma_wait3A_38] : memref<80x125xi32, #tpu.memory_space<vmem>> -> memref<1x125xi32, #tpu.memory_space<vmem>>
    %dma_wait3A_40 = tpu.memref_squeeze %dma_wait3A_39 : memref<1x125xi32, #tpu.memory_space<vmem>> -> memref<125xi32, #tpu.memory_space<vmem>>
    %dma_wait3A_41 = arith.constant 0 : i32
    %dma_wait3A_42 = arith.constant 0 : i32
    %dma_wait3A_43 = tpu.memref_slice %arg24[%dma_wait3A_41, %dma_wait3A_42] : memref<10240x48xf32, #tpu.memory_space<vmem_shared>> -> memref<10240x48xf32, #tpu.memory_space<vmem_shared>>
    tpu.wait_indirect_dma semaphore(%arg23 : memref<!tpu.dma_semaphore, #tpu.memory_space<semaphore_mem>>) src(%arg13 : memref<125x48xf32, #tpu.memory_space<vmem>>) dst(%dma_wait3A_43 : memref<10240x48xf32, #tpu.memory_space<vmem_shared>>)
    %barrier3A_44 = arith.constant 0 : index
    tpu.barrier barrier_id(%barrier3A_44)
    %mul3A_45 = arith.constant 640 : i32
    %mul3A_46 = arith.muli %arg1, %mul3A_45 : i32
    %mul3A_47 = arith.constant 640 : i32
    %mul3A_48 = arith.muli %arg1, %mul3A_47 : i32
    "tpu.region"() ({
      %run_scoped3A = tpu.sem_alloc : memref<!tpu.dma_semaphore, #tpu.memory_space<semaphore_mem>>
      %dma_start3A_49 = arith.constant 0 : i32
      %dma_start3A_50 = tpu.memref_slice %arg6[%arg0, %mul3A_48, %dma_start3A_49] : memref<2x10240x48xf32, #tpu.memory_space<hbm>> -> memref<1x640x48xf32, #tpu.memory_space<hbm>>
      %dma_start3A_51 = tpu.memref_squeeze %dma_start3A_50 : memref<1x640x48xf32, #tpu.memory_space<hbm>> -> memref<640x48xf32, #tpu.memory_space<hbm>>
      %dma_start3A_52 = arith.constant 0 : i32
      %dma_start3A_53 = tpu.memref_slice %arg24[%mul3A_46, %dma_start3A_52] : memref<10240x48xf32, #tpu.memory_space<vmem_shared>> -> memref<640x48xf32, #tpu.memory_space<vmem_shared>>
      tpu.enqueue_dma source(%dma_start3A_53 : memref<640x48xf32, #tpu.memory_space<vmem_shared>>) target(%dma_start3A_51 : memref<640x48xf32, #tpu.memory_space<hbm>>) target_semaphore(%run_scoped3A : memref<!tpu.dma_semaphore, #tpu.memory_space<semaphore_mem>>)
      %dma_wait3A_54 = arith.constant 0 : i32
      %dma_wait3A_55 = tpu.memref_slice %arg6[%arg0, %mul3A_48, %dma_wait3A_54] : memref<2x10240x48xf32, #tpu.memory_space<hbm>> -> memref<1x640x48xf32, #tpu.memory_space<hbm>>
      %dma_wait3A_56 = tpu.memref_squeeze %dma_wait3A_55 : memref<1x640x48xf32, #tpu.memory_space<hbm>> -> memref<640x48xf32, #tpu.memory_space<hbm>>
      %dma_wait3A_57 = arith.constant 0 : i32
      %dma_wait3A_58 = tpu.memref_slice %arg24[%mul3A_46, %dma_wait3A_57] : memref<10240x48xf32, #tpu.memory_space<vmem_shared>> -> memref<640x48xf32, #tpu.memory_space<vmem_shared>>
      tpu.wait_dma2 semaphore(%run_scoped3A : memref<!tpu.dma_semaphore, #tpu.memory_space<semaphore_mem>>) src(%dma_wait3A_58 : memref<640x48xf32, #tpu.memory_space<vmem_shared>>) dst(%dma_wait3A_56 : memref<640x48xf32, #tpu.memory_space<hbm>>)
      tpu.yield
    }) : () -> ()
    return
  }
}

module attributes {stable_mosaic.version = 14 : i64} {
  func.func @_mm1_body(%arg0: i32, %arg1: memref<2x2000x8xf32, #tpu.memory_space<vmem>>, %arg2: memref<2000x128xf32, #tpu.memory_space<vmem>>, %arg3: memref<128x128xf32, #tpu.memory_space<vmem>>, %arg4: memref<2x2000x64xf32, #tpu.memory_space<vmem>>) attributes {dimension_semantics = [#tpu.dimension_semantics<arbitrary>], iteration_bounds = array<i64: 5>, scalar_prefetch = 0 : i64, scratch_operands = 0 : i64, tpu.core_type = #tpu.core_type<tc>, window_params = [{transform_indices = @transform_0, window_bounds = array<i64: 2, 2000, 8>}, {transform_indices = @transform_1, window_bounds = array<i64: 2000, 128>}, {pipeline_mode = #tpu.pipeline_mode<synchronous>, transform_indices = @transform_2, window_bounds = array<i64: 128, 128>}, {transform_indices = @transform_3, window_bounds = array<i64: 2, 2000, 64>}]} {
    %get3A = arith.constant 0 : index
    %get3A_0 = arith.constant 0 : index
    %get3A_1 = arith.constant 0 : index
    %get3A_2 = vector.load %arg1[%get3A, %get3A_0, %get3A_1] : memref<2x2000x8xf32, #tpu.memory_space<vmem>>, vector<2x2000x8xf32>
    %slice3A = vector.extract_strided_slice %get3A_2 {offsets = [0, 0, 0], sizes = [1, 2000, 1], strides = [1, 1, 1]} : vector<2x2000x8xf32> to vector<1x2000x1xf32>
    %squeeze3A = vector.shape_cast %slice3A : vector<1x2000x1xf32> to vector<2000xf32>
    %slice3A_3 = vector.extract_strided_slice %get3A_2 {offsets = [1, 0, 0], sizes = [1, 2000, 1], strides = [1, 1, 1]} : vector<2x2000x8xf32> to vector<1x2000x1xf32>
    %squeeze3A_4 = vector.shape_cast %slice3A_3 : vector<1x2000x1xf32> to vector<2000xf32>
    %add3A = arith.addf %squeeze3A, %squeeze3A_4 : vector<2000xf32>
    %add3A_5 = arith.constant 1.000000e+00 : f32
    %add3A_6 = vector.broadcast %add3A_5 : f32 to vector<2000xf32>
    %add3A_7 = arith.addf %add3A, %add3A_6 : vector<2000xf32>
    %rsqrt3A = math.rsqrt %add3A_7 : vector<2000xf32>
    %get3A_8 = arith.constant 0 : index
    %get3A_9 = arith.constant 0 : index
    %get3A_10 = vector.load %arg2[%get3A_8, %get3A_9] : memref<2000x128xf32, #tpu.memory_space<vmem>>, vector<2000x128xf32>
    %get3A_11 = arith.constant 0 : index
    %get3A_12 = arith.constant 0 : index
    %get3A_13 = vector.load %arg3[%get3A_11, %get3A_12] : memref<128x128xf32, #tpu.memory_space<vmem>>, vector<128x128xf32>
    %dot_general3A = arith.constant dense<0.000000e+00> : vector<2000x128xf32>
    %dot_general3A_14 = tpu.matmul %get3A_10, %get3A_13, %dot_general3A {dimension_numbers = #tpu.dot_dimension_numbers<[1], [0], [0], [1], [0, 0, 1, 1], [], []>, transpose_lhs_hint = false} : vector<2000x128xf32>, vector<128x128xf32>, vector<2000x128xf32> -> vector<2000x128xf32>
    %broadcast_in_dim3A = vector.shape_cast %rsqrt3A : vector<2000xf32> to vector<2000x1xf32>
    %mul3A = vector.broadcast %broadcast_in_dim3A : vector<2000x1xf32> to vector<2000x128xf32>
    %mul3A_15 = arith.mulf %dot_general3A_14, %mul3A : vector<2000x128xf32>
    %slice3A_16 = vector.extract_strided_slice %mul3A_15 {offsets = [0, 0], sizes = [2000, 64], strides = [1, 1]} : vector<2000x128xf32> to vector<2000x64xf32>
    %slice3A_17 = vector.extract_strided_slice %mul3A_15 {offsets = [0, 64], sizes = [2000, 64], strides = [1, 1]} : vector<2000x128xf32> to vector<2000x64xf32>
    %stack3A = vector.shape_cast %slice3A_16 : vector<2000x64xf32> to vector<1x2000x64xf32>
    %stack3A_18 = vector.shape_cast %slice3A_17 : vector<2000x64xf32> to vector<1x2000x64xf32>
    %stack3A_19 = tpu.concatenate %stack3A, %stack3A_18 in 0 : vector<1x2000x64xf32>, vector<1x2000x64xf32> -> vector<2x2000x64xf32>
    %swap3A = arith.constant 0 : index
    %swap3A_20 = arith.constant 0 : index
    %swap3A_21 = arith.constant 0 : index
    %swap3A_22 = vector.load %arg4[%swap3A, %swap3A_20, %swap3A_21] : memref<2x2000x64xf32, #tpu.memory_space<vmem>>, vector<2x2000x64xf32>
    tpu.vector_store %arg4[%swap3A, %swap3A_20, %swap3A_21], %stack3A_19 {strides = array<i32>} : memref<2x2000x64xf32, #tpu.memory_space<vmem>>, vector<2x2000x64xf32>,
    return
  }
  func.func @transform_0(%arg0: i32) -> (i32, i32, i32) {
    %c0_i32 = arith.constant 0 : i32
    %c0_i32_0 = arith.constant 0 : i32
    %c0_i32_1 = arith.constant 0 : i32
    return %c0_i32, %arg0, %c0_i32_0 : i32, i32, i32
  }
  func.func @transform_1(%arg0: i32) -> (i32, i32) {
    %c0_i32 = arith.constant 0 : i32
    %c0_i32_0 = arith.constant 0 : i32
    return %arg0, %c0_i32 : i32, i32
  }
  func.func @transform_2(%arg0: i32) -> (i32, i32) {
    %c0_i32 = arith.constant 0 : i32
    %c0_i32_0 = arith.constant 0 : i32
    %c0_i32_1 = arith.constant 0 : i32
    return %c0_i32, %c0_i32_0 : i32, i32
  }
  func.func @transform_3(%arg0: i32) -> (i32, i32, i32) {
    %c0_i32 = arith.constant 0 : i32
    %c0_i32_0 = arith.constant 0 : i32
    %c0_i32_1 = arith.constant 0 : i32
    return %c0_i32, %arg0, %c0_i32_0 : i32, i32, i32
  }
}

module attributes {stable_mosaic.version = 14 : i64} {
  func.func @_comb1_body(%arg0: i32, %arg1: memref<2x2000x8xf32, #tpu.memory_space<vmem>>, %arg2: memref<2x2000x64xf32, #tpu.memory_space<vmem>>, %arg3: memref<2x2000x64xf32, #tpu.memory_space<vmem>>, %arg4: memref<1x128xf32, #tpu.memory_space<vmem>>, %arg5: memref<128x48xf32, #tpu.memory_space<vmem>>, %arg6: memref<2000x48xf32, #tpu.memory_space<vmem>>) attributes {dimension_semantics = [#tpu.dimension_semantics<arbitrary>], iteration_bounds = array<i64: 5>, scalar_prefetch = 0 : i64, scratch_operands = 0 : i64, tpu.core_type = #tpu.core_type<tc>, window_params = [{transform_indices = @transform_0, window_bounds = array<i64: 2, 2000, 8>}, {transform_indices = @transform_1, window_bounds = array<i64: 2, 2000, 64>}, {transform_indices = @transform_2, window_bounds = array<i64: 2, 2000, 64>}, {pipeline_mode = #tpu.pipeline_mode<synchronous>, transform_indices = @transform_3, window_bounds = array<i64: 1, 128>}, {pipeline_mode = #tpu.pipeline_mode<synchronous>, transform_indices = @transform_4, window_bounds = array<i64: 128, 48>}, {transform_indices = @transform_5, window_bounds = array<i64: 2000, 48>}]} {
    %get3A = arith.constant 0 : index
    %get3A_0 = arith.constant 0 : index
    %get3A_1 = arith.constant 0 : index
    %get3A_2 = vector.load %arg1[%get3A, %get3A_0, %get3A_1] : memref<2x2000x8xf32, #tpu.memory_space<vmem>>, vector<2x2000x8xf32>
    %slice3A = vector.extract_strided_slice %get3A_2 {offsets = [0, 0, 0], sizes = [1, 2000, 1], strides = [1, 1, 1]} : vector<2x2000x8xf32> to vector<1x2000x1xf32>
    %squeeze3A = vector.shape_cast %slice3A : vector<1x2000x1xf32> to vector<2000xf32>
    %slice3A_3 = vector.extract_strided_slice %get3A_2 {offsets = [1, 0, 0], sizes = [1, 2000, 1], strides = [1, 1, 1]} : vector<2x2000x8xf32> to vector<1x2000x1xf32>
    %squeeze3A_4 = vector.shape_cast %slice3A_3 : vector<1x2000x1xf32> to vector<2000xf32>
    %add3A = arith.addf %squeeze3A, %squeeze3A_4 : vector<2000xf32>
    %add3A_5 = arith.constant 1.000000e+00 : f32
    %add3A_6 = vector.broadcast %add3A_5 : f32 to vector<2000xf32>
    %add3A_7 = arith.addf %add3A, %add3A_6 : vector<2000xf32>
    %rsqrt3A = math.rsqrt %add3A_7 : vector<2000xf32>
    %get3A_8 = arith.constant 0 : index
    %get3A_9 = arith.constant 0 : index
    %get3A_10 = arith.constant 0 : index
    %get3A_11 = vector.load %arg2[%get3A_8, %get3A_9, %get3A_10] : memref<2x2000x64xf32, #tpu.memory_space<vmem>>, vector<2x2000x64xf32>
    %get3A_12 = arith.constant 0 : index
    %get3A_13 = arith.constant 0 : index
    %get3A_14 = arith.constant 0 : index
    %get3A_15 = vector.load %arg3[%get3A_12, %get3A_13, %get3A_14] : memref<2x2000x64xf32, #tpu.memory_space<vmem>>, vector<2x2000x64xf32>
    %slice3A_16 = vector.extract_strided_slice %get3A_11 {offsets = [0, 0, 0], sizes = [1, 2000, 64], strides = [1, 1, 1]} : vector<2x2000x64xf32> to vector<1x2000x64xf32>
    %squeeze3A_17 = vector.shape_cast %slice3A_16 : vector<1x2000x64xf32> to vector<2000x64xf32>
    %slice3A_18 = vector.extract_strided_slice %get3A_15 {offsets = [0, 0, 0], sizes = [1, 2000, 64], strides = [1, 1, 1]} : vector<2x2000x64xf32> to vector<1x2000x64xf32>
    %squeeze3A_19 = vector.shape_cast %slice3A_18 : vector<1x2000x64xf32> to vector<2000x64xf32>
    %add3A_20 = arith.addf %squeeze3A_17, %squeeze3A_19 : vector<2000x64xf32>
    %slice3A_21 = vector.extract_strided_slice %get3A_11 {offsets = [1, 0, 0], sizes = [1, 2000, 64], strides = [1, 1, 1]} : vector<2x2000x64xf32> to vector<1x2000x64xf32>
    %squeeze3A_22 = vector.shape_cast %slice3A_21 : vector<1x2000x64xf32> to vector<2000x64xf32>
    %slice3A_23 = vector.extract_strided_slice %get3A_15 {offsets = [1, 0, 0], sizes = [1, 2000, 64], strides = [1, 1, 1]} : vector<2x2000x64xf32> to vector<1x2000x64xf32>
    %squeeze3A_24 = vector.shape_cast %slice3A_23 : vector<1x2000x64xf32> to vector<2000x64xf32>
    %add3A_25 = arith.addf %squeeze3A_22, %squeeze3A_24 : vector<2000x64xf32>
    %concatenate3A = tpu.concatenate %add3A_20, %add3A_25 in 1 : vector<2000x64xf32>, vector<2000x64xf32> -> vector<2000x128xf32>
    %broadcast_in_dim3A = vector.shape_cast %rsqrt3A : vector<2000xf32> to vector<2000x1xf32>
    %mul3A = vector.broadcast %broadcast_in_dim3A : vector<2000x1xf32> to vector<2000x128xf32>
    %mul3A_26 = arith.mulf %concatenate3A, %mul3A : vector<2000x128xf32>
    %get3A_27 = arith.constant 0 : index
    %get3A_28 = arith.constant 0 : index
    %get3A_29 = vector.load %arg4[%get3A_27, %get3A_28] : memref<1x128xf32, #tpu.memory_space<vmem>>, vector<1x128xf32>
    %add3A_30 = vector.broadcast %get3A_29 : vector<1x128xf32> to vector<2000x128xf32>
    %add3A_31 = arith.addf %mul3A_26, %add3A_30 : vector<2000x128xf32>
    %max3A = arith.constant 0.000000e+00 : f32
    %max3A_32 = vector.broadcast %max3A : f32 to vector<2000x128xf32>
    %max3A_33 = arith.maximumf %add3A_31, %max3A_32 : vector<2000x128xf32>
    %get3A_34 = arith.constant 0 : index
    %get3A_35 = arith.constant 0 : index
    %get3A_36 = vector.load %arg5[%get3A_34, %get3A_35] : memref<128x48xf32, #tpu.memory_space<vmem>>, vector<128x48xf32>
    %dot_general3A = arith.constant dense<0.000000e+00> : vector<2000x48xf32>
    %dot_general3A_37 = tpu.matmul %max3A_33, %get3A_36, %dot_general3A {dimension_numbers = #tpu.dot_dimension_numbers<[1], [0], [0], [1], [0, 0, 1, 1], [], []>, transpose_lhs_hint = false} : vector<2000x128xf32>, vector<128x48xf32>, vector<2000x48xf32> -> vector<2000x48xf32>
    %broadcast_in_dim3A_38 = vector.shape_cast %rsqrt3A : vector<2000xf32> to vector<2000x1xf32>
    %mul3A_39 = vector.broadcast %broadcast_in_dim3A_38 : vector<2000x1xf32> to vector<2000x48xf32>
    %mul3A_40 = arith.mulf %dot_general3A_37, %mul3A_39 : vector<2000x48xf32>
    %swap3A = arith.constant 0 : index
    %swap3A_41 = arith.constant 0 : index
    %swap3A_42 = vector.load %arg6[%swap3A, %swap3A_41] : memref<2000x48xf32, #tpu.memory_space<vmem>>, vector<2000x48xf32>
    tpu.vector_store %arg6[%swap3A, %swap3A_41], %mul3A_40 {strides = array<i32>} : memref<2000x48xf32, #tpu.memory_space<vmem>>, vector<2000x48xf32>,
    return
  }
  func.func @transform_0(%arg0: i32) -> (i32, i32, i32) {
    %c0_i32 = arith.constant 0 : i32
    %c0_i32_0 = arith.constant 0 : i32
    %c0_i32_1 = arith.constant 0 : i32
    return %c0_i32, %arg0, %c0_i32_0 : i32, i32, i32
  }
  func.func @transform_1(%arg0: i32) -> (i32, i32, i32) {
    %c0_i32 = arith.constant 0 : i32
    %c0_i32_0 = arith.constant 0 : i32
    %c0_i32_1 = arith.constant 0 : i32
    return %c0_i32, %arg0, %c0_i32_0 : i32, i32, i32
  }
  func.func @transform_2(%arg0: i32) -> (i32, i32, i32) {
    %c0_i32 = arith.constant 0 : i32
    %c0_i32_0 = arith.constant 0 : i32
    %c0_i32_1 = arith.constant 0 : i32
    return %c0_i32, %arg0, %c0_i32_0 : i32, i32, i32
  }
  func.func @transform_3(%arg0: i32) -> (i32, i32) {
    %c0_i32 = arith.constant 0 : i32
    %c0_i32_0 = arith.constant 0 : i32
    %c0_i32_1 = arith.constant 0 : i32
    return %c0_i32, %c0_i32_0 : i32, i32
  }
  func.func @transform_4(%arg0: i32) -> (i32, i32) {
    %c0_i32 = arith.constant 0 : i32
    %c0_i32_0 = arith.constant 0 : i32
    %c0_i32_1 = arith.constant 0 : i32
    return %c0_i32, %c0_i32_0 : i32, i32
  }
  func.func @transform_5(%arg0: i32) -> (i32, i32) {
    %c0_i32 = arith.constant 0 : i32
    %c0_i32_0 = arith.constant 0 : i32
    return %arg0, %c0_i32 : i32, i32
  }
}

module attributes {stable_mosaic.version = 14 : i64} {
  func.func @_final_body(%arg0: i32, %arg1: memref<2x2000x8xf32, #tpu.memory_space<vmem>>, %arg2: memref<2x2000x48xf32, #tpu.memory_space<vmem>>, %arg3: memref<2000x48xf32, #tpu.memory_space<vmem>>, %arg4: memref<1x48xf32, #tpu.memory_space<vmem>>, %arg5: memref<2000x40xf32, #tpu.memory_space<vmem>>) attributes {dimension_semantics = [#tpu.dimension_semantics<arbitrary>], iteration_bounds = array<i64: 5>, scalar_prefetch = 0 : i64, scratch_operands = 0 : i64, tpu.core_type = #tpu.core_type<tc>, window_params = [{transform_indices = @transform_0, window_bounds = array<i64: 2, 2000, 8>}, {transform_indices = @transform_1, window_bounds = array<i64: 2, 2000, 48>}, {transform_indices = @transform_2, window_bounds = array<i64: 2000, 48>}, {pipeline_mode = #tpu.pipeline_mode<synchronous>, transform_indices = @transform_3, window_bounds = array<i64: 1, 48>}, {transform_indices = @transform_4, window_bounds = array<i64: 2000, 40>}]} {
    %get3A = arith.constant 0 : index
    %get3A_0 = arith.constant 0 : index
    %get3A_1 = arith.constant 0 : index
    %get3A_2 = vector.load %arg1[%get3A, %get3A_0, %get3A_1] : memref<2x2000x8xf32, #tpu.memory_space<vmem>>, vector<2x2000x8xf32>
    %slice3A = vector.extract_strided_slice %get3A_2 {offsets = [0, 0, 0], sizes = [1, 2000, 1], strides = [1, 1, 1]} : vector<2x2000x8xf32> to vector<1x2000x1xf32>
    %squeeze3A = vector.shape_cast %slice3A : vector<1x2000x1xf32> to vector<2000xf32>
    %slice3A_3 = vector.extract_strided_slice %get3A_2 {offsets = [1, 0, 0], sizes = [1, 2000, 1], strides = [1, 1, 1]} : vector<2x2000x8xf32> to vector<1x2000x1xf32>
    %squeeze3A_4 = vector.shape_cast %slice3A_3 : vector<1x2000x1xf32> to vector<2000xf32>
    %add3A = arith.addf %squeeze3A, %squeeze3A_4 : vector<2000xf32>
    %add3A_5 = arith.constant 1.000000e+00 : f32
    %add3A_6 = vector.broadcast %add3A_5 : f32 to vector<2000xf32>
    %add3A_7 = arith.addf %add3A, %add3A_6 : vector<2000xf32>
    %rsqrt3A = math.rsqrt %add3A_7 : vector<2000xf32>
    %get3A_8 = arith.constant 0 : index
    %get3A_9 = arith.constant 0 : index
    %get3A_10 = arith.constant 0 : index
    %get3A_11 = vector.load %arg2[%get3A_8, %get3A_9, %get3A_10] : memref<2x2000x48xf32, #tpu.memory_space<vmem>>, vector<2x2000x48xf32>
    %slice3A_12 = vector.extract_strided_slice %get3A_11 {offsets = [0, 0, 0], sizes = [1, 2000, 48], strides = [1, 1, 1]} : vector<2x2000x48xf32> to vector<1x2000x48xf32>
    %squeeze3A_13 = vector.shape_cast %slice3A_12 : vector<1x2000x48xf32> to vector<2000x48xf32>
    %slice3A_14 = vector.extract_strided_slice %get3A_11 {offsets = [1, 0, 0], sizes = [1, 2000, 48], strides = [1, 1, 1]} : vector<2x2000x48xf32> to vector<1x2000x48xf32>
    %squeeze3A_15 = vector.shape_cast %slice3A_14 : vector<1x2000x48xf32> to vector<2000x48xf32>
    %add3A_16 = arith.addf %squeeze3A_13, %squeeze3A_15 : vector<2000x48xf32>
    %get3A_17 = arith.constant 0 : index
    %get3A_18 = arith.constant 0 : index
    %get3A_19 = vector.load %arg3[%get3A_17, %get3A_18] : memref<2000x48xf32, #tpu.memory_space<vmem>>, vector<2000x48xf32>
    %add3A_20 = arith.addf %add3A_16, %get3A_19 : vector<2000x48xf32>
    %broadcast_in_dim3A = vector.shape_cast %rsqrt3A : vector<2000xf32> to vector<2000x1xf32>
    %mul3A = vector.broadcast %broadcast_in_dim3A : vector<2000x1xf32> to vector<2000x48xf32>
    %mul3A_21 = arith.mulf %add3A_20, %mul3A : vector<2000x48xf32>
    %get3A_22 = arith.constant 0 : index
    %get3A_23 = arith.constant 0 : index
    %get3A_24 = vector.load %arg4[%get3A_22, %get3A_23] : memref<1x48xf32, #tpu.memory_space<vmem>>, vector<1x48xf32>
    %add3A_25 = vector.broadcast %get3A_24 : vector<1x48xf32> to vector<2000x48xf32>
    %add3A_26 = arith.addf %mul3A_21, %add3A_25 : vector<2000x48xf32>
    %slice3A_27 = vector.extract_strided_slice %add3A_26 {offsets = [0, 0], sizes = [2000, 40], strides = [1, 1]} : vector<2000x48xf32> to vector<2000x40xf32>
    %reduce_max3A = arith.constant dense<0xFF800000> : vector<2000xf32>
    %reduce_max3A_28 = vector.multi_reduction <maximumf>, %slice3A_27, %reduce_max3A [1] : vector<2000x40xf32> to vector<2000xf32>
    %broadcast_in_dim3A_29 = vector.shape_cast %reduce_max3A_28 : vector<2000xf32> to vector<2000x1xf32>
    %sub3A = vector.broadcast %broadcast_in_dim3A_29 : vector<2000x1xf32> to vector<2000x40xf32>
    %sub3A_30 = arith.subf %slice3A_27, %sub3A : vector<2000x40xf32>
    %exp3A = math.exp %sub3A_30 : vector<2000x40xf32>
    %reduce_sum3A = arith.constant dense<0.000000e+00> : vector<2000xf32>
    %reduce_sum3A_31 = vector.multi_reduction <add>, %exp3A, %reduce_sum3A [1] : vector<2000x40xf32> to vector<2000xf32>
    %broadcast_in_dim3A_32 = vector.shape_cast %reduce_sum3A_31 : vector<2000xf32> to vector<2000x1xf32>
    %log3A = math.log %broadcast_in_dim3A_32 : vector<2000x1xf32>
    %add3A_33 = arith.addf %log3A, %broadcast_in_dim3A_29 : vector<2000x1xf32>
    %sub3A_34 = vector.broadcast %add3A_33 : vector<2000x1xf32> to vector<2000x40xf32>
    %sub3A_35 = arith.subf %slice3A_27, %sub3A_34 : vector<2000x40xf32>
    %swap3A = arith.constant 0 : index
    %swap3A_36 = arith.constant 0 : index
    %swap3A_37 = vector.load %arg5[%swap3A, %swap3A_36] : memref<2000x40xf32, #tpu.memory_space<vmem>>, vector<2000x40xf32>
    tpu.vector_store %arg5[%swap3A, %swap3A_36], %sub3A_35 {strides = array<i32>} : memref<2000x40xf32, #tpu.memory_space<vmem>>, vector<2000x40xf32>,
    return
  }
  func.func @transform_0(%arg0: i32) -> (i32, i32, i32) {
    %c0_i32 = arith.constant 0 : i32
    %c0_i32_0 = arith.constant 0 : i32
    %c0_i32_1 = arith.constant 0 : i32
    return %c0_i32, %arg0, %c0_i32_0 : i32, i32, i32
  }
  func.func @transform_1(%arg0: i32) -> (i32, i32, i32) {
    %c0_i32 = arith.constant 0 : i32
    %c0_i32_0 = arith.constant 0 : i32
    %c0_i32_1 = arith.constant 0 : i32
    return %c0_i32, %arg0, %c0_i32_0 : i32, i32, i32
  }
  func.func @transform_2(%arg0: i32) -> (i32, i32) {
    %c0_i32 = arith.constant 0 : i32
    %c0_i32_0 = arith.constant 0 : i32
    return %arg0, %c0_i32 : i32, i32
  }
  func.func @transform_3(%arg0: i32) -> (i32, i32) {
    %c0_i32 = arith.constant 0 : i32
    %c0_i32_0 = arith.constant 0 : i32
    %c0_i32_1 = arith.constant 0 : i32
    return %c0_i32, %c0_i32_0 : i32, i32
  }
  func.func @transform_4(%arg0: i32) -> (i32, i32) {
    %c0_i32 = arith.constant 0 : i32
    %c0_i32_0 = arith.constant 0 : i32
    return %arg0, %c0_i32 : i32, i32
  }
}

</mosaic_0001>

<sc_bundles>
// kernel: kernel.11.cloned.1.call-start
scs
__scs_entry_jumppad:
0x0: {  	(pc) =	sbr.rel $0x88, $3  }
0x1: {  	(tag) =	ssettag $0x0;
	lr =	simm.s32 $0x1  }
0x2: {  	[smem:$0x3F9B] =	sst lr;
	_ =	strace $0xD0000000  }
0x3: {  	_ = 	snop  }
0x4: {  	_ = 	snop  }
0x5: {  	_ = 	snop  }
0x6: {  	_ = 	snop  }
0x7: {  	_ = 	snop  }
__scs_overlays_trampoline_lowered:
0x8: {  	[smem:$0x3FAA] =	sst s0  }
0x9: {  	[smem:$0x3FAB] =	sst s1  }
0xa: {  	[smem:$0x3FAC] =	sst s2  }
0xb: {  	[smem:$0x3FAD] =	sst s3  }
0xc: {  	[smem:$0x3FAE] =	sst s4  }
0xd: {  	[smem:$0x3FAF] =	sst s5  }
0xe: {  	[smem:$0x3FB0] =	sst s6  }
0xf: {  	[smem:$0x3FB1] =	sst s7  }
0x10: {  	[smem:$0x3FB2] =	sst s8  }
0x11: {  	[smem:$0x3FB3] =	sst s9;
	s0 =	simm.s32 @!p0 $0x0  }
0x12: {  	s1 =	sld [smem:$0x3F99];
	s0 =	simm.s32 @p0 $0x1  }
0x13: {  	[smem:$0x3FB4] =	sst s0;
	s0 =	simm.s32 @!p1 $0x0  }
0x14: {  	s2 =	sld [smem:$0x3F98];
	s0 =	simm.s32 @p1 $0x1  }
0x15: {  	[smem:$0x3FB5] =	sst s0;
	s0 =	simm.s32 @!p2 $0x0  }
0x16: {  	s3 =	sld [smem:$0x3FDB];
	s0 =	simm.s32 @p2 $0x1  }
0x17: {  	s4 =	simm.s32 $0x1BF5;
	[smem:$0x3FB7] =	sst s0  }
0x18: {  	s0 =	sld [smem:$0x3F9A];
	_ =	swait.ge [sflag:s4], $0x0  }
0x19: {  	s7 =	sld [smem:$0x3F9B]  }
0x1a: {  	s8 =	sadd.s32 $0xFFFFE003, lr  }
0x1b: {  	s9 =	sadd.s32 $0xFFFFFEF7, lr;
	s5 =	simm.s32 $0xFFFFFFFF;
	p2 =	slt.u32 s8, $0xFFFFF086  }
0x1c: {  	p1 =	slt.u32 s9, $0xF7A;
	s5 =	simm.s32 @!p2 $0x0  }
0x1d: {  	s5 =	simm.s32 @p1 $0x1;
	p0 =	seq.s32 s7, s2  }
0x1e: {  	s7 =	smul.u32 @!p0 $0xF7A, s2;
	p2 =	seq.s32 @!p0 s5, $0x0  }
0x1f: {  	s9 =	smul.u32 $0xF7A, s1;
	s8 =	simm.s32 @!p0 $0x1BF5;
	p2 =	por !p2, p0  }
0x20: {  	[sflag:s8] =	ssyncset.s32 @!p0 $0xFFFFF086;
	s6 =	sadd.s32 @!p0 s3, s7;
	s7 =	simm.s32 @!p0 $0x108  }
0x21: {  	s3 =	sadd.s32 s3, s9;
	s6 =	sadd.s32 @!p0 $0x88, s6;
	s7 =	simm.s32 @p2 $0x1082  }
0x22: {  	[simem:s7], [sflag:s8] =	dma.local @!p0 [hbm:s6], $0xF7A  }
0x23: {  	s9 =	sor.u32 $0xD0000000, s2;
	s6 =	simm.s32 $0x108;
	_ =	swait.ge @!p0 [sflag:s8], $0x0  }
0x24: {  	s3 =	sadd.s32 $0x88, s3;
	s6 =	simm.s32 @!p1 $0x1082;
	[sflag:s4] =	ssyncset.s32 $0xFFFFF086  }
0x25: {  	[simem:s6], [sflag:s4] =	dma.local [hbm:s3], $0xF7A  }
0x26: {  	[smem:$0x3F9B] =	sst s1;
	(tag) =	ssettag s2;
	_ =	strace s9  }
0x27: {  	s1 =	sld [smem:$0x3FAB]  }
0x28: {  	s2 =	sld [smem:$0x3FAC]  }
0x29: {  	s4 =	sld [smem:$0x3FAE]  }
0x2a: {  	p0 =	seq.s32 s5, $0x0;
	s5 =	sld [smem:$0x3FAF]  }
0x2b: {  	s6 =	sld [smem:$0x3FB0]  }
0x2c: {  	s7 =	sld [smem:$0x3FB1]  }
0x2d: {  	s3 =	simm.s32 $0x108;
	s8 =	sld [smem:$0x3FB2]  }
0x2e: {  	s3 =	simm.s32 @!p0 $0x1082;
	s9 =	sld [smem:$0x3FB3]  }
0x2f: {  	lr =	sadd.s32 s0, s3;
	s0 =	sld [smem:$0x3FAA]  }
0x30: {  	s3 =	sld [smem:$0x3FAD]  }
0x31: {  	[smem:$0x3FB6] =	sst s10  }
0x32: {  	s10 =	sld [smem:$0x3FB4];
	_ =	sdelay $0x3  }
0x33: {  	p0 =	seq.s32 s10, $0x1;
	s10 =	sld [smem:$0x3FB6];
	_ =	sdelay $0x3  }
0x34: {  	[smem:$0x3FB6] =	sst s10  }
0x35: {  	s10 =	sld [smem:$0x3FB5];
	_ =	sdelay $0x3  }
0x36: {  	p1 =	seq.s32 s10, $0x1;
	s10 =	sld [smem:$0x3FB6];
	_ =	sdelay $0x3  }
0x37: {  	[smem:$0x3FB6] =	sst s10  }
0x38: {  	s10 =	sld [smem:$0x3FB7]  }
0x39: {  	_ = 	snop;
	(pc) =	sbr.ind lr, $3  }
0x3a: {  	_ = 	snop  }
0x3b: {  	_ = 	snop  }
0x3c: {  	p2 =	seq.s32 s10, $0x1;
	s10 =	sld [smem:$0x3FB6]  }
0x3d: {  	_ =	shalt  }
0x3e: {  	_ =	shalt  }
0x3f: {  	_ =	shalt  }
0x40: {  	_ =	shalt  }
0x41: {  	_ =	shalt  }
0x42: {  	_ =	shalt  }
0x43: {  	_ =	shalt  }
0x44: {  	_ =	shalt  }
0x45: {  	_ =	shalt  }
0x46: {  	_ =	shalt  }
0x47: {  	_ =	shalt  }
0x48: {  	_ =	shalt  }
0x49: {  	_ =	shalt  }
0x4a: {  	_ =	shalt  }
0x4b: {  	_ =	shalt  }
0x4c: {  	_ =	shalt  }
0x4d: {  	_ =	shalt  }
0x4e: {  	_ =	shalt  }
0x4f: {  	_ =	shalt  }
0x50: {  	_ =	shalt  }
0x51: {  	_ =	shalt  }
0x52: {  	_ =	shalt  }
0x53: {  	_ =	shalt  }
0x54: {  	_ =	shalt  }
0x55: {  	_ =	shalt  }
0x56: {  	_ =	shalt  }
0x57: {  	_ =	shalt  }
0x58: {  	_ =	shalt  }
0x59: {  	_ =	shalt  }
0x5a: {  	_ =	shalt  }
0x5b: {  	_ =	shalt  }
0x5c: {  	_ =	shalt  }
0x5d: {  	_ =	shalt  }
0x5e: {  	_ =	shalt  }
0x5f: {  	_ =	shalt  }
0x60: {  	_ =	shalt  }
0x61: {  	_ =	shalt  }
0x62: {  	_ =	shalt  }
0x63: {  	_ =	shalt  }
0x64: {  	_ =	shalt  }
0x65: {  	_ =	shalt  }
0x66: {  	_ =	shalt  }
0x67: {  	_ =	shalt  }
0x68: {  	_ =	shalt  }
0x69: {  	_ =	shalt  }
0x6a: {  	_ =	shalt  }
0x6b: {  	_ =	shalt  }
0x6c: {  	_ =	shalt  }
0x6d: {  	_ =	shalt  }
0x6e: {  	_ =	shalt  }
0x6f: {  	_ =	shalt  }
0x70: {  	_ =	shalt  }
0x71: {  	_ =	shalt  }
0x72: {  	_ =	shalt  }
0x73: {  	_ =	shalt  }
0x74: {  	_ =	shalt  }
0x75: {  	_ =	shalt  }
0x76: {  	_ =	shalt  }
0x77: {  	_ =	shalt  }
0x78: {  	_ =	shalt  }
0x79: {  	_ =	shalt  }
0x7a: {  	_ =	shalt  }
0x7b: {  	_ =	shalt  }
0x7c: {  	_ =	shalt  }
0x7d: {  	_ =	shalt  }
0x7e: {  	_ =	shalt  }
0x7f: {  	_ =	shalt  }
0x80: {  	_ =	shalt  }
0x81: {  	_ =	shalt  }
0x82: {  	_ =	shalt  }
0x83: {  	_ =	shalt  }
0x84: {  	_ =	shalt  }
0x85: {  	_ =	shalt  }
0x86: {  	_ =	shalt  }
0x87: {  	_ =	shalt  }
.Lfunc_end0:
.L_simem_size_0:
called_computation.1_lowered:
.L_overlay_start_0:
0x88: {  	s2 =	sld [smem:$0x3FD9]  }
0x89: {  	s3 =	sld [smem:$0x3FFE];
	_ =	sdelay $0x1  }
0x8a: {  	s1 =	srdreg.scid  }
0x8b: {  	s0 =	sand.u32 $0x1, s1  }
0x8c: {  	s17 =	sshll.u32 s0, $0xA;
	s2 =	sadd.s32 s3, s2  }
0x8d: {  	s2 =	sadd.s32 s2, s17  }
0x8e: {  	[smem:$0x3FC2] =	sst s2  }
0x8f: {  	_ = 	snop  }
0x90: {  	s2 =	sld [smem:$0x3FD0];
	(tm) =	ssettm $0x1  }
0x91: {  	s18 =	sld [smem:$0x3FFB];
	_ =	sdelay $0x3  }
0x92: {  	_ =	strace s18  }
0x93: {  	s3 =	sld [smem:$0x3FFC];
	_ =	sdelay $0x3  }
0x94: {  	_ =	strace s3  }
0x95: {  	s3 =	sld [smem:$0x3FFD];
	_ =	sdelay $0x3  }
0x96: {  	_ =	strace s3  }
0x97: {  	_ =	strace $0x8FFFFFFF  }
0x98: {  	s19 =	sld [smem:$0x3FDB];
	_ =	sdelay $0x1  }
0x99: {  	s4 =	simm.s32 $_scs_section_size  }
0x9a: {  	s5 =	simm.s32 $_size__tile_overlayer_lowered;
	s6 =	simm.s32 $_tile_overlayer_lowered  }
0x9b: {  	s22 =	simm.s32 $0x1BFF;
	s21 =	sshll.u32 s6, $0x1;
	s3 =	sadd.s32 s4, s19  }
0x9c: {  	s7 =	simm.s32 $0x0;
	s20 =	sshll.u32 s5, $0x1;
	s5 =	sadd.s32 s21, s3  }
0x9d: {  	[timem:s7], [sflag:s22] =	dma.local [hbm:s5], s20  }
0x9e: {  	_ =	swait.ge [sflag:s22], s20  }
0x9f: {  	s4 =	ssub.s32 $0x0, s20;
	[sflag:s22] =	ssyncset.done $0x0  }
0xa0: {  	[sflag:s22] =	ssyncadd.s32 s4;
	_ =	sdelay $0x1  }
0xa1: {  	s23 =	simm.s32 $0x1B8B  }
0xa2: {  	_ =	swait.ge [sflag:s23], $0x1  }
0xa3: {  	[sflag:s23] =	ssyncset.done $0x0  }
0xa4: {  	s25 =	simm.s32 $0x1B8E;
	s24 =	sld [smem:$0x3FFE];
	[sflag:s23] =	ssyncadd.s32 $0xFFFFFFFF  }
0xa5: {  	s26 =	simm.s32 $execute0_lowered;
	[smem:$0x3FD2] =	sst s25  }
0xa6: {  	s5 =	sshll.u32 s26, $0x1;
	_ =	strace $0x80000049;
	[dreg:$0x1] =	wrdreg $0xFFFFFFFF  }
0xa7: {  	s28 =	simm.s32 $_size_execute0_lowered;
	s3 =	sadd.s32 s3, s5;
	[dreg:$0x0] =	wrdreg $0x0  }
0xa8: {  	s5 =	sshll.u32 s28, $0x1;
	[dreg:$0x2] =	wrdreg s3  }
0xa9: {  	[dreg:$0x3] =	wrdreg s5  }
0xaa: {  	[dreg:$0x4] =	wrdreg $0xC0  }
0xab: {  	_ =	task [dreg:s7], $0x5FFFF  }
0xac: {  	[dreg:$0x1] =	wrdreg $0xFFFFFFFF  }
0xad: {  	[dreg:$0x0] =	wrdreg $0x60  }
0xae: {  	[dreg:$0x2] =	wrdreg s24  }
0xaf: {  	[dreg:$0x3] =	wrdreg s2  }
0xb0: {  	[dreg:$0x4] =	wrdreg $0x13C400  }
0xb1: {  	[dreg:$0x5] =	wrdreg $0x9  }
0xb2: {  	_ =	task.clear_ibuf [dreg:s7], $0x6FFFF;
	_ =	strace $0x90000049  }
0xb3: {  	s29 =	simm.s32 $0x9;
	_ =	strace $0x8000004B  }
0xb4: {  	_ =	swait.ge [sflag:s29], $0x1  }
0xb5: {  	[sflag:s29] =	ssyncadd.s32 $0xFFFFFFFF  }
0xb6: {  	_ =	strace $0x9000004B  }
0xb7: {  	_ =	sfence  }
0xb8: {  	s30 =	sld [smem:$0x0];
	_ =	sdelay $0x2  }
0xb9: {  	s31 =	sshll.u32 s1, $0xD;
	s1 =	sshrl.u32 s1, $0x2  }
0xba: {  	s3 =	sand.u32 $0x4000, s31;
	s1 =	sadd.s32 s1, s30  }
0xbb: {  	s0 =	sor.u32 s3, s0;
	s1 =	sshll.u32 s1, $0x11  }
0xbc: {  	s0 =	sor.u32 s1, s0  }
0xbd: {  	s0 =	sadd.s32 $0x8F2B, s0  }
0xbe: {  	[sflag:s0] =	ssyncadd.remote.s32 $0x1  }
0xbf: {  	_ =	sfence.sel $0xFFFF  }
0xc0: {  	[dreg:$0x0] =	wrdreg $0xFFFFFFFF;
	(pc) =	sbr.abs _section_cstart, $3  }
0xc1: {  	[dreg:$0x1] =	wrdreg $0xFFFFFFFF  }
0xc2: {  	_ =	task.clear_ibuf [dreg:s7], $0x2FFFF;
	_ =	strace $0x9FFFFFFF  }
0xc3: {  	(tm) =	ssettm $0x7FFFFFFF  }
tec
execute0_lowered:
.L_overlay_start_1:
0x0: {  	(tag) =	ssettag $0x1  }
0x1: {  	s0 =	rddreg [dreg:$0x0];
	s1 =	srdreg.scid  }
0x2: {  	s4 =	rddreg [dreg:$0x1];
	s11 =	stileid.u32  }
0x3: {  	s2 =	rddreg [dreg:$0x2];
	s3 =	simm.s32 $0x0;
	s14 =	simm.s32 $0x7D  }
0x4: {  	s15 =	simm.s32 $0xA000;
	s17 =	simm.s32 $0xBF40;
	s19 =	simm.s32 $0xDE80  }
0x5: {  	s21 =	simm.s32 $0xFDC0;
	s22 =	simm.s32 $0x1;
	s28 =	simm.s32 $0x6  }
0x6: {  	s30 =	simm.s32 $0x3;
	s16 =	simm.s32 $0x4;
	s20 =	simm.s32 $0x8  }
0x7: {  	s31 =	simm.s32 $0x9;
	s18 =	simm.s32 $0xA;
	s6 =	smul.u32 $0xA00, s11  }
0x8: {  	s23 =	simm.s32 $0x0;
	s1 =	sand.u32 $0x1, s1;
	s7 =	smul.u32 $0xA000, s11  }
0x9: {  	[smem:$0x7FF] =	sst s3;
	s10 =	sadd.s32 $0x2000, s0;
	s5 =	smul.u32 $0x13880, s1  }
0xa: {  	s29 =	sshll.u32 s11, $0x6;
	s11 =	simm.s32 $0x5000;
	s8 =	smul.u32 $0xA0000, s1  }
0xb: {  	_ =	strace $0x8000004A;
	s1 =	ssub.s32 $0x2, s1;
	[dreg:$0x4] =	wrdreg s10  }
0xc: {  	s10 =	simm.s32 $0xB;
	s12 =	sor.u32 $0x1C0B, s29;
	s24 =	sadd.s32 s6, s0  }
0xd: {  	s25 =	sshrl.u32 s1, $0x1;
	s4 =	sadd.s32 s4, s6;
	s26 =	sadd.s32 s7, s2  }
0xe: {  	s9 =	sadd.s32 s5, s0;
	s8 =	sadd.s32 s7, s8;
	s1 =	ssub.s32 s1, s25  }
.Ltmp0:
0xf: {  	s5 =	sadd.s32 $0x7600, s24;
	[dreg:$0x6] =	wrdreg s4;
	(pc) =	sbr.rel .LBB2_1-.Ltmp0, $4  }
0x10: {  	s13 =	sshrl.u32 s26, $0x3;
	s24 =	simm.s32 $0x11D00;
	s8 =	sshrl.u32 s8, $0x3  }
0x11: {  	s25 =	simm.s32 $0x2;
	s26 =	simm.s32 $0x5;
	s0 =	sadd.s32 s8, s0  }
0x12: {  	[dreg:$0x5] =	wrdreg s5;
	s7 =	sadd.s32 $0x61600, s9;
	s0 =	sadd.s32 $0x88800, s0  }
0x13: {  	s9 =	smax.u32 s1, $0x1;
	s1 =	simm.s32 $0x7;
	[dreg:$0x7] =	wrdreg s0  }
.LBB2_4:
0x14: {  	_ =	swait.ge [sflag:s26], $0x1F40  }
0x15: {  	[sflag:s26] =	ssyncset.done $0x0  }
0x16: {  	[sflag:s26] =	ssyncadd.s32 $0xFFFFE0C0  }
0x17: {  	[spmem:s2] =	stream.indirect.scatter.add.f32 [tilespmem:s24], [sflag:$0xA], $0x40, s4, s14, $0xb8;
	[tilespmem:$0x1DC40] =	vst v63  }
0x18: {  	_ =	swait.ge [sflag:s31], $0x1F40  }
0x19: {  	[sflag:s31] =	ssyncset.done $0x0  }
0x1a: {  	[sflag:s31] =	ssyncadd.s32 $0xFFFFE0C0  }
0x1b: {  	_ =	swait.ge [sflag:s18], $0x1F40  }
0x1c: {  	[sflag:s18] =	ssyncset.done $0x0  }
0x1d: {  	s23 =	sadd.s32 $0x1, s23;
	[sflag:s18] =	ssyncadd.s32 $0xFFFFE0C0  }
0x1e: {  	p0 =	sne.s32 s23, s9;
	[bflag:$0x0] =	sbarrier.arrive $0xFFFF  }
.Ltmp1:
0x1f: {  	s0 =	rddreg [dreg:$0x7];
	(pc) =	sbr.rel @!p0 .LBB2_5-.Ltmp1, $4  }
0x20: {  	[hbm:s0], [sflag:s12] =	dma.local [spmem:s13], $0x1400  }
0x21: {  	_ =	swait.ge [sflag:s10], $0x1400  }
0x22: {  	[sflag:s10] =	ssyncset.done $0x0  }
0x23: {  	[sflag:s10] =	ssyncadd.s32 $0xFFFFEC00  }
.LBB2_1:
0x24: {  	s0 =	rddreg [dreg:$0x5]  }
0x25: {  	[tilespmem:s3], [sflag:$0xB] =	stream.linear.gather [hbm4b:s0+s3], $0x5000, $0x38;
	[tilespmem:$0x1DC40] =	vst v63  }
0x26: {  	_ =	swait.ge [sflag:s10], $0x5000  }
0x27: {  	[sflag:s10] =	ssyncset.done $0x0  }
0x28: {  	s6 =	rddreg [dreg:$0x6];
	[sflag:s10] =	ssyncadd.s32 $0xFFFFB000  }
0x29: {  	[tilespmem:s11], [sflag:$0xB] =	stream.linear.gather [hbm4b:s6+s3], $0x5000, $0x38;
	[tilespmem:$0x1DC40] =	vst v63  }
0x2a: {  	_ =	swait.ge [sflag:s10], $0x5000  }
0x2b: {  	[sflag:s10] =	ssyncset.done $0x0  }
0x2c: {  	s8 =	rddreg [dreg:$0x4];
	[sflag:s10] =	ssyncadd.s32 $0xFFFFB000  }
0x2d: {  	[spmem:s13], [sflag:s12] =	dma.local [hbm:s8], $0x1400  }
0x2e: {  	_ =	swait.ge [sflag:s10], $0x1400  }
0x2f: {  	[sflag:s10] =	ssyncset.done $0x0  }
0x30: {  	[sflag:s10] =	ssyncadd.s32 $0xFFFFEC00  }
0x31: {  	[bflag:$0x0] =	sbarrier.arrive $0xFFFF  }
0x32: {  	[tilespmem:s15], [sflag:$0x1] =	stream.indirect.gather [hbm4b:s7+s14], $0x40, s3, s14, $0xb8;
	[tilespmem:$0x1DC40] =	vst v63  }
0x33: {  	s4 =	simm.s32 $0x80  }
0x34: {  	[tilespmem:s17], [sflag:$0x2] =	stream.indirect.gather [hbm4b:s7+s14], $0x40, s4, s14, $0xb8;
	[tilespmem:$0x1DC40] =	vst v63  }
0x35: {  	s5 =	simm.s32 $0x100  }
0x36: {  	[tilespmem:s19], [sflag:$0x3] =	stream.indirect.gather [hbm4b:s7+s14], $0x40, s5, s14, $0xb8;
	[tilespmem:$0x1DC40] =	vst v63  }
0x37: {  	s6 =	simm.s32 $0x180  }
0x38: {  	[tilespmem:s21], [sflag:$0x4] =	stream.indirect.gather [hbm4b:s7+s14], $0x40, s6, s14, $0xb8;
	[tilespmem:$0x1DC40] =	vst v63  }
0x39: {  	_ =	swait.ge [sflag:s22], $0x1F40  }
0x3a: {  	[sflag:s22] =	ssyncset.done $0x0  }
0x3b: {  	[sflag:s22] =	ssyncadd.s32 $0xFFFFE0C0  }
0x3c: {  	[spmem:s2] =	stream.indirect.scatter.add.f32 [tilespmem:s15], [sflag:$0x6], $0x40, s11, s14, $0xb8;
	[tilespmem:$0x1DC40] =	vst v63  }
0x3d: {  	s8 =	simm.s32 $0x200  }
0x3e: {  	[tilespmem:s24], [sflag:$0x5] =	stream.indirect.gather [hbm4b:s7+s14], $0x40, s8, s14, $0xb8;
	[tilespmem:$0x1DC40] =	vst v63  }
0x3f: {  	_ =	swait.ge [sflag:s25], $0x1F40  }
0x40: {  	[sflag:s25] =	ssyncset.done $0x0  }
0x41: {  	s4 =	simm.s32 $0x5080;
	[sflag:s25] =	ssyncadd.s32 $0xFFFFE0C0  }
0x42: {  	[spmem:s2] =	stream.indirect.scatter.add.f32 [tilespmem:s17], [sflag:$0x7], $0x40, s4, s14, $0xb8;
	[tilespmem:$0x1DC40] =	vst v63  }
0x43: {  	_ =	swait.ge [sflag:s28], $0x1F40  }
0x44: {  	[sflag:s28] =	ssyncset.done $0x0  }
0x45: {  	s5 =	simm.s32 $0x280;
	[sflag:s28] =	ssyncadd.s32 $0xFFFFE0C0  }
0x46: {  	[tilespmem:s15], [sflag:$0x1] =	stream.indirect.gather [hbm4b:s7+s14], $0x40, s5, s14, $0xb8;
	[tilespmem:$0x1DC40] =	vst v63  }
0x47: {  	_ =	swait.ge [sflag:s30], $0x1F40  }
0x48: {  	[sflag:s30] =	ssyncset.done $0x0  }
0x49: {  	s6 =	simm.s32 $0x5100;
	[sflag:s30] =	ssyncadd.s32 $0xFFFFE0C0  }
0x4a: {  	[spmem:s2] =	stream.indirect.scatter.add.f32 [tilespmem:s19], [sflag:$0x8], $0x40, s6, s14, $0xb8;
	[tilespmem:$0x1DC40] =	vst v63  }
0x4b: {  	_ =	swait.ge [sflag:s1], $0x1F40  }
0x4c: {  	[sflag:s1] =	ssyncset.done $0x0  }
0x4d: {  	s8 =	simm.s32 $0x300;
	[sflag:s1] =	ssyncadd.s32 $0xFFFFE0C0  }
0x4e: {  	[tilespmem:s17], [sflag:$0x2] =	stream.indirect.gather [hbm4b:s7+s14], $0x40, s8, s14, $0xb8;
	[tilespmem:$0x1DC40] =	vst v63  }
0x4f: {  	_ =	swait.ge [sflag:s16], $0x1F40  }
0x50: {  	[sflag:s16] =	ssyncset.done $0x0  }
0x51: {  	s4 =	simm.s32 $0x5180;
	[sflag:s16] =	ssyncadd.s32 $0xFFFFE0C0  }
0x52: {  	[spmem:s2] =	stream.indirect.scatter.add.f32 [tilespmem:s21], [sflag:$0x9], $0x40, s4, s14, $0xb8;
	[tilespmem:$0x1DC40] =	vst v63  }
0x53: {  	_ =	swait.ge [sflag:s20], $0x1F40  }
0x54: {  	[sflag:s20] =	ssyncset.done $0x0  }
0x55: {  	s5 =	simm.s32 $0x380;
	[sflag:s20] =	ssyncadd.s32 $0xFFFFE0C0  }
0x56: {  	[tilespmem:s19], [sflag:$0x3] =	stream.indirect.gather [hbm4b:s7+s14], $0x40, s5, s14, $0xb8;
	[tilespmem:$0x1DC40] =	vst v63  }
0x57: {  	_ =	swait.ge [sflag:s26], $0x1F40  }
0x58: {  	[sflag:s26] =	ssyncset.done $0x0  }
0x59: {  	s6 =	simm.s32 $0x5200;
	[sflag:s26] =	ssyncadd.s32 $0xFFFFE0C0  }
0x5a: {  	[spmem:s2] =	stream.indirect.scatter.add.f32 [tilespmem:s24], [sflag:$0xA], $0x40, s6, s14, $0xb8;
	[tilespmem:$0x1DC40] =	vst v63  }
0x5b: {  	_ =	swait.ge [sflag:s31], $0x1F40  }
0x5c: {  	[sflag:s31] =	ssyncset.done $0x0  }
0x5d: {  	s29 =	simm.s32 $0x0;
	s8 =	simm.s32 $0x400;
	[sflag:s31] =	ssyncadd.s32 $0xFFFFE0C0  }
0x5e: {  	[tilespmem:s21], [sflag:$0x4] =	stream.indirect.gather [hbm4b:s7+s14], $0x40, s8, s14, $0xb8;
	[tilespmem:$0x1DC40] =	vst v63  }
.LBB2_2:
0x5f: {  	_ =	swait.ge [sflag:s22], $0x1F40  }
0x60: {  	s0 =	sshra.s32 s29, $0x2;
	[sflag:s22] =	ssyncset.done $0x0  }
0x61: {  	s4 =	sadd.s32 $0x5280, s0;
	[sflag:s22] =	ssyncadd.s32 $0xFFFFE0C0  }
0x62: {  	[spmem:s2] =	stream.indirect.scatter.add.f32 [tilespmem:s15], [sflag:$0x6], $0x40, s4, s14, $0xb8;
	[tilespmem:$0x1DC40] =	vst v63  }
0x63: {  	_ =	swait.ge [sflag:s18], $0x1F40  }
0x64: {  	[sflag:s18] =	ssyncset.done $0x0  }
0x65: {  	s5 =	sadd.s32 $0x480, s0;
	[sflag:s18] =	ssyncadd.s32 $0xFFFFE0C0  }
0x66: {  	[tilespmem:s24], [sflag:$0x5] =	stream.indirect.gather [hbm4b:s7+s14], $0x40, s5, s14, $0xb8;
	[tilespmem:$0x1DC40] =	vst v63  }
0x67: {  	_ =	swait.ge [sflag:s25], $0x1F40  }
0x68: {  	[sflag:s25] =	ssyncset.done $0x0  }
0x69: {  	s6 =	sadd.s32 $0x5300, s0;
	[sflag:s25] =	ssyncadd.s32 $0xFFFFE0C0  }
0x6a: {  	[spmem:s2] =	stream.indirect.scatter.add.f32 [tilespmem:s17], [sflag:$0x7], $0x40, s6, s14, $0xb8;
	[tilespmem:$0x1DC40] =	vst v63  }
0x6b: {  	_ =	swait.ge [sflag:s28], $0x1F40  }
0x6c: {  	p0 =	seq.s32 s29, $0x12C00;
	[sflag:s28] =	ssyncset.done $0x0  }
0x6d: {  	s4 =	simm.s32 @p0 $0x3;
	[sflag:s28] =	ssyncadd.s32 $0xFFFFE0C0  }
0x6e: {  	_ =	swait.ge @p0 [sflag:s4], $0x1F40  }
0x6f: {  	[sflag:s4] =	ssyncset.done @p0 $0x0  }
0x70: {  	[sflag:s4] =	ssyncadd.s32 @p0 $0xFFFFE0C0;
	s4 =	sshra.s32 @p0 s29, $0x2  }
0x71: {  	s5 =	simm.s32 @p0 $0x7D;
	s6 =	simm.s32 @p0 $0xDE80;
	s4 =	sadd.s32 @p0 $0x5380, s4  }
0x72: {  	[spmem:s2] =	stream.indirect.scatter.add.f32 @p0 [tilespmem:s6], [sflag:$0x8], $0x40, s4, s5, $0xb8;
	[tilespmem:$0x1DC40] =	vst v63  }
0x73: {  	s4 =	simm.s32 @p0 $0x7  }
0x74: {  	_ =	swait.ge @p0 [sflag:s4], $0x1F40  }
0x75: {  	[sflag:s4] =	ssyncset.done @p0 $0x0  }
0x76: {  	[sflag:s4] =	ssyncadd.s32 @p0 $0xFFFFE0C0;
	s4 =	sshra.s32 @!p0 s29, $0x2  }
0x77: {  	s8 =	simm.s32 @!p0 $0xA000;
	s6 =	simm.s32 @!p0 $0x7D;
	s5 =	sadd.s32 @!p0 $0x500, s4  }
0x78: {  	[tilespmem:s8], [sflag:$0x1] =	stream.indirect.gather @!p0 [hbm4b:s7+s6], $0x40, s5, s6, $0xb8;
	[tilespmem:$0x1DC40] =	vst v63  }
0x79: {  	s5 =	simm.s32 @!p0 $0x3  }
0x7a: {  	_ =	swait.ge @!p0 [sflag:s5], $0x1F40  }
0x7b: {  	[sflag:s5] =	ssyncset.done @!p0 $0x0  }
0x7c: {  	s8 =	simm.s32 @!p0 $0xDE80;
	[sflag:s5] =	ssyncadd.s32 @!p0 $0xFFFFE0C0;
	s5 =	sadd.s32 @!p0 $0x5380, s4  }
0x7d: {  	[spmem:s2] =	stream.indirect.scatter.add.f32 @!p0 [tilespmem:s8], [sflag:$0x8], $0x40, s5, s6, $0xb8;
	[tilespmem:$0x1DC40] =	vst v63  }
0x7e: {  	s5 =	simm.s32 @!p0 $0x7  }
0x7f: {  	_ =	swait.ge @!p0 [sflag:s5], $0x1F40  }
0x80: {  	[sflag:s5] =	ssyncset.done @!p0 $0x0  }
0x81: {  	s4 =	sadd.s32 @!p0 $0x580, s4;
	[sflag:s5] =	ssyncadd.s32 @!p0 $0xFFFFE0C0;
	s5 =	simm.s32 @!p0 $0xBF40  }
0x82: {  	[tilespmem:s5], [sflag:$0x2] =	stream.indirect.gather @!p0 [hbm4b:s7+s6], $0x40, s4, s6, $0xb8;
	[tilespmem:$0x1DC40] =	vst v63  }
0x83: {  	_ =	swait.ge [sflag:s16], $0x1F40  }
0x84: {  	[sflag:s16] =	ssyncset.done $0x0  }
.Ltmp2:
0x85: {  	s8 =	sadd.s32 $0x5400, s0;
	[sflag:s16] =	ssyncadd.s32 $0xFFFFE0C0;
	(pc) =	sbr.rel @p0 .LBB2_4-.Ltmp2, $4  }
0x86: {  	[spmem:s2] =	stream.indirect.scatter.add.f32 [tilespmem:s21], [sflag:$0x9], $0x40, s8, s14, $0xb8;
	[tilespmem:$0x1DC40] =	vst v63  }
0x87: {  	_ =	swait.ge [sflag:s20], $0x1F40  }
0x88: {  	[sflag:s20] =	ssyncset.done $0x0  }
0x89: {  	s4 =	sadd.s32 $0x5480, s0;
	[sflag:s20] =	ssyncadd.s32 $0xFFFFE0C0  }
0x8a: {  	s5 =	sadd.s32 $0x600, s0  }
0x8b: {  	[tilespmem:s19], [sflag:$0x3] =	stream.indirect.gather [hbm4b:s7+s14], $0x40, s5, s14, $0xb8;
	[tilespmem:$0x1DC40] =	vst v63  }
0x8c: {  	_ =	swait.ge [sflag:s26], $0x1F40  }
0x8d: {  	[sflag:s26] =	ssyncset.done $0x0  }
0x8e: {  	[sflag:s26] =	ssyncadd.s32 $0xFFFFE0C0  }
0x8f: {  	[spmem:s2] =	stream.indirect.scatter.add.f32 [tilespmem:s24], [sflag:$0xA], $0x40, s4, s14, $0xb8;
	[tilespmem:$0x1DC40] =	vst v63  }
.Ltmp3:
0x90: {  	_ = 	snop;
	(pc) =	sbr.rel .LBB2_2-.Ltmp3, $4  }
0x91: {  	_ =	swait.ge [sflag:s31], $0x1F40  }
0x92: {  	[sflag:s31] =	ssyncset.done $0x0  }
0x93: {  	s8 =	sadd.s32 $0x680, s0;
	s29 =	sadd.s32 $0xA00, s29;
	[sflag:s31] =	ssyncadd.s32 $0xFFFFE0C0  }
0x94: {  	[tilespmem:s21], [sflag:$0x4] =	stream.indirect.gather [hbm4b:s7+s14], $0x40, s8, s14, $0xb8;
	[tilespmem:$0x1DC40] =	vst v63  }
.LBB2_5:
0x95: {  	_ =	sfence.sel $0x180000  }
0x96: {  	[bflag:$0x0] =	sbarrier.arrive $0xFFFF  }
0x97: {  	_ =	strace $0x9000004A  }
0x98: {  	s0 =	stileid.u32;
	[bflag:$0x2] =	sbarrier.arrive $0xFFFF  }
0x99: {  	p0 =	sne.s32 s0, $0x0;
	s0 =	rddreg [dreg:$0x3]  }
0x9a: {  	s0 =	sadd.s32 @!p0 $0x100000, s0  }
0x9b: {  	[sflag:s0] =	ssyncadd.tile.s32 @!p0 $0x1;
	_ =	shalt  }
.Lfunc_end2:
_tile_overlayer_lowered:
.L_overlay_start_2:
0x9c: {  	(tag) =	ssettag $0x2  }
0x9d: {  	s0 =	rddreg [dreg:$0x0];
	s2 =	stileid.u32  }
0x9e: {  	s1 =	rddreg [dreg:$0x1];
	p0 =	sne.s32 s2, $0x0  }
0x9f: {  	s3 =	rddreg [dreg:$0x2];
	[bflag:$0x3] =	sbarrier.arrive $0xFFFF;
	s2 =	simm.s32 @!p0 $0x1C0B  }
0xa0: {  	[timem:s3], [sflag:s2] =	dma.local @!p0 [hbm:s0], s1  }
0xa1: {  	s0 =	simm.s32 @!p0 $0xB  }
0xa2: {  	_ =	swait.ge @!p0 [sflag:s0], s1  }
0xa3: {  	s1 =	ssub.s32 @!p0 $0x0, s1;
	[sflag:s0] =	ssyncset.done @!p0 $0x0  }
0xa4: {  	[sflag:s0] =	ssyncadd.s32 @!p0 s1  }
0xa5: {  	[bflag:$0x3] =	sbarrier.arrive $0xFFFF  }
0xa6: {  	_ =	shalt  }

// kernel: kernel.14.cloned.1.call-start
scs
__scs_entry_jumppad:
0x0: {  	(pc) =	sbr.rel $0x88, $3  }
0x1: {  	(tag) =	ssettag $0x0;
	lr =	simm.s32 $0x1  }
0x2: {  	[smem:$0x3F9B] =	sst lr;
	_ =	strace $0xD0000000  }
0x3: {  	_ = 	snop  }
0x4: {  	_ = 	snop  }
0x5: {  	_ = 	snop  }
0x6: {  	_ = 	snop  }
0x7: {  	_ = 	snop  }
__scs_overlays_trampoline_lowered:
0x8: {  	[smem:$0x3FAA] =	sst s0  }
0x9: {  	[smem:$0x3FAB] =	sst s1  }
0xa: {  	[smem:$0x3FAC] =	sst s2  }
0xb: {  	[smem:$0x3FAD] =	sst s3  }
0xc: {  	[smem:$0x3FAE] =	sst s4  }
0xd: {  	[smem:$0x3FAF] =	sst s5  }
0xe: {  	[smem:$0x3FB0] =	sst s6  }
0xf: {  	[smem:$0x3FB1] =	sst s7  }
0x10: {  	[smem:$0x3FB2] =	sst s8  }
0x11: {  	[smem:$0x3FB3] =	sst s9;
	s0 =	simm.s32 @!p0 $0x0  }
0x12: {  	s1 =	sld [smem:$0x3F99];
	s0 =	simm.s32 @p0 $0x1  }
0x13: {  	[smem:$0x3FB4] =	sst s0;
	s0 =	simm.s32 @!p1 $0x0  }
0x14: {  	s2 =	sld [smem:$0x3F98];
	s0 =	simm.s32 @p1 $0x1  }
0x15: {  	[smem:$0x3FB5] =	sst s0;
	s0 =	simm.s32 @!p2 $0x0  }
0x16: {  	s3 =	sld [smem:$0x3FDB];
	s0 =	simm.s32 @p2 $0x1  }
0x17: {  	s4 =	simm.s32 $0x1BF5;
	[smem:$0x3FB7] =	sst s0  }
0x18: {  	s0 =	sld [smem:$0x3F9A];
	_ =	swait.ge [sflag:s4], $0x0  }
0x19: {  	s7 =	sld [smem:$0x3F9B]  }
0x1a: {  	s8 =	sadd.s32 $0xFFFFE003, lr  }
0x1b: {  	s9 =	sadd.s32 $0xFFFFFEF7, lr;
	s5 =	simm.s32 $0xFFFFFFFF;
	p2 =	slt.u32 s8, $0xFFFFF086  }
0x1c: {  	p1 =	slt.u32 s9, $0xF7A;
	s5 =	simm.s32 @!p2 $0x0  }
0x1d: {  	s5 =	simm.s32 @p1 $0x1;
	p0 =	seq.s32 s7, s2  }
0x1e: {  	s7 =	smul.u32 @!p0 $0xF7A, s2;
	p2 =	seq.s32 @!p0 s5, $0x0  }
0x1f: {  	s9 =	smul.u32 $0xF7A, s1;
	s8 =	simm.s32 @!p0 $0x1BF5;
	p2 =	por !p2, p0  }
0x20: {  	[sflag:s8] =	ssyncset.s32 @!p0 $0xFFFFF086;
	s6 =	sadd.s32 @!p0 s3, s7;
	s7 =	simm.s32 @!p0 $0x108  }
0x21: {  	s3 =	sadd.s32 s3, s9;
	s6 =	sadd.s32 @!p0 $0x88, s6;
	s7 =	simm.s32 @p2 $0x1082  }
0x22: {  	[simem:s7], [sflag:s8] =	dma.local @!p0 [hbm:s6], $0xF7A  }
0x23: {  	s9 =	sor.u32 $0xD0000000, s2;
	s6 =	simm.s32 $0x108;
	_ =	swait.ge @!p0 [sflag:s8], $0x0  }
0x24: {  	s3 =	sadd.s32 $0x88, s3;
	s6 =	simm.s32 @!p1 $0x1082;
	[sflag:s4] =	ssyncset.s32 $0xFFFFF086  }
0x25: {  	[simem:s6], [sflag:s4] =	dma.local [hbm:s3], $0xF7A  }
0x26: {  	[smem:$0x3F9B] =	sst s1;
	(tag) =	ssettag s2;
	_ =	strace s9  }
0x27: {  	s1 =	sld [smem:$0x3FAB]  }
0x28: {  	s2 =	sld [smem:$0x3FAC]  }
0x29: {  	s4 =	sld [smem:$0x3FAE]  }
0x2a: {  	p0 =	seq.s32 s5, $0x0;
	s5 =	sld [smem:$0x3FAF]  }
0x2b: {  	s6 =	sld [smem:$0x3FB0]  }
0x2c: {  	s7 =	sld [smem:$0x3FB1]  }
0x2d: {  	s3 =	simm.s32 $0x108;
	s8 =	sld [smem:$0x3FB2]  }
0x2e: {  	s3 =	simm.s32 @!p0 $0x1082;
	s9 =	sld [smem:$0x3FB3]  }
0x2f: {  	lr =	sadd.s32 s0, s3;
	s0 =	sld [smem:$0x3FAA]  }
0x30: {  	s3 =	sld [smem:$0x3FAD]  }
0x31: {  	[smem:$0x3FB6] =	sst s10  }
0x32: {  	s10 =	sld [smem:$0x3FB4];
	_ =	sdelay $0x3  }
0x33: {  	p0 =	seq.s32 s10, $0x1;
	s10 =	sld [smem:$0x3FB6];
	_ =	sdelay $0x3  }
0x34: {  	[smem:$0x3FB6] =	sst s10  }
0x35: {  	s10 =	sld [smem:$0x3FB5];
	_ =	sdelay $0x3  }
0x36: {  	p1 =	seq.s32 s10, $0x1;
	s10 =	sld [smem:$0x3FB6];
	_ =	sdelay $0x3  }
0x37: {  	[smem:$0x3FB6] =	sst s10  }
0x38: {  	s10 =	sld [smem:$0x3FB7]  }
0x39: {  	_ = 	snop;
	(pc) =	sbr.ind lr, $3  }
0x3a: {  	_ = 	snop  }
0x3b: {  	_ = 	snop  }
0x3c: {  	p2 =	seq.s32 s10, $0x1;
	s10 =	sld [smem:$0x3FB6]  }
0x3d: {  	_ =	shalt  }
0x3e: {  	_ =	shalt  }
0x3f: {  	_ =	shalt  }
0x40: {  	_ =	shalt  }
0x41: {  	_ =	shalt  }
0x42: {  	_ =	shalt  }
0x43: {  	_ =	shalt  }
0x44: {  	_ =	shalt  }
0x45: {  	_ =	shalt  }
0x46: {  	_ =	shalt  }
0x47: {  	_ =	shalt  }
0x48: {  	_ =	shalt  }
0x49: {  	_ =	shalt  }
0x4a: {  	_ =	shalt  }
0x4b: {  	_ =	shalt  }
0x4c: {  	_ =	shalt  }
0x4d: {  	_ =	shalt  }
0x4e: {  	_ =	shalt  }
0x4f: {  	_ =	shalt  }
0x50: {  	_ =	shalt  }
0x51: {  	_ =	shalt  }
0x52: {  	_ =	shalt  }
0x53: {  	_ =	shalt  }
0x54: {  	_ =	shalt  }
0x55: {  	_ =	shalt  }
0x56: {  	_ =	shalt  }
0x57: {  	_ =	shalt  }
0x58: {  	_ =	shalt  }
0x59: {  	_ =	shalt  }
0x5a: {  	_ =	shalt  }
0x5b: {  	_ =	shalt  }
0x5c: {  	_ =	shalt  }
0x5d: {  	_ =	shalt  }
0x5e: {  	_ =	shalt  }
0x5f: {  	_ =	shalt  }
0x60: {  	_ =	shalt  }
0x61: {  	_ =	shalt  }
0x62: {  	_ =	shalt  }
0x63: {  	_ =	shalt  }
0x64: {  	_ =	shalt  }
0x65: {  	_ =	shalt  }
0x66: {  	_ =	shalt  }
0x67: {  	_ =	shalt  }
0x68: {  	_ =	shalt  }
0x69: {  	_ =	shalt  }
0x6a: {  	_ =	shalt  }
0x6b: {  	_ =	shalt  }
0x6c: {  	_ =	shalt  }
0x6d: {  	_ =	shalt  }
0x6e: {  	_ =	shalt  }
0x6f: {  	_ =	shalt  }
0x70: {  	_ =	shalt  }
0x71: {  	_ =	shalt  }
0x72: {  	_ =	shalt  }
0x73: {  	_ =	shalt  }
0x74: {  	_ =	shalt  }
0x75: {  	_ =	shalt  }
0x76: {  	_ =	shalt  }
0x77: {  	_ =	shalt  }
0x78: {  	_ =	shalt  }
0x79: {  	_ =	shalt  }
0x7a: {  	_ =	shalt  }
0x7b: {  	_ =	shalt  }
0x7c: {  	_ =	shalt  }
0x7d: {  	_ =	shalt  }
0x7e: {  	_ =	shalt  }
0x7f: {  	_ =	shalt  }
0x80: {  	_ =	shalt  }
0x81: {  	_ =	shalt  }
0x82: {  	_ =	shalt  }
0x83: {  	_ =	shalt  }
0x84: {  	_ =	shalt  }
0x85: {  	_ =	shalt  }
0x86: {  	_ =	shalt  }
0x87: {  	_ =	shalt  }
.Lfunc_end0:
.L_simem_size_0:
called_computation.2_lowered:
.L_overlay_start_0:
0x88: {  	s2 =	sld [smem:$0x3FD9]  }
0x89: {  	s3 =	sld [smem:$0x3FFE];
	_ =	sdelay $0x1  }
0x8a: {  	s1 =	srdreg.scid  }
0x8b: {  	s0 =	sand.u32 $0x1, s1  }
0x8c: {  	s17 =	sshll.u32 s0, $0xA;
	s2 =	sadd.s32 s3, s2  }
0x8d: {  	s2 =	sadd.s32 s2, s17  }
0x8e: {  	[smem:$0x3FC2] =	sst s2  }
0x8f: {  	_ = 	snop  }
0x90: {  	s2 =	sld [smem:$0x3FD0];
	(tm) =	ssettm $0x1  }
0x91: {  	s18 =	sld [smem:$0x3FFB];
	_ =	sdelay $0x3  }
0x92: {  	_ =	strace s18  }
0x93: {  	s3 =	sld [smem:$0x3FFC];
	_ =	sdelay $0x3  }
0x94: {  	_ =	strace s3  }
0x95: {  	s3 =	sld [smem:$0x3FFD];
	_ =	sdelay $0x3  }
0x96: {  	_ =	strace s3  }
0x97: {  	_ =	strace $0x8FFFFFFF  }
0x98: {  	s19 =	sld [smem:$0x3FDB];
	_ =	sdelay $0x1  }
0x99: {  	s4 =	simm.s32 $_scs_section_size  }
0x9a: {  	s5 =	simm.s32 $_size__tile_overlayer_lowered;
	s6 =	simm.s32 $_tile_overlayer_lowered  }
0x9b: {  	s22 =	simm.s32 $0x1BFF;
	s21 =	sshll.u32 s6, $0x1;
	s3 =	sadd.s32 s4, s19  }
0x9c: {  	s7 =	simm.s32 $0x0;
	s20 =	sshll.u32 s5, $0x1;
	s5 =	sadd.s32 s21, s3  }
0x9d: {  	[timem:s7], [sflag:s22] =	dma.local [hbm:s5], s20  }
0x9e: {  	_ =	swait.ge [sflag:s22], s20  }
0x9f: {  	s4 =	ssub.s32 $0x0, s20;
	[sflag:s22] =	ssyncset.done $0x0  }
0xa0: {  	[sflag:s22] =	ssyncadd.s32 s4;
	_ =	sdelay $0x1  }
0xa1: {  	s23 =	simm.s32 $0x1B8B  }
0xa2: {  	_ =	swait.ge [sflag:s23], $0x1  }
0xa3: {  	[sflag:s23] =	ssyncset.done $0x0  }
0xa4: {  	s25 =	simm.s32 $0x1B8E;
	s24 =	sld [smem:$0x3FFE];
	[sflag:s23] =	ssyncadd.s32 $0xFFFFFFFF  }
0xa5: {  	s26 =	simm.s32 $execute0_lowered;
	[smem:$0x3FD2] =	sst s25  }
0xa6: {  	s5 =	sshll.u32 s26, $0x1;
	_ =	strace $0x8000004C;
	[dreg:$0x1] =	wrdreg $0xFFFFFFFF  }
0xa7: {  	s28 =	simm.s32 $_size_execute0_lowered;
	s3 =	sadd.s32 s3, s5;
	[dreg:$0x0] =	wrdreg $0x0  }
0xa8: {  	s5 =	sshll.u32 s28, $0x1;
	[dreg:$0x2] =	wrdreg s3  }
0xa9: {  	[dreg:$0x3] =	wrdreg s5  }
0xaa: {  	[dreg:$0x4] =	wrdreg $0xC0  }
0xab: {  	_ =	task [dreg:s7], $0x5FFFF  }
0xac: {  	[dreg:$0x1] =	wrdreg $0xFFFFFFFF  }
0xad: {  	[dreg:$0x0] =	wrdreg $0x60  }
0xae: {  	[dreg:$0x2] =	wrdreg s24  }
0xaf: {  	[dreg:$0x3] =	wrdreg s2  }
0xb0: {  	[dreg:$0x4] =	wrdreg $0xC5300  }
0xb1: {  	[dreg:$0x5] =	wrdreg $0x9  }
0xb2: {  	_ =	task.clear_ibuf [dreg:s7], $0x6FFFF;
	_ =	strace $0x9000004C  }
0xb3: {  	s29 =	simm.s32 $0x9;
	_ =	strace $0x8000004E  }
0xb4: {  	_ =	swait.ge [sflag:s29], $0x1  }
0xb5: {  	[sflag:s29] =	ssyncadd.s32 $0xFFFFFFFF  }
0xb6: {  	_ =	strace $0x9000004E  }
0xb7: {  	_ =	sfence  }
0xb8: {  	s30 =	sld [smem:$0x0];
	_ =	sdelay $0x2  }
0xb9: {  	s31 =	sshll.u32 s1, $0xD;
	s1 =	sshrl.u32 s1, $0x2  }
0xba: {  	s3 =	sand.u32 $0x4000, s31;
	s1 =	sadd.s32 s1, s30  }
0xbb: {  	s0 =	sor.u32 s3, s0;
	s1 =	sshll.u32 s1, $0x11  }
0xbc: {  	s0 =	sor.u32 s1, s0  }
0xbd: {  	s0 =	sadd.s32 $0x8F2B, s0  }
0xbe: {  	[sflag:s0] =	ssyncadd.remote.s32 $0x1  }
0xbf: {  	_ =	sfence.sel $0xFFFF  }
0xc0: {  	[dreg:$0x0] =	wrdreg $0xFFFFFFFF;
	(pc) =	sbr.abs _section_cstart, $3  }
0xc1: {  	[dreg:$0x1] =	wrdreg $0xFFFFFFFF  }
0xc2: {  	_ =	task.clear_ibuf [dreg:s7], $0x2FFFF;
	_ =	strace $0x9FFFFFFF  }
0xc3: {  	(tm) =	ssettm $0x7FFFFFFF  }
tec
execute0_lowered:
.L_overlay_start_1:
0x0: {  	(tag) =	ssettag $0x1  }
0x1: {  	s0 =	rddreg [dreg:$0x0]  }
0x2: {  	s1 =	srdreg.scid;
	s5 =	rddreg [dreg:$0x1]  }
0x3: {  	s11 =	stileid.u32;
	s2 =	rddreg [dreg:$0x2]  }
0x4: {  	s3 =	simm.s32 $0x0;
	s14 =	simm.s32 $0x7D;
	s15 =	simm.s32 $0x5000  }
0x5: {  	s17 =	simm.s32 $0x6770;
	s19 =	simm.s32 $0x7EE0;
	s21 =	simm.s32 $0x9650  }
0x6: {  	s22 =	simm.s32 $0x1;
	s28 =	simm.s32 $0x6;
	s30 =	simm.s32 $0x3  }
0x7: {  	s16 =	simm.s32 $0x4;
	s20 =	simm.s32 $0x8;
	s31 =	simm.s32 $0x9  }
0x8: {  	s18 =	simm.s32 $0xA;
	s1 =	sand.u32 $0x1, s1;
	s6 =	smul.u32 $0x5000, s11  }
0x9: {  	s8 =	smul.u32 $0x7800, s11;
	[smem:$0x7FF] =	sst s3;
	s4 =	sadd.s32 $0x61600, s0  }
0xa: {  	s12 =	sadd.s32 $0x2000, s0;
	s29 =	sshll.u32 s11, $0x6;
	s7 =	smul.u32 $0x2800, s1  }
0xb: {  	s11 =	simm.s32 $0x2800;
	s9 =	smul.u32 $0x78000, s1;
	_ =	strace $0x8000004D  }
0xc: {  	s1 =	ssub.s32 $0x2, s1;
	[dreg:$0x4] =	wrdreg s12;
	s12 =	sor.u32 $0x1C0B, s29  }
0xd: {  	s10 =	sshrl.u32 s1, $0x1;
	s26 =	sadd.s32 s8, s2;
	s6 =	sadd.s32 s7, s6  }
0xe: {  	s23 =	sadd.s32 s8, s9;
	s1 =	ssub.s32 s1, s10;
	s10 =	simm.s32 $0xB  }
0xf: {  	s13 =	sshrl.u32 s26, $0x3;
	s26 =	simm.s32 $0x5;
	s7 =	sshrl.u32 s6, $0x3  }
.Ltmp0:
0x10: {  	s6 =	sshrl.u32 s23, $0x3;
	s9 =	smax.u32 s1, $0x1;
	(pc) =	sbr.rel .LBB2_1-.Ltmp0, $4  }
0x11: {  	s1 =	simm.s32 $0x7;
	s24 =	sadd.s32 s7, s0;
	s5 =	sadd.s32 s5, s7  }
0x12: {  	s0 =	sadd.s32 s6, s0;
	s25 =	sadd.s32 $0x7600, s24;
	[dreg:$0x6] =	wrdreg s5  }
0x13: {  	s23 =	simm.s32 $0x0;
	s0 =	sadd.s32 $0x70200, s0;
	[dreg:$0x5] =	wrdreg s25  }
0x14: {  	s24 =	simm.s32 $0xADC0;
	[dreg:$0x7] =	wrdreg s0;
	s25 =	simm.s32 $0x2  }
.LBB2_4:
0x15: {  	_ =	swait.ge [sflag:s26], $0x1770  }
0x16: {  	[sflag:s26] =	ssyncset.done $0x0  }
0x17: {  	[sflag:s26] =	ssyncadd.s32 $0xFFFFE890  }
0x18: {  	[spmem:s2] =	stream.indirect.scatter.add.f32 [tilespmem:s24], [sflag:$0xA], $0x30, s5, s14, $0xb8;
	[tilespmem:$0x13D30] =	vst v63  }
0x19: {  	_ =	swait.ge [sflag:s31], $0x1770  }
0x1a: {  	[sflag:s31] =	ssyncset.done $0x0  }
0x1b: {  	[sflag:s31] =	ssyncadd.s32 $0xFFFFE890  }
0x1c: {  	_ =	swait.ge [sflag:s18], $0x1770  }
0x1d: {  	[sflag:s18] =	ssyncset.done $0x0  }
0x1e: {  	s23 =	sadd.s32 $0x1, s23;
	[sflag:s18] =	ssyncadd.s32 $0xFFFFE890  }
0x1f: {  	p0 =	sne.s32 s23, s9;
	[bflag:$0x0] =	sbarrier.arrive $0xFFFF  }
.Ltmp1:
0x20: {  	s0 =	rddreg [dreg:$0x7];
	(pc) =	sbr.rel @!p0 .LBB2_5-.Ltmp1, $4  }
0x21: {  	[hbm:s0], [sflag:s12] =	dma.local [spmem:s13], $0xF00  }
0x22: {  	_ =	swait.ge [sflag:s10], $0xF00  }
0x23: {  	[sflag:s10] =	ssyncset.done $0x0  }
0x24: {  	[sflag:s10] =	ssyncadd.s32 $0xFFFFF100  }
.LBB2_1:
0x25: {  	s0 =	rddreg [dreg:$0x5]  }
0x26: {  	[tilespmem:s3], [sflag:$0xB] =	stream.linear.gather [hbm4b:s0+s3], $0x2800, $0x38;
	[tilespmem:$0x13D30] =	vst v63  }
0x27: {  	_ =	swait.ge [sflag:s10], $0x2800  }
0x28: {  	[sflag:s10] =	ssyncset.done $0x0  }
0x29: {  	s7 =	rddreg [dreg:$0x6];
	[sflag:s10] =	ssyncadd.s32 $0xFFFFD800  }
0x2a: {  	[tilespmem:s11], [sflag:$0xB] =	stream.linear.gather [hbm4b:s7+s3], $0x2800, $0x38;
	[tilespmem:$0x13D30] =	vst v63  }
0x2b: {  	_ =	swait.ge [sflag:s10], $0x2800  }
0x2c: {  	[sflag:s10] =	ssyncset.done $0x0  }
0x2d: {  	s8 =	rddreg [dreg:$0x4];
	[sflag:s10] =	ssyncadd.s32 $0xFFFFD800  }
0x2e: {  	[spmem:s13], [sflag:s12] =	dma.local [hbm:s8], $0xF00  }
0x2f: {  	_ =	swait.ge [sflag:s10], $0xF00  }
0x30: {  	[sflag:s10] =	ssyncset.done $0x0  }
0x31: {  	[sflag:s10] =	ssyncadd.s32 $0xFFFFF100  }
0x32: {  	[bflag:$0x0] =	sbarrier.arrive $0xFFFF  }
0x33: {  	[tilespmem:s15], [sflag:$0x1] =	stream.indirect.gather [hbm4b:s4+s14], $0x30, s3, s14, $0xb8;
	[tilespmem:$0x13D30] =	vst v63  }
0x34: {  	s5 =	simm.s32 $0x80  }
0x35: {  	[tilespmem:s17], [sflag:$0x2] =	stream.indirect.gather [hbm4b:s4+s14], $0x30, s5, s14, $0xb8;
	[tilespmem:$0x13D30] =	vst v63  }
0x36: {  	s6 =	simm.s32 $0x100  }
0x37: {  	[tilespmem:s19], [sflag:$0x3] =	stream.indirect.gather [hbm4b:s4+s14], $0x30, s6, s14, $0xb8;
	[tilespmem:$0x13D30] =	vst v63  }
0x38: {  	s7 =	simm.s32 $0x180  }
0x39: {  	[tilespmem:s21], [sflag:$0x4] =	stream.indirect.gather [hbm4b:s4+s14], $0x30, s7, s14, $0xb8;
	[tilespmem:$0x13D30] =	vst v63  }
0x3a: {  	_ =	swait.ge [sflag:s22], $0x1770  }
0x3b: {  	[sflag:s22] =	ssyncset.done $0x0  }
0x3c: {  	[sflag:s22] =	ssyncadd.s32 $0xFFFFE890  }
0x3d: {  	[spmem:s2] =	stream.indirect.scatter.add.f32 [tilespmem:s15], [sflag:$0x6], $0x30, s11, s14, $0xb8;
	[tilespmem:$0x13D30] =	vst v63  }
0x3e: {  	s8 =	simm.s32 $0x200  }
0x3f: {  	[tilespmem:s24], [sflag:$0x5] =	stream.indirect.gather [hbm4b:s4+s14], $0x30, s8, s14, $0xb8;
	[tilespmem:$0x13D30] =	vst v63  }
0x40: {  	_ =	swait.ge [sflag:s25], $0x1770  }
0x41: {  	[sflag:s25] =	ssyncset.done $0x0  }
0x42: {  	s5 =	simm.s32 $0x2880;
	[sflag:s25] =	ssyncadd.s32 $0xFFFFE890  }
0x43: {  	[spmem:s2] =	stream.indirect.scatter.add.f32 [tilespmem:s17], [sflag:$0x7], $0x30, s5, s14, $0xb8;
	[tilespmem:$0x13D30] =	vst v63  }
0x44: {  	_ =	swait.ge [sflag:s28], $0x1770  }
0x45: {  	[sflag:s28] =	ssyncset.done $0x0  }
0x46: {  	s6 =	simm.s32 $0x280;
	[sflag:s28] =	ssyncadd.s32 $0xFFFFE890  }
0x47: {  	[tilespmem:s15], [sflag:$0x1] =	stream.indirect.gather [hbm4b:s4+s14], $0x30, s6, s14, $0xb8;
	[tilespmem:$0x13D30] =	vst v63  }
0x48: {  	_ =	swait.ge [sflag:s30], $0x1770  }
0x49: {  	[sflag:s30] =	ssyncset.done $0x0  }
0x4a: {  	s7 =	simm.s32 $0x2900;
	[sflag:s30] =	ssyncadd.s32 $0xFFFFE890  }
0x4b: {  	[spmem:s2] =	stream.indirect.scatter.add.f32 [tilespmem:s19], [sflag:$0x8], $0x30, s7, s14, $0xb8;
	[tilespmem:$0x13D30] =	vst v63  }
0x4c: {  	_ =	swait.ge [sflag:s1], $0x1770  }
0x4d: {  	[sflag:s1] =	ssyncset.done $0x0  }
0x4e: {  	s8 =	simm.s32 $0x300;
	[sflag:s1] =	ssyncadd.s32 $0xFFFFE890  }
0x4f: {  	[tilespmem:s17], [sflag:$0x2] =	stream.indirect.gather [hbm4b:s4+s14], $0x30, s8, s14, $0xb8;
	[tilespmem:$0x13D30] =	vst v63  }
0x50: {  	_ =	swait.ge [sflag:s16], $0x1770  }
0x51: {  	[sflag:s16] =	ssyncset.done $0x0  }
0x52: {  	s5 =	simm.s32 $0x2980;
	[sflag:s16] =	ssyncadd.s32 $0xFFFFE890  }
0x53: {  	[spmem:s2] =	stream.indirect.scatter.add.f32 [tilespmem:s21], [sflag:$0x9], $0x30, s5, s14, $0xb8;
	[tilespmem:$0x13D30] =	vst v63  }
0x54: {  	_ =	swait.ge [sflag:s20], $0x1770  }
0x55: {  	[sflag:s20] =	ssyncset.done $0x0  }
0x56: {  	s6 =	simm.s32 $0x380;
	[sflag:s20] =	ssyncadd.s32 $0xFFFFE890  }
0x57: {  	[tilespmem:s19], [sflag:$0x3] =	stream.indirect.gather [hbm4b:s4+s14], $0x30, s6, s14, $0xb8;
	[tilespmem:$0x13D30] =	vst v63  }
0x58: {  	_ =	swait.ge [sflag:s26], $0x1770  }
0x59: {  	[sflag:s26] =	ssyncset.done $0x0  }
0x5a: {  	s7 =	simm.s32 $0x2A00;
	[sflag:s26] =	ssyncadd.s32 $0xFFFFE890  }
0x5b: {  	[spmem:s2] =	stream.indirect.scatter.add.f32 [tilespmem:s24], [sflag:$0xA], $0x30, s7, s14, $0xb8;
	[tilespmem:$0x13D30] =	vst v63  }
0x5c: {  	_ =	swait.ge [sflag:s31], $0x1770  }
0x5d: {  	[sflag:s31] =	ssyncset.done $0x0  }
0x5e: {  	s29 =	simm.s32 $0x0;
	s8 =	simm.s32 $0x400;
	[sflag:s31] =	ssyncadd.s32 $0xFFFFE890  }
0x5f: {  	[tilespmem:s21], [sflag:$0x4] =	stream.indirect.gather [hbm4b:s4+s14], $0x30, s8, s14, $0xb8;
	[tilespmem:$0x13D30] =	vst v63  }
.LBB2_2:
0x60: {  	_ =	swait.ge [sflag:s22], $0x1770  }
0x61: {  	s0 =	sshra.s32 s29, $0x2;
	[sflag:s22] =	ssyncset.done $0x0  }
0x62: {  	s5 =	sadd.s32 $0x2A80, s0;
	[sflag:s22] =	ssyncadd.s32 $0xFFFFE890  }
0x63: {  	[spmem:s2] =	stream.indirect.scatter.add.f32 [tilespmem:s15], [sflag:$0x6], $0x30, s5, s14, $0xb8;
	[tilespmem:$0x13D30] =	vst v63  }
0x64: {  	_ =	swait.ge [sflag:s18], $0x1770  }
0x65: {  	[sflag:s18] =	ssyncset.done $0x0  }
0x66: {  	s6 =	sadd.s32 $0x480, s0;
	[sflag:s18] =	ssyncadd.s32 $0xFFFFE890  }
0x67: {  	[tilespmem:s24], [sflag:$0x5] =	stream.indirect.gather [hbm4b:s4+s14], $0x30, s6, s14, $0xb8;
	[tilespmem:$0x13D30] =	vst v63  }
0x68: {  	_ =	swait.ge [sflag:s25], $0x1770  }
0x69: {  	[sflag:s25] =	ssyncset.done $0x0  }
0x6a: {  	s7 =	sadd.s32 $0x2B00, s0;
	[sflag:s25] =	ssyncadd.s32 $0xFFFFE890  }
0x6b: {  	[spmem:s2] =	stream.indirect.scatter.add.f32 [tilespmem:s17], [sflag:$0x7], $0x30, s7, s14, $0xb8;
	[tilespmem:$0x13D30] =	vst v63  }
0x6c: {  	_ =	swait.ge [sflag:s28], $0x1770  }
0x6d: {  	p0 =	seq.s32 s29, $0x8C00;
	[sflag:s28] =	ssyncset.done $0x0  }
0x6e: {  	s5 =	simm.s32 @p0 $0x3;
	[sflag:s28] =	ssyncadd.s32 $0xFFFFE890  }
0x6f: {  	_ =	swait.ge @p0 [sflag:s5], $0x1770  }
0x70: {  	[sflag:s5] =	ssyncset.done @p0 $0x0  }
0x71: {  	[sflag:s5] =	ssyncadd.s32 @p0 $0xFFFFE890;
	s5 =	sshra.s32 @p0 s29, $0x2  }
0x72: {  	s6 =	simm.s32 @p0 $0x7D;
	s7 =	simm.s32 @p0 $0x7EE0;
	s5 =	sadd.s32 @p0 $0x2B80, s5  }
0x73: {  	[spmem:s2] =	stream.indirect.scatter.add.f32 @p0 [tilespmem:s7], [sflag:$0x8], $0x30, s5, s6, $0xb8;
	[tilespmem:$0x13D30] =	vst v63  }
0x74: {  	s5 =	simm.s32 @p0 $0x7  }
0x75: {  	_ =	swait.ge @p0 [sflag:s5], $0x1770  }
0x76: {  	[sflag:s5] =	ssyncset.done @p0 $0x0  }
0x77: {  	[sflag:s5] =	ssyncadd.s32 @p0 $0xFFFFE890;
	s5 =	sshra.s32 @!p0 s29, $0x2  }
0x78: {  	s8 =	simm.s32 @!p0 $0x5000;
	s7 =	simm.s32 @!p0 $0x7D;
	s6 =	sadd.s32 @!p0 $0x500, s5  }
0x79: {  	[tilespmem:s8], [sflag:$0x1] =	stream.indirect.gather @!p0 [hbm4b:s4+s7], $0x30, s6, s7, $0xb8;
	[tilespmem:$0x13D30] =	vst v63  }
0x7a: {  	s6 =	simm.s32 @!p0 $0x3  }
0x7b: {  	_ =	swait.ge @!p0 [sflag:s6], $0x1770  }
0x7c: {  	[sflag:s6] =	ssyncset.done @!p0 $0x0  }
0x7d: {  	s8 =	simm.s32 @!p0 $0x7EE0;
	[sflag:s6] =	ssyncadd.s32 @!p0 $0xFFFFE890;
	s6 =	sadd.s32 @!p0 $0x2B80, s5  }
0x7e: {  	[spmem:s2] =	stream.indirect.scatter.add.f32 @!p0 [tilespmem:s8], [sflag:$0x8], $0x30, s6, s7, $0xb8;
	[tilespmem:$0x13D30] =	vst v63  }
0x7f: {  	s6 =	simm.s32 @!p0 $0x7  }
0x80: {  	_ =	swait.ge @!p0 [sflag:s6], $0x1770  }
0x81: {  	[sflag:s6] =	ssyncset.done @!p0 $0x0  }
0x82: {  	s5 =	sadd.s32 @!p0 $0x580, s5;
	[sflag:s6] =	ssyncadd.s32 @!p0 $0xFFFFE890;
	s6 =	simm.s32 @!p0 $0x6770  }
0x83: {  	[tilespmem:s6], [sflag:$0x2] =	stream.indirect.gather @!p0 [hbm4b:s4+s7], $0x30, s5, s7, $0xb8;
	[tilespmem:$0x13D30] =	vst v63  }
0x84: {  	_ =	swait.ge [sflag:s16], $0x1770  }
0x85: {  	[sflag:s16] =	ssyncset.done $0x0  }
.Ltmp2:
0x86: {  	s8 =	sadd.s32 $0x2C00, s0;
	[sflag:s16] =	ssyncadd.s32 $0xFFFFE890;
	(pc) =	sbr.rel @p0 .LBB2_4-.Ltmp2, $4  }
0x87: {  	[spmem:s2] =	stream.indirect.scatter.add.f32 [tilespmem:s21], [sflag:$0x9], $0x30, s8, s14, $0xb8;
	[tilespmem:$0x13D30] =	vst v63  }
0x88: {  	_ =	swait.ge [sflag:s20], $0x1770  }
0x89: {  	[sflag:s20] =	ssyncset.done $0x0  }
0x8a: {  	s5 =	sadd.s32 $0x2C80, s0;
	[sflag:s20] =	ssyncadd.s32 $0xFFFFE890  }
0x8b: {  	s6 =	sadd.s32 $0x600, s0  }
0x8c: {  	[tilespmem:s19], [sflag:$0x3] =	stream.indirect.gather [hbm4b:s4+s14], $0x30, s6, s14, $0xb8;
	[tilespmem:$0x13D30] =	vst v63  }
0x8d: {  	_ =	swait.ge [sflag:s26], $0x1770  }
0x8e: {  	[sflag:s26] =	ssyncset.done $0x0  }
0x8f: {  	[sflag:s26] =	ssyncadd.s32 $0xFFFFE890  }
0x90: {  	[spmem:s2] =	stream.indirect.scatter.add.f32 [tilespmem:s24], [sflag:$0xA], $0x30, s5, s14, $0xb8;
	[tilespmem:$0x13D30] =	vst v63  }
.Ltmp3:
0x91: {  	_ = 	snop;
	(pc) =	sbr.rel .LBB2_2-.Ltmp3, $4  }
0x92: {  	_ =	swait.ge [sflag:s31], $0x1770  }
0x93: {  	[sflag:s31] =	ssyncset.done $0x0  }
0x94: {  	s8 =	sadd.s32 $0x680, s0;
	s29 =	sadd.s32 $0xA00, s29;
	[sflag:s31] =	ssyncadd.s32 $0xFFFFE890  }
0x95: {  	[tilespmem:s21], [sflag:$0x4] =	stream.indirect.gather [hbm4b:s4+s14], $0x30, s8, s14, $0xb8;
	[tilespmem:$0x13D30] =	vst v63  }
.LBB2_5:
0x96: {  	_ =	sfence.sel $0x180000  }
0x97: {  	[bflag:$0x0] =	sbarrier.arrive $0xFFFF  }
0x98: {  	_ =	strace $0x9000004D  }
0x99: {  	s0 =	stileid.u32;
	[bflag:$0x2] =	sbarrier.arrive $0xFFFF  }
0x9a: {  	p0 =	sne.s32 s0, $0x0;
	s0 =	rddreg [dreg:$0x3]  }
0x9b: {  	s0 =	sadd.s32 @!p0 $0x100000, s0  }
0x9c: {  	[sflag:s0] =	ssyncadd.tile.s32 @!p0 $0x1;
	_ =	shalt  }
.Lfunc_end2:
_tile_overlayer_lowered:
.L_overlay_start_2:
0x9d: {  	(tag) =	ssettag $0x2  }
0x9e: {  	s0 =	rddreg [dreg:$0x0];
	s2 =	stileid.u32  }
0x9f: {  	s1 =	rddreg [dreg:$0x1];
	p0 =	sne.s32 s2, $0x0  }
0xa0: {  	s3 =	rddreg [dreg:$0x2];
	[bflag:$0x3] =	sbarrier.arrive $0xFFFF;
	s2 =	simm.s32 @!p0 $0x1C0B  }
0xa1: {  	[timem:s3], [sflag:s2] =	dma.local @!p0 [hbm:s0], s1  }
0xa2: {  	s0 =	simm.s32 @!p0 $0xB  }
0xa3: {  	_ =	swait.ge @!p0 [sflag:s0], s1  }
0xa4: {  	s1 =	ssub.s32 @!p0 $0x0, s1;
	[sflag:s0] =	ssyncset.done @!p0 $0x0  }
0xa5: {  	[sflag:s0] =	ssyncadd.s32 @!p0 s1  }
0xa6: {  	[bflag:$0x3] =	sbarrier.arrive $0xFFFF  }
0xa7: {  	_ =	shalt  }

// kernel: kernel.8.cloned.1.call-start
scs
__scs_entry_jumppad:
0x0: {  	(pc) =	sbr.rel $0x88, $3  }
0x1: {  	(tag) =	ssettag $0x0;
	lr =	simm.s32 $0x1  }
0x2: {  	[smem:$0x3F9B] =	sst lr;
	_ =	strace $0xD0000000  }
0x3: {  	_ = 	snop  }
0x4: {  	_ = 	snop  }
0x5: {  	_ = 	snop  }
0x6: {  	_ = 	snop  }
0x7: {  	_ = 	snop  }
__scs_overlays_trampoline_lowered:
0x8: {  	[smem:$0x3FAA] =	sst s0  }
0x9: {  	[smem:$0x3FAB] =	sst s1  }
0xa: {  	[smem:$0x3FAC] =	sst s2  }
0xb: {  	[smem:$0x3FAD] =	sst s3  }
0xc: {  	[smem:$0x3FAE] =	sst s4  }
0xd: {  	[smem:$0x3FAF] =	sst s5  }
0xe: {  	[smem:$0x3FB0] =	sst s6  }
0xf: {  	[smem:$0x3FB1] =	sst s7  }
0x10: {  	[smem:$0x3FB2] =	sst s8  }
0x11: {  	[smem:$0x3FB3] =	sst s9;
	s0 =	simm.s32 @!p0 $0x0  }
0x12: {  	s1 =	sld [smem:$0x3F99];
	s0 =	simm.s32 @p0 $0x1  }
0x13: {  	[smem:$0x3FB4] =	sst s0;
	s0 =	simm.s32 @!p1 $0x0  }
0x14: {  	s2 =	sld [smem:$0x3F98];
	s0 =	simm.s32 @p1 $0x1  }
0x15: {  	[smem:$0x3FB5] =	sst s0;
	s0 =	simm.s32 @!p2 $0x0  }
0x16: {  	s3 =	sld [smem:$0x3FDB];
	s0 =	simm.s32 @p2 $0x1  }
0x17: {  	s4 =	simm.s32 $0x1BF5;
	[smem:$0x3FB7] =	sst s0  }
0x18: {  	s0 =	sld [smem:$0x3F9A];
	_ =	swait.ge [sflag:s4], $0x0  }
0x19: {  	s7 =	sld [smem:$0x3F9B]  }
0x1a: {  	s8 =	sadd.s32 $0xFFFFE003, lr  }
0x1b: {  	s9 =	sadd.s32 $0xFFFFFEF7, lr;
	s5 =	simm.s32 $0xFFFFFFFF;
	p2 =	slt.u32 s8, $0xFFFFF086  }
0x1c: {  	p1 =	slt.u32 s9, $0xF7A;
	s5 =	simm.s32 @!p2 $0x0  }
0x1d: {  	s5 =	simm.s32 @p1 $0x1;
	p0 =	seq.s32 s7, s2  }
0x1e: {  	s7 =	smul.u32 @!p0 $0xF7A, s2;
	p2 =	seq.s32 @!p0 s5, $0x0  }
0x1f: {  	s9 =	smul.u32 $0xF7A, s1;
	s8 =	simm.s32 @!p0 $0x1BF5;
	p2 =	por !p2, p0  }
0x20: {  	[sflag:s8] =	ssyncset.s32 @!p0 $0xFFFFF086;
	s6 =	sadd.s32 @!p0 s3, s7;
	s7 =	simm.s32 @!p0 $0x108  }
0x21: {  	s3 =	sadd.s32 s3, s9;
	s6 =	sadd.s32 @!p0 $0x88, s6;
	s7 =	simm.s32 @p2 $0x1082  }
0x22: {  	[simem:s7], [sflag:s8] =	dma.local @!p0 [hbm:s6], $0xF7A  }
0x23: {  	s9 =	sor.u32 $0xD0000000, s2;
	s6 =	simm.s32 $0x108;
	_ =	swait.ge @!p0 [sflag:s8], $0x0  }
0x24: {  	s3 =	sadd.s32 $0x88, s3;
	s6 =	simm.s32 @!p1 $0x1082;
	[sflag:s4] =	ssyncset.s32 $0xFFFFF086  }
0x25: {  	[simem:s6], [sflag:s4] =	dma.local [hbm:s3], $0xF7A  }
0x26: {  	[smem:$0x3F9B] =	sst s1;
	(tag) =	ssettag s2;
	_ =	strace s9  }
0x27: {  	s1 =	sld [smem:$0x3FAB]  }
0x28: {  	s2 =	sld [smem:$0x3FAC]  }
0x29: {  	s4 =	sld [smem:$0x3FAE]  }
0x2a: {  	p0 =	seq.s32 s5, $0x0;
	s5 =	sld [smem:$0x3FAF]  }
0x2b: {  	s6 =	sld [smem:$0x3FB0]  }
0x2c: {  	s7 =	sld [smem:$0x3FB1]  }
0x2d: {  	s3 =	simm.s32 $0x108;
	s8 =	sld [smem:$0x3FB2]  }
0x2e: {  	s3 =	simm.s32 @!p0 $0x1082;
	s9 =	sld [smem:$0x3FB3]  }
0x2f: {  	lr =	sadd.s32 s0, s3;
	s0 =	sld [smem:$0x3FAA]  }
0x30: {  	s3 =	sld [smem:$0x3FAD]  }
0x31: {  	[smem:$0x3FB6] =	sst s10  }
0x32: {  	s10 =	sld [smem:$0x3FB4];
	_ =	sdelay $0x3  }
0x33: {  	p0 =	seq.s32 s10, $0x1;
	s10 =	sld [smem:$0x3FB6];
	_ =	sdelay $0x3  }
0x34: {  	[smem:$0x3FB6] =	sst s10  }
0x35: {  	s10 =	sld [smem:$0x3FB5];
	_ =	sdelay $0x3  }
0x36: {  	p1 =	seq.s32 s10, $0x1;
	s10 =	sld [smem:$0x3FB6];
	_ =	sdelay $0x3  }
0x37: {  	[smem:$0x3FB6] =	sst s10  }
0x38: {  	s10 =	sld [smem:$0x3FB7]  }
0x39: {  	_ = 	snop;
	(pc) =	sbr.ind lr, $3  }
0x3a: {  	_ = 	snop  }
0x3b: {  	_ = 	snop  }
0x3c: {  	p2 =	seq.s32 s10, $0x1;
	s10 =	sld [smem:$0x3FB6]  }
0x3d: {  	_ =	shalt  }
0x3e: {  	_ =	shalt  }
0x3f: {  	_ =	shalt  }
0x40: {  	_ =	shalt  }
0x41: {  	_ =	shalt  }
0x42: {  	_ =	shalt  }
0x43: {  	_ =	shalt  }
0x44: {  	_ =	shalt  }
0x45: {  	_ =	shalt  }
0x46: {  	_ =	shalt  }
0x47: {  	_ =	shalt  }
0x48: {  	_ =	shalt  }
0x49: {  	_ =	shalt  }
0x4a: {  	_ =	shalt  }
0x4b: {  	_ =	shalt  }
0x4c: {  	_ =	shalt  }
0x4d: {  	_ =	shalt  }
0x4e: {  	_ =	shalt  }
0x4f: {  	_ =	shalt  }
0x50: {  	_ =	shalt  }
0x51: {  	_ =	shalt  }
0x52: {  	_ =	shalt  }
0x53: {  	_ =	shalt  }
0x54: {  	_ =	shalt  }
0x55: {  	_ =	shalt  }
0x56: {  	_ =	shalt  }
0x57: {  	_ =	shalt  }
0x58: {  	_ =	shalt  }
0x59: {  	_ =	shalt  }
0x5a: {  	_ =	shalt  }
0x5b: {  	_ =	shalt  }
0x5c: {  	_ =	shalt  }
0x5d: {  	_ =	shalt  }
0x5e: {  	_ =	shalt  }
0x5f: {  	_ =	shalt  }
0x60: {  	_ =	shalt  }
0x61: {  	_ =	shalt  }
0x62: {  	_ =	shalt  }
0x63: {  	_ =	shalt  }
0x64: {  	_ =	shalt  }
0x65: {  	_ =	shalt  }
0x66: {  	_ =	shalt  }
0x67: {  	_ =	shalt  }
0x68: {  	_ =	shalt  }
0x69: {  	_ =	shalt  }
0x6a: {  	_ =	shalt  }
0x6b: {  	_ =	shalt  }
0x6c: {  	_ =	shalt  }
0x6d: {  	_ =	shalt  }
0x6e: {  	_ =	shalt  }
0x6f: {  	_ =	shalt  }
0x70: {  	_ =	shalt  }
0x71: {  	_ =	shalt  }
0x72: {  	_ =	shalt  }
0x73: {  	_ =	shalt  }
0x74: {  	_ =	shalt  }
0x75: {  	_ =	shalt  }
0x76: {  	_ =	shalt  }
0x77: {  	_ =	shalt  }
0x78: {  	_ =	shalt  }
0x79: {  	_ =	shalt  }
0x7a: {  	_ =	shalt  }
0x7b: {  	_ =	shalt  }
0x7c: {  	_ =	shalt  }
0x7d: {  	_ =	shalt  }
0x7e: {  	_ =	shalt  }
0x7f: {  	_ =	shalt  }
0x80: {  	_ =	shalt  }
0x81: {  	_ =	shalt  }
0x82: {  	_ =	shalt  }
0x83: {  	_ =	shalt  }
0x84: {  	_ =	shalt  }
0x85: {  	_ =	shalt  }
0x86: {  	_ =	shalt  }
0x87: {  	_ =	shalt  }
.Lfunc_end0:
.L_simem_size_0:
called_computation_lowered:
.L_overlay_start_0:
0x88: {  	s2 =	sld [smem:$0x3FD9]  }
0x89: {  	s3 =	sld [smem:$0x3FFE];
	_ =	sdelay $0x1  }
0x8a: {  	s1 =	srdreg.scid  }
0x8b: {  	s0 =	sand.u32 $0x1, s1  }
0x8c: {  	s17 =	sshll.u32 s0, $0xA;
	s2 =	sadd.s32 s3, s2  }
0x8d: {  	s2 =	sadd.s32 s2, s17  }
0x8e: {  	[smem:$0x3FC2] =	sst s2  }
0x8f: {  	_ = 	snop  }
0x90: {  	s2 =	sld [smem:$0x3FD0];
	(tm) =	ssettm $0x1  }
0x91: {  	s18 =	sld [smem:$0x3FFB];
	_ =	sdelay $0x3  }
0x92: {  	_ =	strace s18  }
0x93: {  	s3 =	sld [smem:$0x3FFC];
	_ =	sdelay $0x3  }
0x94: {  	_ =	strace s3  }
0x95: {  	s3 =	sld [smem:$0x3FFD];
	_ =	sdelay $0x3  }
0x96: {  	_ =	strace s3  }
0x97: {  	_ =	strace $0x8FFFFFFF  }
0x98: {  	s19 =	sld [smem:$0x3FDB];
	_ =	sdelay $0x1  }
0x99: {  	s4 =	simm.s32 $_scs_section_size  }
0x9a: {  	s5 =	simm.s32 $_size__tile_overlayer_lowered;
	s6 =	simm.s32 $_tile_overlayer_lowered  }
0x9b: {  	s22 =	simm.s32 $0x1BFF;
	s21 =	sshll.u32 s6, $0x1;
	s3 =	sadd.s32 s4, s19  }
0x9c: {  	s7 =	simm.s32 $0x0;
	s20 =	sshll.u32 s5, $0x1;
	s5 =	sadd.s32 s21, s3  }
0x9d: {  	[timem:s7], [sflag:s22] =	dma.local [hbm:s5], s20  }
0x9e: {  	_ =	swait.ge [sflag:s22], s20  }
0x9f: {  	s4 =	ssub.s32 $0x0, s20;
	[sflag:s22] =	ssyncset.done $0x0  }
0xa0: {  	[sflag:s22] =	ssyncadd.s32 s4;
	_ =	sdelay $0x1  }
0xa1: {  	s23 =	simm.s32 $0x1B8B  }
0xa2: {  	_ =	swait.ge [sflag:s23], $0x1  }
0xa3: {  	[sflag:s23] =	ssyncset.done $0x0  }
0xa4: {  	s25 =	simm.s32 $0x1B8E;
	s24 =	sld [smem:$0x3FFE];
	[sflag:s23] =	ssyncadd.s32 $0xFFFFFFFF  }
0xa5: {  	s26 =	simm.s32 $execute0_lowered;
	[smem:$0x3FD2] =	sst s25  }
0xa6: {  	s5 =	sshll.u32 s26, $0x1;
	_ =	strace $0x80000046;
	[dreg:$0x1] =	wrdreg $0xFFFFFFFF  }
0xa7: {  	s28 =	simm.s32 $_size_execute0_lowered;
	s3 =	sadd.s32 s3, s5;
	[dreg:$0x0] =	wrdreg $0x0  }
0xa8: {  	s5 =	sshll.u32 s28, $0x1;
	[dreg:$0x2] =	wrdreg s3  }
0xa9: {  	[dreg:$0x3] =	wrdreg s5  }
0xaa: {  	[dreg:$0x4] =	wrdreg $0xC0  }
0xab: {  	_ =	task [dreg:s7], $0x5FFFF  }
0xac: {  	[dreg:$0x1] =	wrdreg $0xFFFFFFFF  }
0xad: {  	[dreg:$0x0] =	wrdreg $0x60  }
0xae: {  	[dreg:$0x2] =	wrdreg s2  }
0xaf: {  	[dreg:$0x3] =	wrdreg s24  }
0xb0: {  	[dreg:$0x4] =	wrdreg $0x2BE80  }
0xb1: {  	[dreg:$0x5] =	wrdreg $0x9  }
0xb2: {  	_ =	task.clear_ibuf [dreg:s7], $0x6FFFF;
	_ =	strace $0x90000046  }
0xb3: {  	s29 =	simm.s32 $0x9;
	_ =	strace $0x80000048  }
0xb4: {  	_ =	swait.ge [sflag:s29], $0x1  }
0xb5: {  	[sflag:s29] =	ssyncadd.s32 $0xFFFFFFFF  }
0xb6: {  	_ =	strace $0x90000048  }
0xb7: {  	_ =	sfence  }
0xb8: {  	s30 =	sld [smem:$0x0];
	_ =	sdelay $0x2  }
0xb9: {  	s31 =	sshll.u32 s1, $0xD;
	s1 =	sshrl.u32 s1, $0x2  }
0xba: {  	s3 =	sand.u32 $0x4000, s31;
	s1 =	sadd.s32 s1, s30  }
0xbb: {  	s0 =	sor.u32 s3, s0;
	s1 =	sshll.u32 s1, $0x11  }
0xbc: {  	s0 =	sor.u32 s1, s0  }
0xbd: {  	s0 =	sadd.s32 $0x8F2B, s0  }
0xbe: {  	[sflag:s0] =	ssyncadd.remote.s32 $0x1  }
0xbf: {  	_ =	sfence.sel $0xFFFF  }
0xc0: {  	[dreg:$0x0] =	wrdreg $0xFFFFFFFF;
	(pc) =	sbr.abs _section_cstart, $3  }
0xc1: {  	[dreg:$0x1] =	wrdreg $0xFFFFFFFF  }
0xc2: {  	_ =	task.clear_ibuf [dreg:s7], $0x2FFFF;
	_ =	strace $0x9FFFFFFF  }
0xc3: {  	(tm) =	ssettm $0x7FFFFFFF  }
tec
execute0_lowered:
.L_overlay_start_1:
0x0: {  	(tag) =	ssettag $0x1  }
0x1: {  	s6 =	rddreg [dreg:$0x0]  }
0x2: {  	s7 =	rddreg [dreg:$0x1];
	s1 =	srdreg.scid  }
0x3: {  	s0 =	stileid.u32;
	s2 =	rddreg [dreg:$0x2]  }
0x4: {  	s3 =	simm.s32 $0x0;
	s13 =	simm.s32 $0x7D;
	s14 =	simm.s32 $0x80  }
0x5: {  	s15 =	simm.s32 $0x100;
	s16 =	simm.s32 $0x180;
	s17 =	simm.s32 $0x200  }
0x6: {  	s18 =	simm.s32 $0x1;
	s19 =	simm.s32 $0x2;
	s20 =	simm.s32 $0x3  }
0x7: {  	s21 =	simm.s32 $0x4;
	s22 =	simm.s32 $0x5;
	s23 =	simm.s32 $0x0  }
0x8: {  	s8 =	sand.u32 $0x1, s1;
	s9 =	smul.u32 $0x1400, s0;
	s1 =	rddreg [dreg:$0x3]  }
0x9: {  	[smem:$0x7FF] =	sst s3;
	s11 =	smul.u32 $0x5000, s0;
	s4 =	sadd.s32 $0x2400, s7  }
0xa: {  	s5 =	sadd.s32 $0x2000, s7;
	s31 =	sshll.u32 s0, $0x6;
	s10 =	smul.u32 $0x14000, s8  }
0xb: {  	_ =	strace $0x80000047;
	s12 =	smul.u32 $0x2800, s8;
	s8 =	ssub.s32 $0x2, s8  }
0xc: {  	s29 =	sshrl.u32 s8, $0x1;
	s30 =	sadd.s32 s9, s2;
	s10 =	sadd.s32 s9, s10  }
0xd: {  	s11 =	sadd.s32 s12, s11;
	s8 =	ssub.s32 s8, s29;
	s9 =	simm.s32 $0x6  }
0xe: {  	s12 =	sshrl.u32 s30, $0x3;
	s10 =	sshrl.u32 s10, $0x3;
	s11 =	sshrl.u32 s11, $0x3  }
0xf: {  	s8 =	smax.u32 s8, $0x1;
	s7 =	sadd.s32 s10, s7;
	s6 =	sadd.s32 s6, s11  }
0x10: {  	s10 =	simm.s32 $0x2800;
	s11 =	sor.u32 $0x1C06, s31;
	s7 =	sadd.s32 $0x2600, s7  }
.LBB2_1:
0x11: {  	[tilespmem:s3], [sflag:$0x6] =	stream.linear.gather [hbm4b:s6+s3], $0x2800, $0x38;
	[tilespmem:$0x3FE8] =	vst v63  }
0x12: {  	_ =	swait.ge [sflag:s9], $0x2800  }
0x13: {  	[sflag:s9] =	ssyncset.done $0x0  }
0x14: {  	[sflag:s9] =	ssyncadd.s32 $0xFFFFD800  }
0x15: {  	[tilespmem:s10], [sflag:$0x6] =	stream.linear.gather [hbm4b:s4+s3], $0x3E8, $0x38;
	[tilespmem:$0x3FE8] =	vst v63  }
0x16: {  	_ =	swait.ge [sflag:s9], $0x3E8  }
0x17: {  	[sflag:s9] =	ssyncset.done $0x0  }
0x18: {  	[sflag:s9] =	ssyncadd.s32 $0xFFFFFC18  }
0x19: {  	[spmem:s12], [sflag:s11] =	dma.local [hbm:s5], $0x280  }
0x1a: {  	_ =	swait.ge [sflag:s9], $0x280  }
0x1b: {  	[sflag:s9] =	ssyncset.done $0x0  }
0x1c: {  	[sflag:s9] =	ssyncadd.s32 $0xFFFFFD80  }
0x1d: {  	[bflag:$0x0] =	sbarrier.arrive $0xFFFF  }
0x1e: {  	[spmem:s2] =	stream.indirect.scatter.add.f32 [tilespmem:s10], [sflag:$0x1], $0x8, s3, s13, $0xb8;
	[tilespmem:$0x3FE8] =	vst v63  }
0x1f: {  	_ = 	snop  }
0x20: {  	[spmem:s2] =	stream.indirect.scatter.add.f32 [tilespmem:s10], [sflag:$0x2], $0x8, s14, s13, $0xb8;
	[tilespmem:$0x3FE8] =	vst v63  }
0x21: {  	_ = 	snop  }
0x22: {  	[spmem:s2] =	stream.indirect.scatter.add.f32 [tilespmem:s10], [sflag:$0x3], $0x8, s15, s13, $0xb8;
	[tilespmem:$0x3FE8] =	vst v63  }
0x23: {  	_ = 	snop  }
0x24: {  	[spmem:s2] =	stream.indirect.scatter.add.f32 [tilespmem:s10], [sflag:$0x4], $0x8, s16, s13, $0xb8;
	[tilespmem:$0x3FE8] =	vst v63  }
0x25: {  	_ = 	snop  }
0x26: {  	[spmem:s2] =	stream.indirect.scatter.add.f32 [tilespmem:s10], [sflag:$0x5], $0x8, s17, s13, $0xb8;
	[tilespmem:$0x3FE8] =	vst v63  }
0x27: {  	_ =	swait.ge [sflag:s18], $0x3E8  }
0x28: {  	[sflag:s18] =	ssyncset.done $0x0  }
0x29: {  	s24 =	simm.s32 $0x280;
	[sflag:s18] =	ssyncadd.s32 $0xFFFFFC18  }
0x2a: {  	[spmem:s2] =	stream.indirect.scatter.add.f32 [tilespmem:s10], [sflag:$0x1], $0x8, s24, s13, $0xb8;
	[tilespmem:$0x3FE8] =	vst v63  }
0x2b: {  	_ =	swait.ge [sflag:s19], $0x3E8  }
0x2c: {  	[sflag:s19] =	ssyncset.done $0x0  }
0x2d: {  	s28 =	simm.s32 $0x300;
	[sflag:s19] =	ssyncadd.s32 $0xFFFFFC18  }
0x2e: {  	[spmem:s2] =	stream.indirect.scatter.add.f32 [tilespmem:s10], [sflag:$0x2], $0x8, s28, s13, $0xb8;
	[tilespmem:$0x3FE8] =	vst v63  }
0x2f: {  	_ =	swait.ge [sflag:s20], $0x3E8  }
0x30: {  	[sflag:s20] =	ssyncset.done $0x0  }
0x31: {  	s29 =	simm.s32 $0x380;
	[sflag:s20] =	ssyncadd.s32 $0xFFFFFC18  }
0x32: {  	[spmem:s2] =	stream.indirect.scatter.add.f32 [tilespmem:s10], [sflag:$0x3], $0x8, s29, s13, $0xb8;
	[tilespmem:$0x3FE8] =	vst v63  }
0x33: {  	_ =	swait.ge [sflag:s21], $0x3E8  }
0x34: {  	[sflag:s21] =	ssyncset.done $0x0  }
0x35: {  	s30 =	simm.s32 $0x400;
	[sflag:s21] =	ssyncadd.s32 $0xFFFFFC18  }
0x36: {  	[spmem:s2] =	stream.indirect.scatter.add.f32 [tilespmem:s10], [sflag:$0x4], $0x8, s30, s13, $0xb8;
	[tilespmem:$0x3FE8] =	vst v63  }
0x37: {  	_ =	swait.ge [sflag:s22], $0x3E8  }
0x38: {  	[sflag:s22] =	ssyncset.done $0x0  }
0x39: {  	s31 =	simm.s32 $0x480;
	[sflag:s22] =	ssyncadd.s32 $0xFFFFFC18  }
0x3a: {  	[spmem:s2] =	stream.indirect.scatter.add.f32 [tilespmem:s10], [sflag:$0x5], $0x8, s31, s13, $0xb8;
	[tilespmem:$0x3FE8] =	vst v63  }
0x3b: {  	_ =	swait.ge [sflag:s18], $0x3E8  }
0x3c: {  	s25 =	simm.s32 $0xFFFF7E00;
	s24 =	simm.s32 $0xFFFFDD00;
	[sflag:s18] =	ssyncset.done $0x0  }
.LBB2_2:
0x3d: {  	s26 =	sadd.s32 $0x2800, s24  }
0x3e: {  	[sflag:s18] =	ssyncadd.s32 $0xFFFFFC18;
	s28 =	smov.u32 s25;
	s29 =	sadd.s32 $0xA00, s25  }
0x3f: {  	[spmem:s2] =	stream.indirect.scatter.add.f32 [tilespmem:s10], [sflag:$0x1], $0x8, s26, s13, $0xb8;
	[tilespmem:$0x3FE8] =	vst v63  }
0x40: {  	p0 =	sne.s32 s25, $0xFFFFF600;
	_ =	swait.ge [sflag:s19], $0x3E8  }
0x41: {  	[sflag:s19] =	ssyncset.done $0x0  }
0x42: {  	s25 =	sadd.s32 $0x2880, s24;
	[sflag:s19] =	ssyncadd.s32 $0xFFFFFC18  }
0x43: {  	[spmem:s2] =	stream.indirect.scatter.add.f32 [tilespmem:s10], [sflag:$0x2], $0x8, s25, s13, $0xb8;
	[tilespmem:$0x3FE8] =	vst v63  }
0x44: {  	_ =	swait.ge [sflag:s20], $0x3E8  }
0x45: {  	[sflag:s20] =	ssyncset.done $0x0  }
0x46: {  	s25 =	sadd.s32 $0x2900, s24;
	[sflag:s20] =	ssyncadd.s32 $0xFFFFFC18  }
0x47: {  	[spmem:s2] =	stream.indirect.scatter.add.f32 [tilespmem:s10], [sflag:$0x3], $0x8, s25, s13, $0xb8;
	[tilespmem:$0x3FE8] =	vst v63  }
0x48: {  	_ =	swait.ge [sflag:s21], $0x3E8  }
0x49: {  	[sflag:s21] =	ssyncset.done $0x0  }
0x4a: {  	s25 =	sadd.s32 $0x2980, s24;
	[sflag:s21] =	ssyncadd.s32 $0xFFFFFC18  }
0x4b: {  	[spmem:s2] =	stream.indirect.scatter.add.f32 [tilespmem:s10], [sflag:$0x4], $0x8, s25, s13, $0xb8;
	[tilespmem:$0x3FE8] =	vst v63  }
0x4c: {  	_ =	swait.ge [sflag:s22], $0x3E8  }
.Ltmp0:
0x4d: {  	[sflag:s22] =	ssyncset.done $0x0;
	(pc) =	sbr.rel @p0 .LBB2_2-.Ltmp0, $4  }
0x4e: {  	s24 =	sadd.s32 $0x2A00, s24;
	[sflag:s22] =	ssyncadd.s32 $0xFFFFFC18  }
0x4f: {  	[spmem:s2] =	stream.indirect.scatter.add.f32 [tilespmem:s10], [sflag:$0x5], $0x8, s24, s13, $0xb8;
	[tilespmem:$0x3FE8] =	vst v63  }
0x50: {  	_ =	swait.ge [sflag:s18], $0x3E8  }
0x51: {  	s25 =	smov.u32 s29;
	s24 =	sshra.s32 s28, $0x2;
	[sflag:s18] =	ssyncset.done $0x0  }
0x52: {  	s25 =	sadd.s32 $0x2800, s24;
	[sflag:s18] =	ssyncadd.s32 $0xFFFFFC18  }
0x53: {  	[spmem:s2] =	stream.indirect.scatter.add.f32 [tilespmem:s10], [sflag:$0x1], $0x8, s25, s13, $0xb8;
	[tilespmem:$0x3FE8] =	vst v63  }
0x54: {  	_ =	swait.ge [sflag:s19], $0x3E8  }
0x55: {  	[sflag:s19] =	ssyncset.done $0x0  }
0x56: {  	s28 =	sadd.s32 $0x2880, s24;
	[sflag:s19] =	ssyncadd.s32 $0xFFFFFC18  }
0x57: {  	[spmem:s2] =	stream.indirect.scatter.add.f32 [tilespmem:s10], [sflag:$0x2], $0x8, s28, s13, $0xb8;
	[tilespmem:$0x3FE8] =	vst v63  }
0x58: {  	_ =	swait.ge [sflag:s20], $0x3E8  }
0x59: {  	[sflag:s20] =	ssyncset.done $0x0  }
0x5a: {  	s29 =	sadd.s32 $0x2900, s24;
	[sflag:s20] =	ssyncadd.s32 $0xFFFFFC18  }
0x5b: {  	[spmem:s2] =	stream.indirect.scatter.add.f32 [tilespmem:s10], [sflag:$0x3], $0x8, s29, s13, $0xb8;
	[tilespmem:$0x3FE8] =	vst v63  }
0x5c: {  	_ =	swait.ge [sflag:s21], $0x3E8  }
0x5d: {  	[sflag:s21] =	ssyncset.done $0x0  }
0x5e: {  	s30 =	sadd.s32 $0x2980, s24;
	[sflag:s21] =	ssyncadd.s32 $0xFFFFFC18  }
0x5f: {  	[spmem:s2] =	stream.indirect.scatter.add.f32 [tilespmem:s10], [sflag:$0x4], $0x8, s30, s13, $0xb8;
	[tilespmem:$0x3FE8] =	vst v63  }
0x60: {  	_ =	swait.ge [sflag:s22], $0x3E8  }
0x61: {  	[sflag:s22] =	ssyncset.done $0x0  }
0x62: {  	s31 =	sadd.s32 $0x2A00, s24;
	[sflag:s22] =	ssyncadd.s32 $0xFFFFFC18  }
0x63: {  	[spmem:s2] =	stream.indirect.scatter.add.f32 [tilespmem:s10], [sflag:$0x5], $0x8, s31, s13, $0xb8;
	[tilespmem:$0x3FE8] =	vst v63  }
0x64: {  	_ =	swait.ge [sflag:s18], $0x3E8  }
0x65: {  	[sflag:s18] =	ssyncset.done $0x0  }
0x66: {  	[sflag:s18] =	ssyncadd.s32 $0xFFFFFC18  }
0x67: {  	_ =	swait.ge [sflag:s19], $0x3E8  }
0x68: {  	[sflag:s19] =	ssyncset.done $0x0  }
0x69: {  	[sflag:s19] =	ssyncadd.s32 $0xFFFFFC18  }
0x6a: {  	_ =	swait.ge [sflag:s20], $0x3E8  }
0x6b: {  	[sflag:s20] =	ssyncset.done $0x0  }
0x6c: {  	[sflag:s20] =	ssyncadd.s32 $0xFFFFFC18  }
0x6d: {  	_ =	swait.ge [sflag:s21], $0x3E8  }
0x6e: {  	[sflag:s21] =	ssyncset.done $0x0  }
0x6f: {  	[sflag:s21] =	ssyncadd.s32 $0xFFFFFC18  }
0x70: {  	_ =	swait.ge [sflag:s22], $0x3E8  }
0x71: {  	s23 =	sadd.s32 $0x1, s23;
	[sflag:s22] =	ssyncset.done $0x0  }
0x72: {  	p0 =	sne.s32 s23, s8;
	[sflag:s22] =	ssyncadd.s32 $0xFFFFFC18  }
.Ltmp1:
0x73: {  	[bflag:$0x0] =	sbarrier.arrive $0xFFFF;
	(pc) =	sbr.rel @p0 .LBB2_1-.Ltmp1, $4  }
0x74: {  	[hbm:s7], [sflag:s11] =	dma.local [spmem:s12], $0x280  }
0x75: {  	_ =	swait.ge [sflag:s9], $0x280  }
0x76: {  	[sflag:s9] =	ssyncset.done $0x0  }
0x77: {  	[sflag:s9] =	ssyncadd.s32 $0xFFFFFD80  }
0x78: {  	_ =	sfence.sel $0x180000  }
0x79: {  	[bflag:$0x0] =	sbarrier.arrive $0xFFFF  }
0x7a: {  	p0 =	sne.s32 s0, $0x0;
	_ =	strace $0x90000047  }
0x7b: {  	s0 =	sadd.s32 @!p0 $0x100000, s1;
	[bflag:$0x2] =	sbarrier.arrive $0xFFFF  }
0x7c: {  	[sflag:s0] =	ssyncadd.tile.s32 @!p0 $0x1;
	_ =	shalt  }
.Lfunc_end2:
_tile_overlayer_lowered:
.L_overlay_start_2:
0x7d: {  	(tag) =	ssettag $0x2  }
0x7e: {  	s0 =	rddreg [dreg:$0x0];
	s2 =	stileid.u32  }
0x7f: {  	s1 =	rddreg [dreg:$0x1];
	p0 =	sne.s32 s2, $0x0  }
0x80: {  	s3 =	rddreg [dreg:$0x2];
	[bflag:$0x3] =	sbarrier.arrive $0xFFFF;
	s2 =	simm.s32 @!p0 $0x1C06  }
0x81: {  	[timem:s3], [sflag:s2] =	dma.local @!p0 [hbm:s0], s1  }
0x82: {  	s0 =	simm.s32 @!p0 $0x6  }
0x83: {  	_ =	swait.ge @!p0 [sflag:s0], s1  }
0x84: {  	s1 =	ssub.s32 @!p0 $0x0, s1;
	[sflag:s0] =	ssyncset.done @!p0 $0x0  }
0x85: {  	[sflag:s0] =	ssyncadd.s32 @!p0 s1  }
0x86: {  	[bflag:$0x3] =	sbarrier.arrive $0xFFFF  }
0x87: {  	_ =	shalt  }

</sc_bundles>
